<compile_context>
chip_gen: v7x
topology: tpu7x:2x2x1
jax: 0.10.2.dev20260603
libtpu: 0.0.44.dev20260713+nightly
codegen_flags: <defaults>
</compile_context>

<pallas_src>
import jax
import jax.numpy as jnp
from jax import lax
from jax.experimental import pallas as pl
from jax.experimental.pallas import tpu as pltpu
from jax.experimental.pallas import tpu_sc as plsc

_T = 8192
_E = 256
_G = 8
_EPG = 32
_K = 8
_KG = 4
_SCALE = 2.5

_NW = 32
_TPW = _T // _NW
_PAIRS = _TPW // 2
_WORDS = _TPW * _E

_TC_BLK = 1024


def _tc_body(x_ref, b_ref, o_ref):
  x = x_ref[...]
  s4c = jax.nn.sigmoid(x) + b_ref[...]
  o_ref[...] = s4c.reshape(_TC_BLK * _E // 128, 128)


def _rcp(d):
  r = plsc.bitcast(jnp.int32(0x7EF311C7) - plsc.bitcast(d, jnp.int32),
                   jnp.float32)
  for _ in range(3):
    r = r * (jnp.float32(2.0) - d * r)
  return r


def _merge_top16(ak, av, bk, bv):
  rk = lax.rev(bk, (0,))
  rv = lax.rev(bv, (0,))
  keep = ak >= rk
  hi_k = jnp.where(keep, ak, rk)
  hi_v = jnp.where(keep, av, rv)
  return plsc.sort_key_val(hi_k, hi_v, descending=True)


def _sc_body(s4c_hbm, bias_hbm, w_hbm, id_hbm, buf, bias_v, w_out, id_out):
  c = lax.axis_index("c")
  s = lax.axis_index("s")
  wid = s * 2 + c

  pltpu.sync_copy(bias_hbm, bias_v)
  pltpu.sync_copy(s4c_hbm.at[pl.ds(wid * _WORDS, _WORDS)], buf)

  iota = lax.iota(jnp.int32, 16)
  lane_lt8 = iota < 8
  trans_base = jnp.where(lane_lt8, iota * _EPG,
                         _E + (15 - iota) * _EPG)
  neg_inf = jnp.float32(-jnp.inf)

  @plsc.parallel_loop(0, _PAIRS, unroll=4)
  def pair_body(pair):
    base = pl.multiple_of(pair * (2 * _E), 2 * _E)

    gidx0 = trans_base + base
    m1s, m2s = [], []
    for chunk in range(4):
      m1 = jnp.full((16,), neg_inf, jnp.float32)
      m2 = jnp.full((16,), neg_inf, jnp.float32)
      for j in range(chunk * 8, chunk * 8 + 8):
        x = plsc.load_gather(buf, [gidx0 + j])
        m2 = jnp.maximum(m2, jnp.minimum(m1, x))
        m1 = jnp.maximum(m1, x)
      m1s.append(m1)
      m2s.append(m2)

    def comb(a1, a2, b1, b2):
      return (jnp.maximum(a1, b1),
              jnp.maximum(jnp.minimum(a1, b1), jnp.maximum(a2, b2)))

    x1, x2 = comb(m1s[0], m2s[0], m1s[1], m2s[1])
    y1, y2 = comb(m1s[2], m2s[2], m1s[3], m2s[3])
    g1, g2 = comb(x1, x2, y1, y2)
    gs = g1 + g2

    gs0 = jnp.where(lane_lt8, gs, neg_inf)
    _, v0 = plsc.sort_key_val(gs0, iota, descending=True)
    gs1r = jnp.where(lane_lt8, lax.rev(gs, (0,)), neg_inf)
    _, v1 = plsc.sort_key_val(gs1r, iota, descending=True)
    sel_vals = (v0, v1)

    for tok in range(2):
      tok_base = base + tok * _E
      lvl = []
      for gi in range(_KG):
        g = sel_vals[tok][gi]
        for h in range(2):
          col = g * _EPG + h * 16
          ck = buf[pl.ds(tok_base + col, 16)]
          lvl.append(plsc.sort_key_val(ck, col + iota, descending=True))
      while len(lvl) > 1:
        lvl = [_merge_top16(lvl[i][0], lvl[i][1], lvl[i + 1][0],
                            lvl[i + 1][1]) for i in range(0, len(lvl), 2)]
      fk, fv = lvl[0]
      fv, fk = plsc.sort_key_val(fv, fk, descending=False)
      fk, fv = plsc.sort_key_val(fk, fv, descending=True)
      cur_v = jnp.where(lane_lt8, fv, 0)

      s4c_g = plsc.load_gather(buf, [tok_base + cur_v])
      bias_g = plsc.load_gather(bias_v, [cur_v])
      w = s4c_g - bias_g
      wm = jnp.where(lane_lt8, w, jnp.float32(0.0))
      tot = jnp.sum(wm)
      rn = _rcp(jnp.broadcast_to(tot, (16,)) + jnp.float32(1e-20))
      wfin = wm * rn * jnp.float32(_SCALE)
      out_off = pair * 16 + tok * 8
      plsc.store_compressed(w_out.at[pl.ds(out_off, 16)], wfin,
                            mask=lane_lt8)
      plsc.store_compressed(id_out.at[pl.ds(out_off, 16)], cur_v,
                            mask=lane_lt8)

  out_base = wid * (_TPW * _K)
  pltpu.sync_copy(w_out.at[pl.ds(0, _TPW * _K)],
                  w_hbm.at[pl.ds(out_base, _TPW * _K)])
  pltpu.sync_copy(id_out.at[pl.ds(0, _TPW * _K)],
                  id_hbm.at[pl.ds(out_base, _TPW * _K)])


@jax.jit
def _run(logits, bias):
  s4c = pl.pallas_call(
      _tc_body,
      grid=(_T // _TC_BLK,),
      in_specs=[
          pl.BlockSpec((_TC_BLK, _E), lambda i: (i, 0)),
          pl.BlockSpec((1, _E), lambda i: (0, 0)),
      ],
      out_specs=pl.BlockSpec((_TC_BLK * _E // 128, 128), lambda i: (i, 0)),
      out_shape=jax.ShapeDtypeStruct((_T * _E // 128, 128), jnp.float32),
  )(logits, bias.reshape(1, _E))

  mesh = plsc.VectorSubcoreMesh(core_axis_name="c", subcore_axis_name="s")
  kfn = pl.kernel(
      _sc_body,
      out_type=(
          jax.ShapeDtypeStruct((_T * _K,), jnp.float32),
          jax.ShapeDtypeStruct((_T * _K,), jnp.int32),
      ),
      mesh=mesh,
      compiler_params=pltpu.CompilerParams(needs_layout_passes=False),
      scratch_types=[
          pltpu.VMEM((_WORDS,), jnp.float32),
          pltpu.VMEM((_E,), jnp.float32),
          pltpu.VMEM((_TPW * _K + 16,), jnp.float32),
          pltpu.VMEM((_TPW * _K + 16,), jnp.int32),
      ],
  )
  return kfn(s4c.reshape(-1), bias)


def kernel(router_logits, e_score_correction_bias):
  w, ids = _run(router_logits.astype(jnp.float32),
                e_score_correction_bias.astype(jnp.float32))
  return w.reshape(_T, _K), ids.reshape(_T, _K)

# --- scband reference (transcript-rebuilt; emitter-appended) ---
"""Pipeline reference for scband-noaux-tcrouter-2559800508620 (READ-ONLY COPY).

The authoritative reference and input builder live on the scoring server;
editing this copy changes nothing except your own understanding.
"""

import jax, jax.numpy as jnp
import numpy as np

TOP_K = 8
N_GROUP = 8
TOPK_GROUP = 4
N_EXPERTS = 256
SCALE = 2.5
RENORM = True
EXPERTS_PER_GROUP = N_EXPERTS // N_GROUP


def setup_inputs(seed: int = 0) -> dict:
    key = jax.random.key(seed)
    k1, k2 = jax.random.split(key)
    router_logits = jax.random.normal(k1, (8192, N_EXPERTS), dtype=jnp.float32)
    e_score_correction_bias = jax.random.normal(k2, (N_EXPERTS,), dtype=jnp.float32) * 0.01
    return {"router_logits": router_logits, "e_score_correction_bias": e_score_correction_bias}


def reference(router_logits, e_score_correction_bias):
    # DeepSeek-V3 style no-aux top-k-with-correction (noaux_tc) routing, sigmoid scoring.
    scores = jax.nn.sigmoid(router_logits.astype(jnp.float32))
    scores_for_choice = scores + e_score_correction_bias[None, :].astype(jnp.float32)
    T = scores.shape[0]
    # Group-limited selection: score each group by sum of its top-2 expert scores.
    grouped = scores_for_choice.reshape(T, N_GROUP, EXPERTS_PER_GROUP)
    top2_vals, _ = jax.lax.top_k(grouped, 2)
    group_scores = top2_vals.sum(axis=-1)  # [T, N_GROUP]
    _, group_idx = jax.lax.top_k(group_scores, TOPK_GROUP)  # [T, TOPK_GROUP]
    group_mask = jnp.zeros((T, N_GROUP), dtype=bool).at[jnp.arange(T)[:, None], group_idx].set(True)
    score_mask = jnp.repeat(group_mask, EXPERTS_PER_GROUP, axis=1)  # [T, N_EXPERTS]
    masked_scores = jnp.where(score_mask, scores_for_choice, -jnp.inf)
    # Select top-k experts within allowed groups.
    _, topk_ids = jax.lax.top_k(masked_scores, TOP_K)  # [T, TOP_K]
    # Weights are the ORIGINAL (un-biased) sigmoid scores gathered at selected experts.
    topk_weights = jnp.take_along_axis(scores, topk_ids, axis=1)
    if RENORM:
        topk_weights = topk_weights / (topk_weights.sum(axis=-1, keepdims=True) + 1e-20)
    topk_weights = topk_weights * SCALE
    return topk_weights, topk_ids.astype(jnp.int32)

if __name__ == "__main__":
    import jax
    _d = setup_inputs()
    print(jax.jit(kernel)(*tuple(_d.values())))

</pallas_src>

<mosaic_0001>
#map = affine_map<(d0, d1) -> (0)>
module attributes {stable_mosaic.version = 14 : i64} {
  func.func @_sc_body(%arg0: i32, %arg1: i32, %arg2: memref<2097152xf32, #tpu.memory_space<hbm>>, %arg3: memref<256xf32, #tpu.memory_space<hbm>>, %arg4: memref<65536xf32, #tpu.memory_space<hbm>>, %arg5: memref<65536xi32, #tpu.memory_space<hbm>>, %arg6: memref<65536xf32, #tpu.memory_space<vmem>>, %arg7: memref<256xf32, #tpu.memory_space<vmem>>, %arg8: memref<2064xf32, #tpu.memory_space<vmem>>, %arg9: memref<2064xi32, #tpu.memory_space<vmem>>) attributes {dimension_semantics = [#tpu.dimension_semantics<core_parallel>, #tpu.dimension_semantics<subcore_parallel>], iteration_bounds = array<i64: 2, 16>, scalar_prefetch = 0 : i64, scratch_operands = 4 : i64, tpu.core_type = #tpu.core_type<sc_vector_subcore>, window_params = [{transform_indices = #map}, {transform_indices = #map}, {transform_indices = #map}, {transform_indices = #map}]} {
    %mul3A = arith.constant 2 : i32
    %mul3A_0 = arith.muli %arg1, %mul3A : i32
    %add3A = arith.addi %mul3A_0, %arg0 : i32
    "tpu.region"() ({
      %run_scoped3A = tpu.sem_alloc : memref<!tpu.dma_semaphore, #tpu.memory_space<semaphore_mem>>
      tpu.enqueue_dma source(%arg3 : memref<256xf32, #tpu.memory_space<hbm>>) target(%arg7 : memref<256xf32, #tpu.memory_space<vmem>>) target_semaphore(%run_scoped3A : memref<!tpu.dma_semaphore, #tpu.memory_space<semaphore_mem>>)
      tpu.wait_dma2 semaphore(%run_scoped3A : memref<!tpu.dma_semaphore, #tpu.memory_space<semaphore_mem>>) src(%arg3 : memref<256xf32, #tpu.memory_space<hbm>>) dst(%arg7 : memref<256xf32, #tpu.memory_space<vmem>>)
      tpu.yield
    }) : () -> ()
    %mul3A_1 = arith.constant 65536 : i32
    %mul3A_2 = arith.muli %add3A, %mul3A_1 : i32
    "tpu.region"() ({
      %run_scoped3A = tpu.sem_alloc : memref<!tpu.dma_semaphore, #tpu.memory_space<semaphore_mem>>
      %dma_start3A = tpu.memref_slice %arg2[%mul3A_2] : memref<2097152xf32, #tpu.memory_space<hbm>> -> memref<65536xf32, #tpu.memory_space<hbm>>
      %dma_start3A_21 = tpu.memref_slice %arg2[%mul3A_2] : memref<2097152xf32, #tpu.memory_space<hbm>> -> memref<65536xf32, #tpu.memory_space<hbm>>
      tpu.enqueue_dma source(%dma_start3A_21 : memref<65536xf32, #tpu.memory_space<hbm>>) target(%arg6 : memref<65536xf32, #tpu.memory_space<vmem>>) target_semaphore(%run_scoped3A : memref<!tpu.dma_semaphore, #tpu.memory_space<semaphore_mem>>)
      %dma_wait3A = tpu.memref_slice %arg2[%mul3A_2] : memref<2097152xf32, #tpu.memory_space<hbm>> -> memref<65536xf32, #tpu.memory_space<hbm>>
      %dma_wait3A_22 = tpu.memref_slice %arg2[%mul3A_2] : memref<2097152xf32, #tpu.memory_space<hbm>> -> memref<65536xf32, #tpu.memory_space<hbm>>
      tpu.wait_dma2 semaphore(%run_scoped3A : memref<!tpu.dma_semaphore, #tpu.memory_space<semaphore_mem>>) src(%dma_wait3A_22 : memref<65536xf32, #tpu.memory_space<hbm>>) dst(%arg6 : memref<65536xf32, #tpu.memory_space<vmem>>)
      tpu.yield
    }) : () -> ()
    %iota3A = tpu.iota {dimensions = array<i32: 0>} : vector<16xi32>
    %lt3A = arith.constant 8 : i32
    %lt3A_3 = vector.broadcast %lt3A : i32 to vector<16xi32>
    %lt3A_4 = arith.cmpi slt, %iota3A, %lt3A_3 : vector<16xi32>
    %mul3A_5 = arith.constant 32 : i32
    %mul3A_6 = vector.broadcast %mul3A_5 : i32 to vector<16xi32>
    %mul3A_7 = arith.muli %iota3A, %mul3A_6 : vector<16xi32>
    %sub3A = arith.constant 15 : i32
    %sub3A_8 = vector.broadcast %sub3A : i32 to vector<16xi32>
    %sub3A_9 = arith.subi %sub3A_8, %iota3A : vector<16xi32>
    %mul3A_10 = arith.constant 32 : i32
    %mul3A_11 = vector.broadcast %mul3A_10 : i32 to vector<16xi32>
    %mul3A_12 = arith.muli %sub3A_9, %mul3A_11 : vector<16xi32>
    %add3A_13 = arith.constant 256 : i32
    %add3A_14 = vector.broadcast %add3A_13 : i32 to vector<16xi32>
    %add3A_15 = arith.addi %add3A_14, %mul3A_12 : vector<16xi32>
    %select_n3A = arith.select %lt3A_4, %mul3A_7, %add3A_15 : vector<16xi1>, vector<16xi32>
    %parallel_loop3A = arith.constant 0 : i32
    %parallel_loop3A_16 = arith.constant 128 : i32
    %parallel_loop3A_17 = arith.constant 1 : i32
    %parallel_loop3A_18 = arith.constant 0xFF800000 : f32
    scf.for %parallel_loop3A_21 = %parallel_loop3A to %parallel_loop3A_16 step %parallel_loop3A_17  : i32 {
      %parallel_loop3A_22 = arith.constant 512 : i32
      %parallel_loop3A_23 = arith.muli %parallel_loop3A_21, %parallel_loop3A_22 : i32
      %parallel_loop3A_24 = tpu.assume_multiple %parallel_loop3A_23, 512 : i32
      %parallel_loop3A_25 = vector.broadcast %parallel_loop3A_24 : i32 to vector<16xi32>
      %parallel_loop3A_26 = arith.addi %select_n3A, %parallel_loop3A_25 : vector<16xi32>
      %parallel_loop3A_27 = vector.broadcast %parallel_loop3A_18 : f32 to vector<16xf32>
      %parallel_loop3A_28 = vector.broadcast %parallel_loop3A_18 : f32 to vector<16xf32>
      %parallel_loop3A_29 = arith.constant 0 : i32
      %parallel_loop3A_30 = vector.broadcast %parallel_loop3A_29 : i32 to vector<16xi32>
      %parallel_loop3A_31 = arith.addi %parallel_loop3A_26, %parallel_loop3A_30 : vector<16xi32>
      %parallel_loop3A_32 = tpu.vector_load_idx %arg6[%parallel_loop3A_31] : memref<65536xf32, #tpu.memory_space<vmem>>[vector<16xi32>], vector<16xf32>,
      %parallel_loop3A_33 = arith.minimumf %parallel_loop3A_27, %parallel_loop3A_32 : vector<16xf32>
      %parallel_loop3A_34 = arith.maximumf %parallel_loop3A_28, %parallel_loop3A_33 : vector<16xf32>
      %parallel_loop3A_35 = arith.maximumf %parallel_loop3A_27, %parallel_loop3A_32 : vector<16xf32>
      %parallel_loop3A_36 = arith.constant 1 : i32
      %parallel_loop3A_37 = vector.broadcast %parallel_loop3A_36 : i32 to vector<16xi32>
      %parallel_loop3A_38 = arith.addi %parallel_loop3A_26, %parallel_loop3A_37 : vector<16xi32>
      %parallel_loop3A_39 = tpu.vector_load_idx %arg6[%parallel_loop3A_38] : memref<65536xf32, #tpu.memory_space<vmem>>[vector<16xi32>], vector<16xf32>,
      %parallel_loop3A_40 = arith.minimumf %parallel_loop3A_35, %parallel_loop3A_39 : vector<16xf32>
      %parallel_loop3A_41 = arith.maximumf %parallel_loop3A_34, %parallel_loop3A_40 : vector<16xf32>
      %parallel_loop3A_42 = arith.maximumf %parallel_loop3A_35, %parallel_loop3A_39 : vector<16xf32>
      %parallel_loop3A_43 = arith.constant 2 : i32
      %parallel_loop3A_44 = vector.broadcast %parallel_loop3A_43 : i32 to vector<16xi32>
      %parallel_loop3A_45 = arith.addi %parallel_loop3A_26, %parallel_loop3A_44 : vector<16xi32>
      %parallel_loop3A_46 = tpu.vector_load_idx %arg6[%parallel_loop3A_45] : memref<65536xf32, #tpu.memory_space<vmem>>[vector<16xi32>], vector<16xf32>,
      %parallel_loop3A_47 = arith.minimumf %parallel_loop3A_42, %parallel_loop3A_46 : vector<16xf32>
      %parallel_loop3A_48 = arith.maximumf %parallel_loop3A_41, %parallel_loop3A_47 : vector<16xf32>
      %parallel_loop3A_49 = arith.maximumf %parallel_loop3A_42, %parallel_loop3A_46 : vector<16xf32>
      %parallel_loop3A_50 = arith.constant 3 : i32
      %parallel_loop3A_51 = vector.broadcast %parallel_loop3A_50 : i32 to vector<16xi32>
      %parallel_loop3A_52 = arith.addi %parallel_loop3A_26, %parallel_loop3A_51 : vector<16xi32>
      %parallel_loop3A_53 = tpu.vector_load_idx %arg6[%parallel_loop3A_52] : memref<65536xf32, #tpu.memory_space<vmem>>[vector<16xi32>], vector<16xf32>,
      %parallel_loop3A_54 = arith.minimumf %parallel_loop3A_49, %parallel_loop3A_53 : vector<16xf32>
      %parallel_loop3A_55 = arith.maximumf %parallel_loop3A_48, %parallel_loop3A_54 : vector<16xf32>
      %parallel_loop3A_56 = arith.maximumf %parallel_loop3A_49, %parallel_loop3A_53 : vector<16xf32>
      %parallel_loop3A_57 = arith.constant 4 : i32
      %parallel_loop3A_58 = vector.broadcast %parallel_loop3A_57 : i32 to vector<16xi32>
      %parallel_loop3A_59 = arith.addi %parallel_loop3A_26, %parallel_loop3A_58 : vector<16xi32>
      %parallel_loop3A_60 = tpu.vector_load_idx %arg6[%parallel_loop3A_59] : memref<65536xf32, #tpu.memory_space<vmem>>[vector<16xi32>], vector<16xf32>,
      %parallel_loop3A_61 = arith.minimumf %parallel_loop3A_56, %parallel_loop3A_60 : vector<16xf32>
      %parallel_loop3A_62 = arith.maximumf %parallel_loop3A_55, %parallel_loop3A_61 : vector<16xf32>
      %parallel_loop3A_63 = arith.maximumf %parallel_loop3A_56, %parallel_loop3A_60 : vector<16xf32>
      %parallel_loop3A_64 = arith.constant 5 : i32
      %parallel_loop3A_65 = vector.broadcast %parallel_loop3A_64 : i32 to vector<16xi32>
      %parallel_loop3A_66 = arith.addi %parallel_loop3A_26, %parallel_loop3A_65 : vector<16xi32>
      %parallel_loop3A_67 = tpu.vector_load_idx %arg6[%parallel_loop3A_66] : memref<65536xf32, #tpu.memory_space<vmem>>[vector<16xi32>], vector<16xf32>,
      %parallel_loop3A_68 = arith.minimumf %parallel_loop3A_63, %parallel_loop3A_67 : vector<16xf32>
      %parallel_loop3A_69 = arith.maximumf %parallel_loop3A_62, %parallel_loop3A_68 : vector<16xf32>
      %parallel_loop3A_70 = arith.maximumf %parallel_loop3A_63, %parallel_loop3A_67 : vector<16xf32>
      %parallel_loop3A_71 = arith.constant 6 : i32
      %parallel_loop3A_72 = vector.broadcast %parallel_loop3A_71 : i32 to vector<16xi32>
      %parallel_loop3A_73 = arith.addi %parallel_loop3A_26, %parallel_loop3A_72 : vector<16xi32>
      %parallel_loop3A_74 = tpu.vector_load_idx %arg6[%parallel_loop3A_73] : memref<65536xf32, #tpu.memory_space<vmem>>[vector<16xi32>], vector<16xf32>,
      %parallel_loop3A_75 = arith.minimumf %parallel_loop3A_70, %parallel_loop3A_74 : vector<16xf32>
      %parallel_loop3A_76 = arith.maximumf %parallel_loop3A_69, %parallel_loop3A_75 : vector<16xf32>
      %parallel_loop3A_77 = arith.maximumf %parallel_loop3A_70, %parallel_loop3A_74 : vector<16xf32>
      %parallel_loop3A_78 = arith.constant 7 : i32
      %parallel_loop3A_79 = vector.broadcast %parallel_loop3A_78 : i32 to vector<16xi32>
      %parallel_loop3A_80 = arith.addi %parallel_loop3A_26, %parallel_loop3A_79 : vector<16xi32>
      %parallel_loop3A_81 = tpu.vector_load_idx %arg6[%parallel_loop3A_80] : memref<65536xf32, #tpu.memory_space<vmem>>[vector<16xi32>], vector<16xf32>,
      %parallel_loop3A_82 = arith.minimumf %parallel_loop3A_77, %parallel_loop3A_81 : vector<16xf32>
      %parallel_loop3A_83 = arith.maximumf %parallel_loop3A_76, %parallel_loop3A_82 : vector<16xf32>
      %parallel_loop3A_84 = arith.maximumf %parallel_loop3A_77, %parallel_loop3A_81 : vector<16xf32>
      %parallel_loop3A_85 = vector.broadcast %parallel_loop3A_18 : f32 to vector<16xf32>
      %parallel_loop3A_86 = vector.broadcast %parallel_loop3A_18 : f32 to vector<16xf32>
      %parallel_loop3A_87 = arith.constant 8 : i32
      %parallel_loop3A_88 = vector.broadcast %parallel_loop3A_87 : i32 to vector<16xi32>
      %parallel_loop3A_89 = arith.addi %parallel_loop3A_26, %parallel_loop3A_88 : vector<16xi32>
      %parallel_loop3A_90 = tpu.vector_load_idx %arg6[%parallel_loop3A_89] : memref<65536xf32, #tpu.memory_space<vmem>>[vector<16xi32>], vector<16xf32>,
      %parallel_loop3A_91 = arith.minimumf %parallel_loop3A_85, %parallel_loop3A_90 : vector<16xf32>
      %parallel_loop3A_92 = arith.maximumf %parallel_loop3A_86, %parallel_loop3A_91 : vector<16xf32>
      %parallel_loop3A_93 = arith.maximumf %parallel_loop3A_85, %parallel_loop3A_90 : vector<16xf32>
      %parallel_loop3A_94 = arith.constant 9 : i32
      %parallel_loop3A_95 = vector.broadcast %parallel_loop3A_94 : i32 to vector<16xi32>
      %parallel_loop3A_96 = arith.addi %parallel_loop3A_26, %parallel_loop3A_95 : vector<16xi32>
      %parallel_loop3A_97 = tpu.vector_load_idx %arg6[%parallel_loop3A_96] : memref<65536xf32, #tpu.memory_space<vmem>>[vector<16xi32>], vector<16xf32>,
      %parallel_loop3A_98 = arith.minimumf %parallel_loop3A_93, %parallel_loop3A_97 : vector<16xf32>
      %parallel_loop3A_99 = arith.maximumf %parallel_loop3A_92, %parallel_loop3A_98 : vector<16xf32>
      %parallel_loop3A_100 = arith.maximumf %parallel_loop3A_93, %parallel_loop3A_97 : vector<16xf32>
      %parallel_loop3A_101 = arith.constant 10 : i32
      %parallel_loop3A_102 = vector.broadcast %parallel_loop3A_101 : i32 to vector<16xi32>
      %parallel_loop3A_103 = arith.addi %parallel_loop3A_26, %parallel_loop3A_102 : vector<16xi32>
      %parallel_loop3A_104 = tpu.vector_load_idx %arg6[%parallel_loop3A_103] : memref<65536xf32, #tpu.memory_space<vmem>>[vector<16xi32>], vector<16xf32>,
      %parallel_loop3A_105 = arith.minimumf %parallel_loop3A_100, %parallel_loop3A_104 : vector<16xf32>
      %parallel_loop3A_106 = arith.maximumf %parallel_loop3A_99, %parallel_loop3A_105 : vector<16xf32>
      %parallel_loop3A_107 = arith.maximumf %parallel_loop3A_100, %parallel_loop3A_104 : vector<16xf32>
      %parallel_loop3A_108 = arith.constant 11 : i32
      %parallel_loop3A_109 = vector.broadcast %parallel_loop3A_108 : i32 to vector<16xi32>
      %parallel_loop3A_110 = arith.addi %parallel_loop3A_26, %parallel_loop3A_109 : vector<16xi32>
      %parallel_loop3A_111 = tpu.vector_load_idx %arg6[%parallel_loop3A_110] : memref<65536xf32, #tpu.memory_space<vmem>>[vector<16xi32>], vector<16xf32>,
      %parallel_loop3A_112 = arith.minimumf %parallel_loop3A_107, %parallel_loop3A_111 : vector<16xf32>
      %parallel_loop3A_113 = arith.maximumf %parallel_loop3A_106, %parallel_loop3A_112 : vector<16xf32>
      %parallel_loop3A_114 = arith.maximumf %parallel_loop3A_107, %parallel_loop3A_111 : vector<16xf32>
      %parallel_loop3A_115 = arith.constant 12 : i32
      %parallel_loop3A_116 = vector.broadcast %parallel_loop3A_115 : i32 to vector<16xi32>
      %parallel_loop3A_117 = arith.addi %parallel_loop3A_26, %parallel_loop3A_116 : vector<16xi32>
      %parallel_loop3A_118 = tpu.vector_load_idx %arg6[%parallel_loop3A_117] : memref<65536xf32, #tpu.memory_space<vmem>>[vector<16xi32>], vector<16xf32>,
      %parallel_loop3A_119 = arith.minimumf %parallel_loop3A_114, %parallel_loop3A_118 : vector<16xf32>
      %parallel_loop3A_120 = arith.maximumf %parallel_loop3A_113, %parallel_loop3A_119 : vector<16xf32>
      %parallel_loop3A_121 = arith.maximumf %parallel_loop3A_114, %parallel_loop3A_118 : vector<16xf32>
      %parallel_loop3A_122 = arith.constant 13 : i32
      %parallel_loop3A_123 = vector.broadcast %parallel_loop3A_122 : i32 to vector<16xi32>
      %parallel_loop3A_124 = arith.addi %parallel_loop3A_26, %parallel_loop3A_123 : vector<16xi32>
      %parallel_loop3A_125 = tpu.vector_load_idx %arg6[%parallel_loop3A_124] : memref<65536xf32, #tpu.memory_space<vmem>>[vector<16xi32>], vector<16xf32>,
      %parallel_loop3A_126 = arith.minimumf %parallel_loop3A_121, %parallel_loop3A_125 : vector<16xf32>
      %parallel_loop3A_127 = arith.maximumf %parallel_loop3A_120, %parallel_loop3A_126 : vector<16xf32>
      %parallel_loop3A_128 = arith.maximumf %parallel_loop3A_121, %parallel_loop3A_125 : vector<16xf32>
      %parallel_loop3A_129 = arith.constant 14 : i32
      %parallel_loop3A_130 = vector.broadcast %parallel_loop3A_129 : i32 to vector<16xi32>
      %parallel_loop3A_131 = arith.addi %parallel_loop3A_26, %parallel_loop3A_130 : vector<16xi32>
      %parallel_loop3A_132 = tpu.vector_load_idx %arg6[%parallel_loop3A_131] : memref<65536xf32, #tpu.memory_space<vmem>>[vector<16xi32>], vector<16xf32>,
      %parallel_loop3A_133 = arith.minimumf %parallel_loop3A_128, %parallel_loop3A_132 : vector<16xf32>
      %parallel_loop3A_134 = arith.maximumf %parallel_loop3A_127, %parallel_loop3A_133 : vector<16xf32>
      %parallel_loop3A_135 = arith.maximumf %parallel_loop3A_128, %parallel_loop3A_132 : vector<16xf32>
      %parallel_loop3A_136 = arith.constant 15 : i32
      %parallel_loop3A_137 = vector.broadcast %parallel_loop3A_136 : i32 to vector<16xi32>
      %parallel_loop3A_138 = arith.addi %parallel_loop3A_26, %parallel_loop3A_137 : vector<16xi32>
      %parallel_loop3A_139 = tpu.vector_load_idx %arg6[%parallel_loop3A_138] : memref<65536xf32, #tpu.memory_space<vmem>>[vector<16xi32>], vector<16xf32>,
      %parallel_loop3A_140 = arith.minimumf %parallel_loop3A_135, %parallel_loop3A_139 : vector<16xf32>
      %parallel_loop3A_141 = arith.maximumf %parallel_loop3A_134, %parallel_loop3A_140 : vector<16xf32>
      %parallel_loop3A_142 = arith.maximumf %parallel_loop3A_135, %parallel_loop3A_139 : vector<16xf32>
      %parallel_loop3A_143 = vector.broadcast %parallel_loop3A_18 : f32 to vector<16xf32>
      %parallel_loop3A_144 = vector.broadcast %parallel_loop3A_18 : f32 to vector<16xf32>
      %parallel_loop3A_145 = arith.constant 16 : i32
      %parallel_loop3A_146 = vector.broadcast %parallel_loop3A_145 : i32 to vector<16xi32>
      %parallel_loop3A_147 = arith.addi %parallel_loop3A_26, %parallel_loop3A_146 : vector<16xi32>
      %parallel_loop3A_148 = tpu.vector_load_idx %arg6[%parallel_loop3A_147] : memref<65536xf32, #tpu.memory_space<vmem>>[vector<16xi32>], vector<16xf32>,
      %parallel_loop3A_149 = arith.minimumf %parallel_loop3A_143, %parallel_loop3A_148 : vector<16xf32>
      %parallel_loop3A_150 = arith.maximumf %parallel_loop3A_144, %parallel_loop3A_149 : vector<16xf32>
      %parallel_loop3A_151 = arith.maximumf %parallel_loop3A_143, %parallel_loop3A_148 : vector<16xf32>
      %parallel_loop3A_152 = arith.constant 17 : i32
      %parallel_loop3A_153 = vector.broadcast %parallel_loop3A_152 : i32 to vector<16xi32>
      %parallel_loop3A_154 = arith.addi %parallel_loop3A_26, %parallel_loop3A_153 : vector<16xi32>
      %parallel_loop3A_155 = tpu.vector_load_idx %arg6[%parallel_loop3A_154] : memref<65536xf32, #tpu.memory_space<vmem>>[vector<16xi32>], vector<16xf32>,
      %parallel_loop3A_156 = arith.minimumf %parallel_loop3A_151, %parallel_loop3A_155 : vector<16xf32>
      %parallel_loop3A_157 = arith.maximumf %parallel_loop3A_150, %parallel_loop3A_156 : vector<16xf32>
      %parallel_loop3A_158 = arith.maximumf %parallel_loop3A_151, %parallel_loop3A_155 : vector<16xf32>
      %parallel_loop3A_159 = arith.constant 18 : i32
      %parallel_loop3A_160 = vector.broadcast %parallel_loop3A_159 : i32 to vector<16xi32>
      %parallel_loop3A_161 = arith.addi %parallel_loop3A_26, %parallel_loop3A_160 : vector<16xi32>
      %parallel_loop3A_162 = tpu.vector_load_idx %arg6[%parallel_loop3A_161] : memref<65536xf32, #tpu.memory_space<vmem>>[vector<16xi32>], vector<16xf32>,
      %parallel_loop3A_163 = arith.minimumf %parallel_loop3A_158, %parallel_loop3A_162 : vector<16xf32>
      %parallel_loop3A_164 = arith.maximumf %parallel_loop3A_157, %parallel_loop3A_163 : vector<16xf32>
      %parallel_loop3A_165 = arith.maximumf %parallel_loop3A_158, %parallel_loop3A_162 : vector<16xf32>
      %parallel_loop3A_166 = arith.constant 19 : i32
      %parallel_loop3A_167 = vector.broadcast %parallel_loop3A_166 : i32 to vector<16xi32>
      %parallel_loop3A_168 = arith.addi %parallel_loop3A_26, %parallel_loop3A_167 : vector<16xi32>
      %parallel_loop3A_169 = tpu.vector_load_idx %arg6[%parallel_loop3A_168] : memref<65536xf32, #tpu.memory_space<vmem>>[vector<16xi32>], vector<16xf32>,
      %parallel_loop3A_170 = arith.minimumf %parallel_loop3A_165, %parallel_loop3A_169 : vector<16xf32>
      %parallel_loop3A_171 = arith.maximumf %parallel_loop3A_164, %parallel_loop3A_170 : vector<16xf32>
      %parallel_loop3A_172 = arith.maximumf %parallel_loop3A_165, %parallel_loop3A_169 : vector<16xf32>
      %parallel_loop3A_173 = arith.constant 20 : i32
      %parallel_loop3A_174 = vector.broadcast %parallel_loop3A_173 : i32 to vector<16xi32>
      %parallel_loop3A_175 = arith.addi %parallel_loop3A_26, %parallel_loop3A_174 : vector<16xi32>
      %parallel_loop3A_176 = tpu.vector_load_idx %arg6[%parallel_loop3A_175] : memref<65536xf32, #tpu.memory_space<vmem>>[vector<16xi32>], vector<16xf32>,
      %parallel_loop3A_177 = arith.minimumf %parallel_loop3A_172, %parallel_loop3A_176 : vector<16xf32>
      %parallel_loop3A_178 = arith.maximumf %parallel_loop3A_171, %parallel_loop3A_177 : vector<16xf32>
      %parallel_loop3A_179 = arith.maximumf %parallel_loop3A_172, %parallel_loop3A_176 : vector<16xf32>
      %parallel_loop3A_180 = arith.constant 21 : i32
      %parallel_loop3A_181 = vector.broadcast %parallel_loop3A_180 : i32 to vector<16xi32>
      %parallel_loop3A_182 = arith.addi %parallel_loop3A_26, %parallel_loop3A_181 : vector<16xi32>
      %parallel_loop3A_183 = tpu.vector_load_idx %arg6[%parallel_loop3A_182] : memref<65536xf32, #tpu.memory_space<vmem>>[vector<16xi32>], vector<16xf32>,
      %parallel_loop3A_184 = arith.minimumf %parallel_loop3A_179, %parallel_loop3A_183 : vector<16xf32>
      %parallel_loop3A_185 = arith.maximumf %parallel_loop3A_178, %parallel_loop3A_184 : vector<16xf32>
      %parallel_loop3A_186 = arith.maximumf %parallel_loop3A_179, %parallel_loop3A_183 : vector<16xf32>
      %parallel_loop3A_187 = arith.constant 22 : i32
      %parallel_loop3A_188 = vector.broadcast %parallel_loop3A_187 : i32 to vector<16xi32>
      %parallel_loop3A_189 = arith.addi %parallel_loop3A_26, %parallel_loop3A_188 : vector<16xi32>
      %parallel_loop3A_190 = tpu.vector_load_idx %arg6[%parallel_loop3A_189] : memref<65536xf32, #tpu.memory_space<vmem>>[vector<16xi32>], vector<16xf32>,
      %parallel_loop3A_191 = arith.minimumf %parallel_loop3A_186, %parallel_loop3A_190 : vector<16xf32>
      %parallel_loop3A_192 = arith.maximumf %parallel_loop3A_185, %parallel_loop3A_191 : vector<16xf32>
      %parallel_loop3A_193 = arith.maximumf %parallel_loop3A_186, %parallel_loop3A_190 : vector<16xf32>
      %parallel_loop3A_194 = arith.constant 23 : i32
      %parallel_loop3A_195 = vector.broadcast %parallel_loop3A_194 : i32 to vector<16xi32>
      %parallel_loop3A_196 = arith.addi %parallel_loop3A_26, %parallel_loop3A_195 : vector<16xi32>
      %parallel_loop3A_197 = tpu.vector_load_idx %arg6[%parallel_loop3A_196] : memref<65536xf32, #tpu.memory_space<vmem>>[vector<16xi32>], vector<16xf32>,
      %parallel_loop3A_198 = arith.minimumf %parallel_loop3A_193, %parallel_loop3A_197 : vector<16xf32>
      %parallel_loop3A_199 = arith.maximumf %parallel_loop3A_192, %parallel_loop3A_198 : vector<16xf32>
      %parallel_loop3A_200 = arith.maximumf %parallel_loop3A_193, %parallel_loop3A_197 : vector<16xf32>
      %parallel_loop3A_201 = vector.broadcast %parallel_loop3A_18 : f32 to vector<16xf32>
      %parallel_loop3A_202 = vector.broadcast %parallel_loop3A_18 : f32 to vector<16xf32>
      %parallel_loop3A_203 = arith.constant 24 : i32
      %parallel_loop3A_204 = vector.broadcast %parallel_loop3A_203 : i32 to vector<16xi32>
      %parallel_loop3A_205 = arith.addi %parallel_loop3A_26, %parallel_loop3A_204 : vector<16xi32>
      %parallel_loop3A_206 = tpu.vector_load_idx %arg6[%parallel_loop3A_205] : memref<65536xf32, #tpu.memory_space<vmem>>[vector<16xi32>], vector<16xf32>,
      %parallel_loop3A_207 = arith.minimumf %parallel_loop3A_201, %parallel_loop3A_206 : vector<16xf32>
      %parallel_loop3A_208 = arith.maximumf %parallel_loop3A_202, %parallel_loop3A_207 : vector<16xf32>
      %parallel_loop3A_209 = arith.maximumf %parallel_loop3A_201, %parallel_loop3A_206 : vector<16xf32>
      %parallel_loop3A_210 = arith.constant 25 : i32
      %parallel_loop3A_211 = vector.broadcast %parallel_loop3A_210 : i32 to vector<16xi32>
      %parallel_loop3A_212 = arith.addi %parallel_loop3A_26, %parallel_loop3A_211 : vector<16xi32>
      %parallel_loop3A_213 = tpu.vector_load_idx %arg6[%parallel_loop3A_212] : memref<65536xf32, #tpu.memory_space<vmem>>[vector<16xi32>], vector<16xf32>,
      %parallel_loop3A_214 = arith.minimumf %parallel_loop3A_209, %parallel_loop3A_213 : vector<16xf32>
      %parallel_loop3A_215 = arith.maximumf %parallel_loop3A_208, %parallel_loop3A_214 : vector<16xf32>
      %parallel_loop3A_216 = arith.maximumf %parallel_loop3A_209, %parallel_loop3A_213 : vector<16xf32>
      %parallel_loop3A_217 = arith.constant 26 : i32
      %parallel_loop3A_218 = vector.broadcast %parallel_loop3A_217 : i32 to vector<16xi32>
      %parallel_loop3A_219 = arith.addi %parallel_loop3A_26, %parallel_loop3A_218 : vector<16xi32>
      %parallel_loop3A_220 = tpu.vector_load_idx %arg6[%parallel_loop3A_219] : memref<65536xf32, #tpu.memory_space<vmem>>[vector<16xi32>], vector<16xf32>,
      %parallel_loop3A_221 = arith.minimumf %parallel_loop3A_216, %parallel_loop3A_220 : vector<16xf32>
      %parallel_loop3A_222 = arith.maximumf %parallel_loop3A_215, %parallel_loop3A_221 : vector<16xf32>
      %parallel_loop3A_223 = arith.maximumf %parallel_loop3A_216, %parallel_loop3A_220 : vector<16xf32>
      %parallel_loop3A_224 = arith.constant 27 : i32
      %parallel_loop3A_225 = vector.broadcast %parallel_loop3A_224 : i32 to vector<16xi32>
      %parallel_loop3A_226 = arith.addi %parallel_loop3A_26, %parallel_loop3A_225 : vector<16xi32>
      %parallel_loop3A_227 = tpu.vector_load_idx %arg6[%parallel_loop3A_226] : memref<65536xf32, #tpu.memory_space<vmem>>[vector<16xi32>], vector<16xf32>,
      %parallel_loop3A_228 = arith.minimumf %parallel_loop3A_223, %parallel_loop3A_227 : vector<16xf32>
      %parallel_loop3A_229 = arith.maximumf %parallel_loop3A_222, %parallel_loop3A_228 : vector<16xf32>
      %parallel_loop3A_230 = arith.maximumf %parallel_loop3A_223, %parallel_loop3A_227 : vector<16xf32>
      %parallel_loop3A_231 = arith.constant 28 : i32
      %parallel_loop3A_232 = vector.broadcast %parallel_loop3A_231 : i32 to vector<16xi32>
      %parallel_loop3A_233 = arith.addi %parallel_loop3A_26, %parallel_loop3A_232 : vector<16xi32>
      %parallel_loop3A_234 = tpu.vector_load_idx %arg6[%parallel_loop3A_233] : memref<65536xf32, #tpu.memory_space<vmem>>[vector<16xi32>], vector<16xf32>,
      %parallel_loop3A_235 = arith.minimumf %parallel_loop3A_230, %parallel_loop3A_234 : vector<16xf32>
      %parallel_loop3A_236 = arith.maximumf %parallel_loop3A_229, %parallel_loop3A_235 : vector<16xf32>
      %parallel_loop3A_237 = arith.maximumf %parallel_loop3A_230, %parallel_loop3A_234 : vector<16xf32>
      %parallel_loop3A_238 = arith.constant 29 : i32
      %parallel_loop3A_239 = vector.broadcast %parallel_loop3A_238 : i32 to vector<16xi32>
      %parallel_loop3A_240 = arith.addi %parallel_loop3A_26, %parallel_loop3A_239 : vector<16xi32>
      %parallel_loop3A_241 = tpu.vector_load_idx %arg6[%parallel_loop3A_240] : memref<65536xf32, #tpu.memory_space<vmem>>[vector<16xi32>], vector<16xf32>,
      %parallel_loop3A_242 = arith.minimumf %parallel_loop3A_237, %parallel_loop3A_241 : vector<16xf32>
      %parallel_loop3A_243 = arith.maximumf %parallel_loop3A_236, %parallel_loop3A_242 : vector<16xf32>
      %parallel_loop3A_244 = arith.maximumf %parallel_loop3A_237, %parallel_loop3A_241 : vector<16xf32>
      %parallel_loop3A_245 = arith.constant 30 : i32
      %parallel_loop3A_246 = vector.broadcast %parallel_loop3A_245 : i32 to vector<16xi32>
      %parallel_loop3A_247 = arith.addi %parallel_loop3A_26, %parallel_loop3A_246 : vector<16xi32>
      %parallel_loop3A_248 = tpu.vector_load_idx %arg6[%parallel_loop3A_247] : memref<65536xf32, #tpu.memory_space<vmem>>[vector<16xi32>], vector<16xf32>,
      %parallel_loop3A_249 = arith.minimumf %parallel_loop3A_244, %parallel_loop3A_248 : vector<16xf32>
      %parallel_loop3A_250 = arith.maximumf %parallel_loop3A_243, %parallel_loop3A_249 : vector<16xf32>
      %parallel_loop3A_251 = arith.maximumf %parallel_loop3A_244, %parallel_loop3A_248 : vector<16xf32>
      %parallel_loop3A_252 = arith.constant 31 : i32
      %parallel_loop3A_253 = vector.broadcast %parallel_loop3A_252 : i32 to vector<16xi32>
      %parallel_loop3A_254 = arith.addi %parallel_loop3A_26, %parallel_loop3A_253 : vector<16xi32>
      %parallel_loop3A_255 = tpu.vector_load_idx %arg6[%parallel_loop3A_254] : memref<65536xf32, #tpu.memory_space<vmem>>[vector<16xi32>], vector<16xf32>,
      %parallel_loop3A_256 = arith.minimumf %parallel_loop3A_251, %parallel_loop3A_255 : vector<16xf32>
      %parallel_loop3A_257 = arith.maximumf %parallel_loop3A_250, %parallel_loop3A_256 : vector<16xf32>
      %parallel_loop3A_258 = arith.maximumf %parallel_loop3A_251, %parallel_loop3A_255 : vector<16xf32>
      %parallel_loop3A_259 = arith.maximumf %parallel_loop3A_84, %parallel_loop3A_142 : vector<16xf32>
      %parallel_loop3A_260 = arith.minimumf %parallel_loop3A_84, %parallel_loop3A_142 : vector<16xf32>
      %parallel_loop3A_261 = arith.maximumf %parallel_loop3A_83, %parallel_loop3A_141 : vector<16xf32>
      %parallel_loop3A_262 = arith.maximumf %parallel_loop3A_260, %parallel_loop3A_261 : vector<16xf32>
      %parallel_loop3A_263 = arith.maximumf %parallel_loop3A_200, %parallel_loop3A_258 : vector<16xf32>
      %parallel_loop3A_264 = arith.minimumf %parallel_loop3A_200, %parallel_loop3A_258 : vector<16xf32>
      %parallel_loop3A_265 = arith.maximumf %parallel_loop3A_199, %parallel_loop3A_257 : vector<16xf32>
      %parallel_loop3A_266 = arith.maximumf %parallel_loop3A_264, %parallel_loop3A_265 : vector<16xf32>
      %parallel_loop3A_267 = arith.maximumf %parallel_loop3A_259, %parallel_loop3A_263 : vector<16xf32>
      %parallel_loop3A_268 = arith.minimumf %parallel_loop3A_259, %parallel_loop3A_263 : vector<16xf32>
      %parallel_loop3A_269 = arith.maximumf %parallel_loop3A_262, %parallel_loop3A_266 : vector<16xf32>
      %parallel_loop3A_270 = arith.maximumf %parallel_loop3A_268, %parallel_loop3A_269 : vector<16xf32>
      %parallel_loop3A_271 = arith.addf %parallel_loop3A_267, %parallel_loop3A_270 : vector<16xf32>
      %parallel_loop3A_272 = vector.broadcast %parallel_loop3A_18 : f32 to vector<16xf32>
      %parallel_loop3A_273 = arith.select %lt3A_4, %parallel_loop3A_271, %parallel_loop3A_272 : vector<16xi1>, vector<16xf32>
      %parallel_loop3A_274 = arith.constant dense<true> : vector<16xi1>
      %parallel_loop3A_275, %parallel_loop3A_276, %parallel_loop3A_277 = tpu.sort %parallel_loop3A_273, %iota3A masked %parallel_loop3A_274 {descending = true} : (vector<16xf32>, vector<16xi32>, vector<16xi1>) -> (vector<16xi1>, vector<16xf32>, vector<16xi32>)
      %parallel_loop3A_278 = arith.constant 15 : i32
      %parallel_loop3A_279 = vector.broadcast %parallel_loop3A_278 : i32 to vector<16xi32>
      %parallel_loop3A_280 = tpu.iota {dimensions = array<i32: 0>} : vector<16xi32>
      %parallel_loop3A_281 = arith.subi %parallel_loop3A_279, %parallel_loop3A_280 : vector<16xi32>
      %parallel_loop3A_282 = tpu.dynamic_gather %parallel_loop3A_271[%parallel_loop3A_281] in [0] : vector<16xf32>, vector<16xi32> -> vector<16xf32>
      %parallel_loop3A_283 = vector.broadcast %parallel_loop3A_18 : f32 to vector<16xf32>
      %parallel_loop3A_284 = arith.select %lt3A_4, %parallel_loop3A_282, %parallel_loop3A_283 : vector<16xi1>, vector<16xf32>
      %parallel_loop3A_285 = arith.constant dense<true> : vector<16xi1>
      %parallel_loop3A_286, %parallel_loop3A_287, %parallel_loop3A_288 = tpu.sort %parallel_loop3A_284, %iota3A masked %parallel_loop3A_285 {descending = true} : (vector<16xf32>, vector<16xi32>, vector<16xi1>) -> (vector<16xi1>, vector<16xf32>, vector<16xi32>)
      %parallel_loop3A_289 = arith.constant 0 : i32
      %parallel_loop3A_290 = arith.addi %parallel_loop3A_24, %parallel_loop3A_289 : i32
      %parallel_loop3A_291 = vector.extract_strided_slice %parallel_loop3A_277 {offsets = [0], sizes = [1], strides = [1]} : vector<16xi32> to vector<1xi32>
      %parallel_loop3A_292 = vector.extract %parallel_loop3A_291[0] : i32 from vector<1xi32>
      %parallel_loop3A_293 = arith.constant 32 : i32
      %parallel_loop3A_294 = arith.muli %parallel_loop3A_292, %parallel_loop3A_293 : i32
      %parallel_loop3A_295 = arith.constant 0 : i32
      %parallel_loop3A_296 = arith.addi %parallel_loop3A_294, %parallel_loop3A_295 : i32
      %parallel_loop3A_297 = arith.addi %parallel_loop3A_290, %parallel_loop3A_296 : i32
      %parallel_loop3A_298 = arith.index_cast %parallel_loop3A_297 : i32 to index
      %parallel_loop3A_299 = tpu.vector_load %arg6[%parallel_loop3A_298] {strides = array<i32>} : memref<65536xf32, #tpu.memory_space<vmem>>, vector<16xf32>,
      %parallel_loop3A_300 = vector.broadcast %parallel_loop3A_296 : i32 to vector<16xi32>
      %parallel_loop3A_301 = arith.addi %parallel_loop3A_300, %iota3A : vector<16xi32>
      %parallel_loop3A_302 = arith.constant dense<true> : vector<16xi1>
      %parallel_loop3A_303, %parallel_loop3A_304, %parallel_loop3A_305 = tpu.sort %parallel_loop3A_299, %parallel_loop3A_301 masked %parallel_loop3A_302 {descending = true} : (vector<16xf32>, vector<16xi32>, vector<16xi1>) -> (vector<16xi1>, vector<16xf32>, vector<16xi32>)
      %parallel_loop3A_306 = arith.constant 32 : i32
      %parallel_loop3A_307 = arith.muli %parallel_loop3A_292, %parallel_loop3A_306 : i32
      %parallel_loop3A_308 = arith.constant 16 : i32
      %parallel_loop3A_309 = arith.addi %parallel_loop3A_307, %parallel_loop3A_308 : i32
      %parallel_loop3A_310 = arith.addi %parallel_loop3A_290, %parallel_loop3A_309 : i32
      %parallel_loop3A_311 = arith.index_cast %parallel_loop3A_310 : i32 to index
      %parallel_loop3A_312 = tpu.vector_load %arg6[%parallel_loop3A_311] {strides = array<i32>} : memref<65536xf32, #tpu.memory_space<vmem>>, vector<16xf32>,
      %parallel_loop3A_313 = vector.broadcast %parallel_loop3A_309 : i32 to vector<16xi32>
      %parallel_loop3A_314 = arith.addi %parallel_loop3A_313, %iota3A : vector<16xi32>
      %parallel_loop3A_315 = arith.constant dense<true> : vector<16xi1>
      %parallel_loop3A_316, %parallel_loop3A_317, %parallel_loop3A_318 = tpu.sort %parallel_loop3A_312, %parallel_loop3A_314 masked %parallel_loop3A_315 {descending = true} : (vector<16xf32>, vector<16xi32>, vector<16xi1>) -> (vector<16xi1>, vector<16xf32>, vector<16xi32>)
      %parallel_loop3A_319 = vector.extract_strided_slice %parallel_loop3A_277 {offsets = [1], sizes = [1], strides = [1]} : vector<16xi32> to vector<1xi32>
      %parallel_loop3A_320 = vector.extract %parallel_loop3A_319[0] : i32 from vector<1xi32>
      %parallel_loop3A_321 = arith.constant 32 : i32
      %parallel_loop3A_322 = arith.muli %parallel_loop3A_320, %parallel_loop3A_321 : i32
      %parallel_loop3A_323 = arith.constant 0 : i32
      %parallel_loop3A_324 = arith.addi %parallel_loop3A_322, %parallel_loop3A_323 : i32
      %parallel_loop3A_325 = arith.addi %parallel_loop3A_290, %parallel_loop3A_324 : i32
      %parallel_loop3A_326 = arith.index_cast %parallel_loop3A_325 : i32 to index
      %parallel_loop3A_327 = tpu.vector_load %arg6[%parallel_loop3A_326] {strides = array<i32>} : memref<65536xf32, #tpu.memory_space<vmem>>, vector<16xf32>,
      %parallel_loop3A_328 = vector.broadcast %parallel_loop3A_324 : i32 to vector<16xi32>
      %parallel_loop3A_329 = arith.addi %parallel_loop3A_328, %iota3A : vector<16xi32>
      %parallel_loop3A_330 = arith.constant dense<true> : vector<16xi1>
      %parallel_loop3A_331, %parallel_loop3A_332, %parallel_loop3A_333 = tpu.sort %parallel_loop3A_327, %parallel_loop3A_329 masked %parallel_loop3A_330 {descending = true} : (vector<16xf32>, vector<16xi32>, vector<16xi1>) -> (vector<16xi1>, vector<16xf32>, vector<16xi32>)
      %parallel_loop3A_334 = arith.constant 32 : i32
      %parallel_loop3A_335 = arith.muli %parallel_loop3A_320, %parallel_loop3A_334 : i32
      %parallel_loop3A_336 = arith.constant 16 : i32
      %parallel_loop3A_337 = arith.addi %parallel_loop3A_335, %parallel_loop3A_336 : i32
      %parallel_loop3A_338 = arith.addi %parallel_loop3A_290, %parallel_loop3A_337 : i32
      %parallel_loop3A_339 = arith.index_cast %parallel_loop3A_338 : i32 to index
      %parallel_loop3A_340 = tpu.vector_load %arg6[%parallel_loop3A_339] {strides = array<i32>} : memref<65536xf32, #tpu.memory_space<vmem>>, vector<16xf32>,
      %parallel_loop3A_341 = vector.broadcast %parallel_loop3A_337 : i32 to vector<16xi32>
      %parallel_loop3A_342 = arith.addi %parallel_loop3A_341, %iota3A : vector<16xi32>
      %parallel_loop3A_343 = arith.constant dense<true> : vector<16xi1>
      %parallel_loop3A_344, %parallel_loop3A_345, %parallel_loop3A_346 = tpu.sort %parallel_loop3A_340, %parallel_loop3A_342 masked %parallel_loop3A_343 {descending = true} : (vector<16xf32>, vector<16xi32>, vector<16xi1>) -> (vector<16xi1>, vector<16xf32>, vector<16xi32>)
      %parallel_loop3A_347 = vector.extract_strided_slice %parallel_loop3A_277 {offsets = [2], sizes = [1], strides = [1]} : vector<16xi32> to vector<1xi32>
      %parallel_loop3A_348 = vector.extract %parallel_loop3A_347[0] : i32 from vector<1xi32>
      %parallel_loop3A_349 = arith.constant 32 : i32
      %parallel_loop3A_350 = arith.muli %parallel_loop3A_348, %parallel_loop3A_349 : i32
      %parallel_loop3A_351 = arith.constant 0 : i32
      %parallel_loop3A_352 = arith.addi %parallel_loop3A_350, %parallel_loop3A_351 : i32
      %parallel_loop3A_353 = arith.addi %parallel_loop3A_290, %parallel_loop3A_352 : i32
      %parallel_loop3A_354 = arith.index_cast %parallel_loop3A_353 : i32 to index
      %parallel_loop3A_355 = tpu.vector_load %arg6[%parallel_loop3A_354] {strides = array<i32>} : memref<65536xf32, #tpu.memory_space<vmem>>, vector<16xf32>,
      %parallel_loop3A_356 = vector.broadcast %parallel_loop3A_352 : i32 to vector<16xi32>
      %parallel_loop3A_357 = arith.addi %parallel_loop3A_356, %iota3A : vector<16xi32>
      %parallel_loop3A_358 = arith.constant dense<true> : vector<16xi1>
      %parallel_loop3A_359, %parallel_loop3A_360, %parallel_loop3A_361 = tpu.sort %parallel_loop3A_355, %parallel_loop3A_357 masked %parallel_loop3A_358 {descending = true} : (vector<16xf32>, vector<16xi32>, vector<16xi1>) -> (vector<16xi1>, vector<16xf32>, vector<16xi32>)
      %parallel_loop3A_362 = arith.constant 32 : i32
      %parallel_loop3A_363 = arith.muli %parallel_loop3A_348, %parallel_loop3A_362 : i32
      %parallel_loop3A_364 = arith.constant 16 : i32
      %parallel_loop3A_365 = arith.addi %parallel_loop3A_363, %parallel_loop3A_364 : i32
      %parallel_loop3A_366 = arith.addi %parallel_loop3A_290, %parallel_loop3A_365 : i32
      %parallel_loop3A_367 = arith.index_cast %parallel_loop3A_366 : i32 to index
      %parallel_loop3A_368 = tpu.vector_load %arg6[%parallel_loop3A_367] {strides = array<i32>} : memref<65536xf32, #tpu.memory_space<vmem>>, vector<16xf32>,
      %parallel_loop3A_369 = vector.broadcast %parallel_loop3A_365 : i32 to vector<16xi32>
      %parallel_loop3A_370 = arith.addi %parallel_loop3A_369, %iota3A : vector<16xi32>
      %parallel_loop3A_371 = arith.constant dense<true> : vector<16xi1>
      %parallel_loop3A_372, %parallel_loop3A_373, %parallel_loop3A_374 = tpu.sort %parallel_loop3A_368, %parallel_loop3A_370 masked %parallel_loop3A_371 {descending = true} : (vector<16xf32>, vector<16xi32>, vector<16xi1>) -> (vector<16xi1>, vector<16xf32>, vector<16xi32>)
      %parallel_loop3A_375 = vector.extract_strided_slice %parallel_loop3A_277 {offsets = [3], sizes = [1], strides = [1]} : vector<16xi32> to vector<1xi32>
      %parallel_loop3A_376 = vector.extract %parallel_loop3A_375[0] : i32 from vector<1xi32>
      %parallel_loop3A_377 = arith.constant 32 : i32
      %parallel_loop3A_378 = arith.muli %parallel_loop3A_376, %parallel_loop3A_377 : i32
      %parallel_loop3A_379 = arith.constant 0 : i32
      %parallel_loop3A_380 = arith.addi %parallel_loop3A_378, %parallel_loop3A_379 : i32
      %parallel_loop3A_381 = arith.addi %parallel_loop3A_290, %parallel_loop3A_380 : i32
      %parallel_loop3A_382 = arith.index_cast %parallel_loop3A_381 : i32 to index
      %parallel_loop3A_383 = tpu.vector_load %arg6[%parallel_loop3A_382] {strides = array<i32>} : memref<65536xf32, #tpu.memory_space<vmem>>, vector<16xf32>,
      %parallel_loop3A_384 = vector.broadcast %parallel_loop3A_380 : i32 to vector<16xi32>
      %parallel_loop3A_385 = arith.addi %parallel_loop3A_384, %iota3A : vector<16xi32>
      %parallel_loop3A_386 = arith.constant dense<true> : vector<16xi1>
      %parallel_loop3A_387, %parallel_loop3A_388, %parallel_loop3A_389 = tpu.sort %parallel_loop3A_383, %parallel_loop3A_385 masked %parallel_loop3A_386 {descending = true} : (vector<16xf32>, vector<16xi32>, vector<16xi1>) -> (vector<16xi1>, vector<16xf32>, vector<16xi32>)
      %parallel_loop3A_390 = arith.constant 32 : i32
      %parallel_loop3A_391 = arith.muli %parallel_loop3A_376, %parallel_loop3A_390 : i32
      %parallel_loop3A_392 = arith.constant 16 : i32
      %parallel_loop3A_393 = arith.addi %parallel_loop3A_391, %parallel_loop3A_392 : i32
      %parallel_loop3A_394 = arith.addi %parallel_loop3A_290, %parallel_loop3A_393 : i32
      %parallel_loop3A_395 = arith.index_cast %parallel_loop3A_394 : i32 to index
      %parallel_loop3A_396 = tpu.vector_load %arg6[%parallel_loop3A_395] {strides = array<i32>} : memref<65536xf32, #tpu.memory_space<vmem>>, vector<16xf32>,
      %parallel_loop3A_397 = vector.broadcast %parallel_loop3A_393 : i32 to vector<16xi32>
      %parallel_loop3A_398 = arith.addi %parallel_loop3A_397, %iota3A : vector<16xi32>
      %parallel_loop3A_399 = arith.constant dense<true> : vector<16xi1>
      %parallel_loop3A_400, %parallel_loop3A_401, %parallel_loop3A_402 = tpu.sort %parallel_loop3A_396, %parallel_loop3A_398 masked %parallel_loop3A_399 {descending = true} : (vector<16xf32>, vector<16xi32>, vector<16xi1>) -> (vector<16xi1>, vector<16xf32>, vector<16xi32>)
      %parallel_loop3A_403 = arith.constant 15 : i32
      %parallel_loop3A_404 = vector.broadcast %parallel_loop3A_403 : i32 to vector<16xi32>
      %parallel_loop3A_405 = tpu.iota {dimensions = array<i32: 0>} : vector<16xi32>
      %parallel_loop3A_406 = arith.subi %parallel_loop3A_404, %parallel_loop3A_405 : vector<16xi32>
      %parallel_loop3A_407 = tpu.dynamic_gather %parallel_loop3A_317[%parallel_loop3A_406] in [0] : vector<16xf32>, vector<16xi32> -> vector<16xf32>
      %parallel_loop3A_408 = arith.constant 15 : i32
      %parallel_loop3A_409 = vector.broadcast %parallel_loop3A_408 : i32 to vector<16xi32>
      %parallel_loop3A_410 = tpu.iota {dimensions = array<i32: 0>} : vector<16xi32>
      %parallel_loop3A_411 = arith.subi %parallel_loop3A_409, %parallel_loop3A_410 : vector<16xi32>
      %parallel_loop3A_412 = tpu.dynamic_gather %parallel_loop3A_318[%parallel_loop3A_411] in [0] : vector<16xi32>, vector<16xi32> -> vector<16xi32>
      %parallel_loop3A_413 = arith.cmpf oge, %parallel_loop3A_304, %parallel_loop3A_407 : vector<16xf32>
      %parallel_loop3A_414 = arith.select %parallel_loop3A_413, %parallel_loop3A_304, %parallel_loop3A_407 : vector<16xi1>, vector<16xf32>
      %parallel_loop3A_415 = arith.select %parallel_loop3A_413, %parallel_loop3A_305, %parallel_loop3A_412 : vector<16xi1>, vector<16xi32>
      %parallel_loop3A_416 = arith.constant dense<true> : vector<16xi1>
      %parallel_loop3A_417, %parallel_loop3A_418, %parallel_loop3A_419 = tpu.sort %parallel_loop3A_414, %parallel_loop3A_415 masked %parallel_loop3A_416 {descending = true} : (vector<16xf32>, vector<16xi32>, vector<16xi1>) -> (vector<16xi1>, vector<16xf32>, vector<16xi32>)
      %parallel_loop3A_420 = arith.constant 15 : i32
      %parallel_loop3A_421 = vector.broadcast %parallel_loop3A_420 : i32 to vector<16xi32>
      %parallel_loop3A_422 = tpu.iota {dimensions = array<i32: 0>} : vector<16xi32>
      %parallel_loop3A_423 = arith.subi %parallel_loop3A_421, %parallel_loop3A_422 : vector<16xi32>
      %parallel_loop3A_424 = tpu.dynamic_gather %parallel_loop3A_345[%parallel_loop3A_423] in [0] : vector<16xf32>, vector<16xi32> -> vector<16xf32>
      %parallel_loop3A_425 = arith.constant 15 : i32
      %parallel_loop3A_426 = vector.broadcast %parallel_loop3A_425 : i32 to vector<16xi32>
      %parallel_loop3A_427 = tpu.iota {dimensions = array<i32: 0>} : vector<16xi32>
      %parallel_loop3A_428 = arith.subi %parallel_loop3A_426, %parallel_loop3A_427 : vector<16xi32>
      %parallel_loop3A_429 = tpu.dynamic_gather %parallel_loop3A_346[%parallel_loop3A_428] in [0] : vector<16xi32>, vector<16xi32> -> vector<16xi32>
      %parallel_loop3A_430 = arith.cmpf oge, %parallel_loop3A_332, %parallel_loop3A_424 : vector<16xf32>
      %parallel_loop3A_431 = arith.select %parallel_loop3A_430, %parallel_loop3A_332, %parallel_loop3A_424 : vector<16xi1>, vector<16xf32>
      %parallel_loop3A_432 = arith.select %parallel_loop3A_430, %parallel_loop3A_333, %parallel_loop3A_429 : vector<16xi1>, vector<16xi32>
      %parallel_loop3A_433 = arith.constant dense<true> : vector<16xi1>
      %parallel_loop3A_434, %parallel_loop3A_435, %parallel_loop3A_436 = tpu.sort %parallel_loop3A_431, %parallel_loop3A_432 masked %parallel_loop3A_433 {descending = true} : (vector<16xf32>, vector<16xi32>, vector<16xi1>) -> (vector<16xi1>, vector<16xf32>, vector<16xi32>)
      %parallel_loop3A_437 = arith.constant 15 : i32
      %parallel_loop3A_438 = vector.broadcast %parallel_loop3A_437 : i32 to vector<16xi32>
      %parallel_loop3A_439 = tpu.iota {dimensions = array<i32: 0>} : vector<16xi32>
      %parallel_loop3A_440 = arith.subi %parallel_loop3A_438, %parallel_loop3A_439 : vector<16xi32>
      %parallel_loop3A_441 = tpu.dynamic_gather %parallel_loop3A_373[%parallel_loop3A_440] in [0] : vector<16xf32>, vector<16xi32> -> vector<16xf32>
      %parallel_loop3A_442 = arith.constant 15 : i32
      %parallel_loop3A_443 = vector.broadcast %parallel_loop3A_442 : i32 to vector<16xi32>
      %parallel_loop3A_444 = tpu.iota {dimensions = array<i32: 0>} : vector<16xi32>
      %parallel_loop3A_445 = arith.subi %parallel_loop3A_443, %parallel_loop3A_444 : vector<16xi32>
      %parallel_loop3A_446 = tpu.dynamic_gather %parallel_loop3A_374[%parallel_loop3A_445] in [0] : vector<16xi32>, vector<16xi32> -> vector<16xi32>
      %parallel_loop3A_447 = arith.cmpf oge, %parallel_loop3A_360, %parallel_loop3A_441 : vector<16xf32>
      %parallel_loop3A_448 = arith.select %parallel_loop3A_447, %parallel_loop3A_360, %parallel_loop3A_441 : vector<16xi1>, vector<16xf32>
      %parallel_loop3A_449 = arith.select %parallel_loop3A_447, %parallel_loop3A_361, %parallel_loop3A_446 : vector<16xi1>, vector<16xi32>
      %parallel_loop3A_450 = arith.constant dense<true> : vector<16xi1>
      %parallel_loop3A_451, %parallel_loop3A_452, %parallel_loop3A_453 = tpu.sort %parallel_loop3A_448, %parallel_loop3A_449 masked %parallel_loop3A_450 {descending = true} : (vector<16xf32>, vector<16xi32>, vector<16xi1>) -> (vector<16xi1>, vector<16xf32>, vector<16xi32>)
      %parallel_loop3A_454 = arith.constant 15 : i32
      %parallel_loop3A_455 = vector.broadcast %parallel_loop3A_454 : i32 to vector<16xi32>
      %parallel_loop3A_456 = tpu.iota {dimensions = array<i32: 0>} : vector<16xi32>
      %parallel_loop3A_457 = arith.subi %parallel_loop3A_455, %parallel_loop3A_456 : vector<16xi32>
      %parallel_loop3A_458 = tpu.dynamic_gather %parallel_loop3A_401[%parallel_loop3A_457] in [0] : vector<16xf32>, vector<16xi32> -> vector<16xf32>
      %parallel_loop3A_459 = arith.constant 15 : i32
      %parallel_loop3A_460 = vector.broadcast %parallel_loop3A_459 : i32 to vector<16xi32>
      %parallel_loop3A_461 = tpu.iota {dimensions = array<i32: 0>} : vector<16xi32>
      %parallel_loop3A_462 = arith.subi %parallel_loop3A_460, %parallel_loop3A_461 : vector<16xi32>
      %parallel_loop3A_463 = tpu.dynamic_gather %parallel_loop3A_402[%parallel_loop3A_462] in [0] : vector<16xi32>, vector<16xi32> -> vector<16xi32>
      %parallel_loop3A_464 = arith.cmpf oge, %parallel_loop3A_388, %parallel_loop3A_458 : vector<16xf32>
      %parallel_loop3A_465 = arith.select %parallel_loop3A_464, %parallel_loop3A_388, %parallel_loop3A_458 : vector<16xi1>, vector<16xf32>
      %parallel_loop3A_466 = arith.select %parallel_loop3A_464, %parallel_loop3A_389, %parallel_loop3A_463 : vector<16xi1>, vector<16xi32>
      %parallel_loop3A_467 = arith.constant dense<true> : vector<16xi1>
      %parallel_loop3A_468, %parallel_loop3A_469, %parallel_loop3A_470 = tpu.sort %parallel_loop3A_465, %parallel_loop3A_466 masked %parallel_loop3A_467 {descending = true} : (vector<16xf32>, vector<16xi32>, vector<16xi1>) -> (vector<16xi1>, vector<16xf32>, vector<16xi32>)
      %parallel_loop3A_471 = arith.constant 15 : i32
      %parallel_loop3A_472 = vector.broadcast %parallel_loop3A_471 : i32 to vector<16xi32>
      %parallel_loop3A_473 = tpu.iota {dimensions = array<i32: 0>} : vector<16xi32>
      %parallel_loop3A_474 = arith.subi %parallel_loop3A_472, %parallel_loop3A_473 : vector<16xi32>
      %parallel_loop3A_475 = tpu.dynamic_gather %parallel_loop3A_435[%parallel_loop3A_474] in [0] : vector<16xf32>, vector<16xi32> -> vector<16xf32>
      %parallel_loop3A_476 = arith.constant 15 : i32
      %parallel_loop3A_477 = vector.broadcast %parallel_loop3A_476 : i32 to vector<16xi32>
      %parallel_loop3A_478 = tpu.iota {dimensions = array<i32: 0>} : vector<16xi32>
      %parallel_loop3A_479 = arith.subi %parallel_loop3A_477, %parallel_loop3A_478 : vector<16xi32>
      %parallel_loop3A_480 = tpu.dynamic_gather %parallel_loop3A_436[%parallel_loop3A_479] in [0] : vector<16xi32>, vector<16xi32> -> vector<16xi32>
      %parallel_loop3A_481 = arith.cmpf oge, %parallel_loop3A_418, %parallel_loop3A_475 : vector<16xf32>
      %parallel_loop3A_482 = arith.select %parallel_loop3A_481, %parallel_loop3A_418, %parallel_loop3A_475 : vector<16xi1>, vector<16xf32>
      %parallel_loop3A_483 = arith.select %parallel_loop3A_481, %parallel_loop3A_419, %parallel_loop3A_480 : vector<16xi1>, vector<16xi32>
      %parallel_loop3A_484 = arith.constant dense<true> : vector<16xi1>
      %parallel_loop3A_485, %parallel_loop3A_486, %parallel_loop3A_487 = tpu.sort %parallel_loop3A_482, %parallel_loop3A_483 masked %parallel_loop3A_484 {descending = true} : (vector<16xf32>, vector<16xi32>, vector<16xi1>) -> (vector<16xi1>, vector<16xf32>, vector<16xi32>)
      %parallel_loop3A_488 = arith.constant 15 : i32
      %parallel_loop3A_489 = vector.broadcast %parallel_loop3A_488 : i32 to vector<16xi32>
      %parallel_loop3A_490 = tpu.iota {dimensions = array<i32: 0>} : vector<16xi32>
      %parallel_loop3A_491 = arith.subi %parallel_loop3A_489, %parallel_loop3A_490 : vector<16xi32>
      %parallel_loop3A_492 = tpu.dynamic_gather %parallel_loop3A_469[%parallel_loop3A_491] in [0] : vector<16xf32>, vector<16xi32> -> vector<16xf32>
      %parallel_loop3A_493 = arith.constant 15 : i32
      %parallel_loop3A_494 = vector.broadcast %parallel_loop3A_493 : i32 to vector<16xi32>
      %parallel_loop3A_495 = tpu.iota {dimensions = array<i32: 0>} : vector<16xi32>
      %parallel_loop3A_496 = arith.subi %parallel_loop3A_494, %parallel_loop3A_495 : vector<16xi32>
      %parallel_loop3A_497 = tpu.dynamic_gather %parallel_loop3A_470[%parallel_loop3A_496] in [0] : vector<16xi32>, vector<16xi32> -> vector<16xi32>
      %parallel_loop3A_498 = arith.cmpf oge, %parallel_loop3A_452, %parallel_loop3A_492 : vector<16xf32>
      %parallel_loop3A_499 = arith.select %parallel_loop3A_498, %parallel_loop3A_452, %parallel_loop3A_492 : vector<16xi1>, vector<16xf32>
      %parallel_loop3A_500 = arith.select %parallel_loop3A_498, %parallel_loop3A_453, %parallel_loop3A_497 : vector<16xi1>, vector<16xi32>
      %parallel_loop3A_501 = arith.constant dense<true> : vector<16xi1>
      %parallel_loop3A_502, %parallel_loop3A_503, %parallel_loop3A_504 = tpu.sort %parallel_loop3A_499, %parallel_loop3A_500 masked %parallel_loop3A_501 {descending = true} : (vector<16xf32>, vector<16xi32>, vector<16xi1>) -> (vector<16xi1>, vector<16xf32>, vector<16xi32>)
      %parallel_loop3A_505 = arith.constant 15 : i32
      %parallel_loop3A_506 = vector.broadcast %parallel_loop3A_505 : i32 to vector<16xi32>
      %parallel_loop3A_507 = tpu.iota {dimensions = array<i32: 0>} : vector<16xi32>
      %parallel_loop3A_508 = arith.subi %parallel_loop3A_506, %parallel_loop3A_507 : vector<16xi32>
      %parallel_loop3A_509 = tpu.dynamic_gather %parallel_loop3A_503[%parallel_loop3A_508] in [0] : vector<16xf32>, vector<16xi32> -> vector<16xf32>
      %parallel_loop3A_510 = arith.constant 15 : i32
      %parallel_loop3A_511 = vector.broadcast %parallel_loop3A_510 : i32 to vector<16xi32>
      %parallel_loop3A_512 = tpu.iota {dimensions = array<i32: 0>} : vector<16xi32>
      %parallel_loop3A_513 = arith.subi %parallel_loop3A_511, %parallel_loop3A_512 : vector<16xi32>
      %parallel_loop3A_514 = tpu.dynamic_gather %parallel_loop3A_504[%parallel_loop3A_513] in [0] : vector<16xi32>, vector<16xi32> -> vector<16xi32>
      %parallel_loop3A_515 = arith.cmpf oge, %parallel_loop3A_486, %parallel_loop3A_509 : vector<16xf32>
      %parallel_loop3A_516 = arith.select %parallel_loop3A_515, %parallel_loop3A_486, %parallel_loop3A_509 : vector<16xi1>, vector<16xf32>
      %parallel_loop3A_517 = arith.select %parallel_loop3A_515, %parallel_loop3A_487, %parallel_loop3A_514 : vector<16xi1>, vector<16xi32>
      %parallel_loop3A_518 = arith.constant dense<true> : vector<16xi1>
      %parallel_loop3A_519, %parallel_loop3A_520, %parallel_loop3A_521 = tpu.sort %parallel_loop3A_516, %parallel_loop3A_517 masked %parallel_loop3A_518 {descending = true} : (vector<16xf32>, vector<16xi32>, vector<16xi1>) -> (vector<16xi1>, vector<16xf32>, vector<16xi32>)
      %parallel_loop3A_522 = arith.constant dense<true> : vector<16xi1>
      %parallel_loop3A_523 = arith.constant -2147483648 : i32
      %parallel_loop3A_524 = vector.broadcast %parallel_loop3A_523 : i32 to vector<16xi32>
      %parallel_loop3A_525 = arith.xori %parallel_loop3A_521, %parallel_loop3A_524 : vector<16xi32>
      %parallel_loop3A_526, %parallel_loop3A_527, %parallel_loop3A_528 = tpu.sort %parallel_loop3A_525, %parallel_loop3A_520 masked %parallel_loop3A_522 : (vector<16xi32>, vector<16xf32>, vector<16xi1>) -> (vector<16xi1>, vector<16xi32>, vector<16xf32>)
      %parallel_loop3A_529 = arith.xori %parallel_loop3A_527, %parallel_loop3A_524 : vector<16xi32>
      %parallel_loop3A_530 = arith.constant dense<true> : vector<16xi1>
      %parallel_loop3A_531, %parallel_loop3A_532, %parallel_loop3A_533 = tpu.sort %parallel_loop3A_528, %parallel_loop3A_529 masked %parallel_loop3A_530 {descending = true} : (vector<16xf32>, vector<16xi32>, vector<16xi1>) -> (vector<16xi1>, vector<16xf32>, vector<16xi32>)
      %parallel_loop3A_534 = arith.constant 0 : i32
      %parallel_loop3A_535 = vector.broadcast %parallel_loop3A_534 : i32 to vector<16xi32>
      %parallel_loop3A_536 = arith.select %lt3A_4, %parallel_loop3A_533, %parallel_loop3A_535 : vector<16xi1>, vector<16xi32>
      %parallel_loop3A_537 = vector.broadcast %parallel_loop3A_290 : i32 to vector<16xi32>
      %parallel_loop3A_538 = arith.addi %parallel_loop3A_537, %parallel_loop3A_536 : vector<16xi32>
      %parallel_loop3A_539 = tpu.vector_load_idx %arg6[%parallel_loop3A_538] : memref<65536xf32, #tpu.memory_space<vmem>>[vector<16xi32>], vector<16xf32>,
      %parallel_loop3A_540 = tpu.vector_load_idx %arg7[%parallel_loop3A_536] : memref<256xf32, #tpu.memory_space<vmem>>[vector<16xi32>], vector<16xf32>,
      %parallel_loop3A_541 = arith.subf %parallel_loop3A_539, %parallel_loop3A_540 : vector<16xf32>
      %parallel_loop3A_542 = arith.constant 0.000000e+00 : f32
      %parallel_loop3A_543 = vector.broadcast %parallel_loop3A_542 : f32 to vector<16xf32>
      %parallel_loop3A_544 = arith.select %lt3A_4, %parallel_loop3A_541, %parallel_loop3A_543 : vector<16xi1>, vector<16xf32>
      %parallel_loop3A_545 = arith.constant true
      %parallel_loop3A_546 = vector.broadcast %parallel_loop3A_545 : i1 to vector<16xi1>
      %parallel_loop3A_547 = tpu.scan <sum>, %parallel_loop3A_544 masked %parallel_loop3A_546 : vector<16xf32>, vector<16xi1> -> vector<16xf32>
      %parallel_loop3A_548 = vector.extract %parallel_loop3A_547[15] : f32 from vector<16xf32>
      %parallel_loop3A_549 = vector.broadcast %parallel_loop3A_548 : f32 to vector<16xf32>
      %parallel_loop3A_550 = arith.constant 9.99999968E-21 : f32
      %parallel_loop3A_551 = vector.broadcast %parallel_loop3A_550 : f32 to vector<16xf32>
      %parallel_loop3A_552 = arith.addf %parallel_loop3A_549, %parallel_loop3A_551 : vector<16xf32>
      %parallel_loop3A_553 = vector.bitcast %parallel_loop3A_552 : vector<16xf32> to vector<16xi32>
      %parallel_loop3A_554 = arith.constant 2129859015 : i32
      %parallel_loop3A_555 = vector.broadcast %parallel_loop3A_554 : i32 to vector<16xi32>
      %parallel_loop3A_556 = arith.subi %parallel_loop3A_555, %parallel_loop3A_553 : vector<16xi32>
      %parallel_loop3A_557 = vector.bitcast %parallel_loop3A_556 : vector<16xi32> to vector<16xf32>
      %parallel_loop3A_558 = arith.mulf %parallel_loop3A_552, %parallel_loop3A_557 : vector<16xf32>
      %parallel_loop3A_559 = arith.constant 2.000000e+00 : f32
      %parallel_loop3A_560 = vector.broadcast %parallel_loop3A_559 : f32 to vector<16xf32>
      %parallel_loop3A_561 = arith.subf %parallel_loop3A_560, %parallel_loop3A_558 : vector<16xf32>
      %parallel_loop3A_562 = arith.mulf %parallel_loop3A_557, %parallel_loop3A_561 : vector<16xf32>
      %parallel_loop3A_563 = arith.mulf %parallel_loop3A_552, %parallel_loop3A_562 : vector<16xf32>
      %parallel_loop3A_564 = arith.constant 2.000000e+00 : f32
      %parallel_loop3A_565 = vector.broadcast %parallel_loop3A_564 : f32 to vector<16xf32>
      %parallel_loop3A_566 = arith.subf %parallel_loop3A_565, %parallel_loop3A_563 : vector<16xf32>
      %parallel_loop3A_567 = arith.mulf %parallel_loop3A_562, %parallel_loop3A_566 : vector<16xf32>
      %parallel_loop3A_568 = arith.mulf %parallel_loop3A_552, %parallel_loop3A_567 : vector<16xf32>
      %parallel_loop3A_569 = arith.constant 2.000000e+00 : f32
      %parallel_loop3A_570 = vector.broadcast %parallel_loop3A_569 : f32 to vector<16xf32>
      %parallel_loop3A_571 = arith.subf %parallel_loop3A_570, %parallel_loop3A_568 : vector<16xf32>
      %parallel_loop3A_572 = arith.mulf %parallel_loop3A_567, %parallel_loop3A_571 : vector<16xf32>
      %parallel_loop3A_573 = arith.mulf %parallel_loop3A_544, %parallel_loop3A_572 : vector<16xf32>
      %parallel_loop3A_574 = arith.constant 2.500000e+00 : f32
      %parallel_loop3A_575 = vector.broadcast %parallel_loop3A_574 : f32 to vector<16xf32>
      %parallel_loop3A_576 = arith.mulf %parallel_loop3A_573, %parallel_loop3A_575 : vector<16xf32>
      %parallel_loop3A_577 = arith.constant 16 : i32
      %parallel_loop3A_578 = arith.muli %parallel_loop3A_21, %parallel_loop3A_577 : i32
      %parallel_loop3A_579 = arith.constant 0 : i32
      %parallel_loop3A_580 = arith.addi %parallel_loop3A_578, %parallel_loop3A_579 : i32
      %parallel_loop3A_581 = arith.index_cast %parallel_loop3A_580 : i32 to index
      %parallel_loop3A_582 = tpu.vector_load %arg8[%parallel_loop3A_581] masked %lt3A_4 {strides = array<i32>} : memref<2064xf32, #tpu.memory_space<vmem>>, vector<16xf32>, vector<16xi1>
      tpu.vector_store %arg8[%parallel_loop3A_581], %parallel_loop3A_576 masked %lt3A_4 {strides = array<i32>} : memref<2064xf32, #tpu.memory_space<vmem>>, vector<16xf32>, vector<16xi1>
      %parallel_loop3A_583 = arith.index_cast %parallel_loop3A_580 : i32 to index
      %parallel_loop3A_584 = tpu.vector_load %arg9[%parallel_loop3A_583] masked %lt3A_4 {strides = array<i32>} : memref<2064xi32, #tpu.memory_space<vmem>>, vector<16xi32>, vector<16xi1>
      tpu.vector_store %arg9[%parallel_loop3A_583], %parallel_loop3A_536 masked %lt3A_4 {strides = array<i32>} : memref<2064xi32, #tpu.memory_space<vmem>>, vector<16xi32>, vector<16xi1>
      %parallel_loop3A_585 = arith.constant 256 : i32
      %parallel_loop3A_586 = arith.addi %parallel_loop3A_24, %parallel_loop3A_585 : i32
      %parallel_loop3A_587 = vector.extract_strided_slice %parallel_loop3A_288 {offsets = [0], sizes = [1], strides = [1]} : vector<16xi32> to vector<1xi32>
      %parallel_loop3A_588 = vector.extract %parallel_loop3A_587[0] : i32 from vector<1xi32>
      %parallel_loop3A_589 = arith.constant 32 : i32
      %parallel_loop3A_590 = arith.muli %parallel_loop3A_588, %parallel_loop3A_589 : i32
      %parallel_loop3A_591 = arith.constant 0 : i32
      %parallel_loop3A_592 = arith.addi %parallel_loop3A_590, %parallel_loop3A_591 : i32
      %parallel_loop3A_593 = arith.addi %parallel_loop3A_586, %parallel_loop3A_592 : i32
      %parallel_loop3A_594 = arith.index_cast %parallel_loop3A_593 : i32 to index
      %parallel_loop3A_595 = tpu.vector_load %arg6[%parallel_loop3A_594] {strides = array<i32>} : memref<65536xf32, #tpu.memory_space<vmem>>, vector<16xf32>,
      %parallel_loop3A_596 = vector.broadcast %parallel_loop3A_592 : i32 to vector<16xi32>
      %parallel_loop3A_597 = arith.addi %parallel_loop3A_596, %iota3A : vector<16xi32>
      %parallel_loop3A_598 = arith.constant dense<true> : vector<16xi1>
      %parallel_loop3A_599, %parallel_loop3A_600, %parallel_loop3A_601 = tpu.sort %parallel_loop3A_595, %parallel_loop3A_597 masked %parallel_loop3A_598 {descending = true} : (vector<16xf32>, vector<16xi32>, vector<16xi1>) -> (vector<16xi1>, vector<16xf32>, vector<16xi32>)
      %parallel_loop3A_602 = arith.constant 32 : i32
      %parallel_loop3A_603 = arith.muli %parallel_loop3A_588, %parallel_loop3A_602 : i32
      %parallel_loop3A_604 = arith.constant 16 : i32
      %parallel_loop3A_605 = arith.addi %parallel_loop3A_603, %parallel_loop3A_604 : i32
      %parallel_loop3A_606 = arith.addi %parallel_loop3A_586, %parallel_loop3A_605 : i32
      %parallel_loop3A_607 = arith.index_cast %parallel_loop3A_606 : i32 to index
      %parallel_loop3A_608 = tpu.vector_load %arg6[%parallel_loop3A_607] {strides = array<i32>} : memref<65536xf32, #tpu.memory_space<vmem>>, vector<16xf32>,
      %parallel_loop3A_609 = vector.broadcast %parallel_loop3A_605 : i32 to vector<16xi32>
      %parallel_loop3A_610 = arith.addi %parallel_loop3A_609, %iota3A : vector<16xi32>
      %parallel_loop3A_611 = arith.constant dense<true> : vector<16xi1>
      %parallel_loop3A_612, %parallel_loop3A_613, %parallel_loop3A_614 = tpu.sort %parallel_loop3A_608, %parallel_loop3A_610 masked %parallel_loop3A_611 {descending = true} : (vector<16xf32>, vector<16xi32>, vector<16xi1>) -> (vector<16xi1>, vector<16xf32>, vector<16xi32>)
      %parallel_loop3A_615 = vector.extract_strided_slice %parallel_loop3A_288 {offsets = [1], sizes = [1], strides = [1]} : vector<16xi32> to vector<1xi32>
      %parallel_loop3A_616 = vector.extract %parallel_loop3A_615[0] : i32 from vector<1xi32>
      %parallel_loop3A_617 = arith.constant 32 : i32
      %parallel_loop3A_618 = arith.muli %parallel_loop3A_616, %parallel_loop3A_617 : i32
      %parallel_loop3A_619 = arith.constant 0 : i32
      %parallel_loop3A_620 = arith.addi %parallel_loop3A_618, %parallel_loop3A_619 : i32
      %parallel_loop3A_621 = arith.addi %parallel_loop3A_586, %parallel_loop3A_620 : i32
      %parallel_loop3A_622 = arith.index_cast %parallel_loop3A_621 : i32 to index
      %parallel_loop3A_623 = tpu.vector_load %arg6[%parallel_loop3A_622] {strides = array<i32>} : memref<65536xf32, #tpu.memory_space<vmem>>, vector<16xf32>,
      %parallel_loop3A_624 = vector.broadcast %parallel_loop3A_620 : i32 to vector<16xi32>
      %parallel_loop3A_625 = arith.addi %parallel_loop3A_624, %iota3A : vector<16xi32>
      %parallel_loop3A_626 = arith.constant dense<true> : vector<16xi1>
      %parallel_loop3A_627, %parallel_loop3A_628, %parallel_loop3A_629 = tpu.sort %parallel_loop3A_623, %parallel_loop3A_625 masked %parallel_loop3A_626 {descending = true} : (vector<16xf32>, vector<16xi32>, vector<16xi1>) -> (vector<16xi1>, vector<16xf32>, vector<16xi32>)
      %parallel_loop3A_630 = arith.constant 32 : i32
      %parallel_loop3A_631 = arith.muli %parallel_loop3A_616, %parallel_loop3A_630 : i32
      %parallel_loop3A_632 = arith.constant 16 : i32
      %parallel_loop3A_633 = arith.addi %parallel_loop3A_631, %parallel_loop3A_632 : i32
      %parallel_loop3A_634 = arith.addi %parallel_loop3A_586, %parallel_loop3A_633 : i32
      %parallel_loop3A_635 = arith.index_cast %parallel_loop3A_634 : i32 to index
      %parallel_loop3A_636 = tpu.vector_load %arg6[%parallel_loop3A_635] {strides = array<i32>} : memref<65536xf32, #tpu.memory_space<vmem>>, vector<16xf32>,
      %parallel_loop3A_637 = vector.broadcast %parallel_loop3A_633 : i32 to vector<16xi32>
      %parallel_loop3A_638 = arith.addi %parallel_loop3A_637, %iota3A : vector<16xi32>
      %parallel_loop3A_639 = arith.constant dense<true> : vector<16xi1>
      %parallel_loop3A_640, %parallel_loop3A_641, %parallel_loop3A_642 = tpu.sort %parallel_loop3A_636, %parallel_loop3A_638 masked %parallel_loop3A_639 {descending = true} : (vector<16xf32>, vector<16xi32>, vector<16xi1>) -> (vector<16xi1>, vector<16xf32>, vector<16xi32>)
      %parallel_loop3A_643 = vector.extract_strided_slice %parallel_loop3A_288 {offsets = [2], sizes = [1], strides = [1]} : vector<16xi32> to vector<1xi32>
      %parallel_loop3A_644 = vector.extract %parallel_loop3A_643[0] : i32 from vector<1xi32>
      %parallel_loop3A_645 = arith.constant 32 : i32
      %parallel_loop3A_646 = arith.muli %parallel_loop3A_644, %parallel_loop3A_645 : i32
      %parallel_loop3A_647 = arith.constant 0 : i32
      %parallel_loop3A_648 = arith.addi %parallel_loop3A_646, %parallel_loop3A_647 : i32
      %parallel_loop3A_649 = arith.addi %parallel_loop3A_586, %parallel_loop3A_648 : i32
      %parallel_loop3A_650 = arith.index_cast %parallel_loop3A_649 : i32 to index
      %parallel_loop3A_651 = tpu.vector_load %arg6[%parallel_loop3A_650] {strides = array<i32>} : memref<65536xf32, #tpu.memory_space<vmem>>, vector<16xf32>,
      %parallel_loop3A_652 = vector.broadcast %parallel_loop3A_648 : i32 to vector<16xi32>
      %parallel_loop3A_653 = arith.addi %parallel_loop3A_652, %iota3A : vector<16xi32>
      %parallel_loop3A_654 = arith.constant dense<true> : vector<16xi1>
      %parallel_loop3A_655, %parallel_loop3A_656, %parallel_loop3A_657 = tpu.sort %parallel_loop3A_651, %parallel_loop3A_653 masked %parallel_loop3A_654 {descending = true} : (vector<16xf32>, vector<16xi32>, vector<16xi1>) -> (vector<16xi1>, vector<16xf32>, vector<16xi32>)
      %parallel_loop3A_658 = arith.constant 32 : i32
      %parallel_loop3A_659 = arith.muli %parallel_loop3A_644, %parallel_loop3A_658 : i32
      %parallel_loop3A_660 = arith.constant 16 : i32
      %parallel_loop3A_661 = arith.addi %parallel_loop3A_659, %parallel_loop3A_660 : i32
      %parallel_loop3A_662 = arith.addi %parallel_loop3A_586, %parallel_loop3A_661 : i32
      %parallel_loop3A_663 = arith.index_cast %parallel_loop3A_662 : i32 to index
      %parallel_loop3A_664 = tpu.vector_load %arg6[%parallel_loop3A_663] {strides = array<i32>} : memref<65536xf32, #tpu.memory_space<vmem>>, vector<16xf32>,
      %parallel_loop3A_665 = vector.broadcast %parallel_loop3A_661 : i32 to vector<16xi32>
      %parallel_loop3A_666 = arith.addi %parallel_loop3A_665, %iota3A : vector<16xi32>
      %parallel_loop3A_667 = arith.constant dense<true> : vector<16xi1>
      %parallel_loop3A_668, %parallel_loop3A_669, %parallel_loop3A_670 = tpu.sort %parallel_loop3A_664, %parallel_loop3A_666 masked %parallel_loop3A_667 {descending = true} : (vector<16xf32>, vector<16xi32>, vector<16xi1>) -> (vector<16xi1>, vector<16xf32>, vector<16xi32>)
      %parallel_loop3A_671 = vector.extract_strided_slice %parallel_loop3A_288 {offsets = [3], sizes = [1], strides = [1]} : vector<16xi32> to vector<1xi32>
      %parallel_loop3A_672 = vector.extract %parallel_loop3A_671[0] : i32 from vector<1xi32>
      %parallel_loop3A_673 = arith.constant 32 : i32
      %parallel_loop3A_674 = arith.muli %parallel_loop3A_672, %parallel_loop3A_673 : i32
      %parallel_loop3A_675 = arith.constant 0 : i32
      %parallel_loop3A_676 = arith.addi %parallel_loop3A_674, %parallel_loop3A_675 : i32
      %parallel_loop3A_677 = arith.addi %parallel_loop3A_586, %parallel_loop3A_676 : i32
      %parallel_loop3A_678 = arith.index_cast %parallel_loop3A_677 : i32 to index
      %parallel_loop3A_679 = tpu.vector_load %arg6[%parallel_loop3A_678] {strides = array<i32>} : memref<65536xf32, #tpu.memory_space<vmem>>, vector<16xf32>,
      %parallel_loop3A_680 = vector.broadcast %parallel_loop3A_676 : i32 to vector<16xi32>
      %parallel_loop3A_681 = arith.addi %parallel_loop3A_680, %iota3A : vector<16xi32>
      %parallel_loop3A_682 = arith.constant dense<true> : vector<16xi1>
      %parallel_loop3A_683, %parallel_loop3A_684, %parallel_loop3A_685 = tpu.sort %parallel_loop3A_679, %parallel_loop3A_681 masked %parallel_loop3A_682 {descending = true} : (vector<16xf32>, vector<16xi32>, vector<16xi1>) -> (vector<16xi1>, vector<16xf32>, vector<16xi32>)
      %parallel_loop3A_686 = arith.constant 32 : i32
      %parallel_loop3A_687 = arith.muli %parallel_loop3A_672, %parallel_loop3A_686 : i32
      %parallel_loop3A_688 = arith.constant 16 : i32
      %parallel_loop3A_689 = arith.addi %parallel_loop3A_687, %parallel_loop3A_688 : i32
      %parallel_loop3A_690 = arith.addi %parallel_loop3A_586, %parallel_loop3A_689 : i32
      %parallel_loop3A_691 = arith.index_cast %parallel_loop3A_690 : i32 to index
      %parallel_loop3A_692 = tpu.vector_load %arg6[%parallel_loop3A_691] {strides = array<i32>} : memref<65536xf32, #tpu.memory_space<vmem>>, vector<16xf32>,
      %parallel_loop3A_693 = vector.broadcast %parallel_loop3A_689 : i32 to vector<16xi32>
      %parallel_loop3A_694 = arith.addi %parallel_loop3A_693, %iota3A : vector<16xi32>
      %parallel_loop3A_695 = arith.constant dense<true> : vector<16xi1>
      %parallel_loop3A_696, %parallel_loop3A_697, %parallel_loop3A_698 = tpu.sort %parallel_loop3A_692, %parallel_loop3A_694 masked %parallel_loop3A_695 {descending = true} : (vector<16xf32>, vector<16xi32>, vector<16xi1>) -> (vector<16xi1>, vector<16xf32>, vector<16xi32>)
      %parallel_loop3A_699 = arith.constant 15 : i32
      %parallel_loop3A_700 = vector.broadcast %parallel_loop3A_699 : i32 to vector<16xi32>
      %parallel_loop3A_701 = tpu.iota {dimensions = array<i32: 0>} : vector<16xi32>
      %parallel_loop3A_702 = arith.subi %parallel_loop3A_700, %parallel_loop3A_701 : vector<16xi32>
      %parallel_loop3A_703 = tpu.dynamic_gather %parallel_loop3A_613[%parallel_loop3A_702] in [0] : vector<16xf32>, vector<16xi32> -> vector<16xf32>
      %parallel_loop3A_704 = arith.constant 15 : i32
      %parallel_loop3A_705 = vector.broadcast %parallel_loop3A_704 : i32 to vector<16xi32>
      %parallel_loop3A_706 = tpu.iota {dimensions = array<i32: 0>} : vector<16xi32>
      %parallel_loop3A_707 = arith.subi %parallel_loop3A_705, %parallel_loop3A_706 : vector<16xi32>
      %parallel_loop3A_708 = tpu.dynamic_gather %parallel_loop3A_614[%parallel_loop3A_707] in [0] : vector<16xi32>, vector<16xi32> -> vector<16xi32>
      %parallel_loop3A_709 = arith.cmpf oge, %parallel_loop3A_600, %parallel_loop3A_703 : vector<16xf32>
      %parallel_loop3A_710 = arith.select %parallel_loop3A_709, %parallel_loop3A_600, %parallel_loop3A_703 : vector<16xi1>, vector<16xf32>
      %parallel_loop3A_711 = arith.select %parallel_loop3A_709, %parallel_loop3A_601, %parallel_loop3A_708 : vector<16xi1>, vector<16xi32>
      %parallel_loop3A_712 = arith.constant dense<true> : vector<16xi1>
      %parallel_loop3A_713, %parallel_loop3A_714, %parallel_loop3A_715 = tpu.sort %parallel_loop3A_710, %parallel_loop3A_711 masked %parallel_loop3A_712 {descending = true} : (vector<16xf32>, vector<16xi32>, vector<16xi1>) -> (vector<16xi1>, vector<16xf32>, vector<16xi32>)
      %parallel_loop3A_716 = arith.constant 15 : i32
      %parallel_loop3A_717 = vector.broadcast %parallel_loop3A_716 : i32 to vector<16xi32>
      %parallel_loop3A_718 = tpu.iota {dimensions = array<i32: 0>} : vector<16xi32>
      %parallel_loop3A_719 = arith.subi %parallel_loop3A_717, %parallel_loop3A_718 : vector<16xi32>
      %parallel_loop3A_720 = tpu.dynamic_gather %parallel_loop3A_641[%parallel_loop3A_719] in [0] : vector<16xf32>, vector<16xi32> -> vector<16xf32>
      %parallel_loop3A_721 = arith.constant 15 : i32
      %parallel_loop3A_722 = vector.broadcast %parallel_loop3A_721 : i32 to vector<16xi32>
      %parallel_loop3A_723 = tpu.iota {dimensions = array<i32: 0>} : vector<16xi32>
      %parallel_loop3A_724 = arith.subi %parallel_loop3A_722, %parallel_loop3A_723 : vector<16xi32>
      %parallel_loop3A_725 = tpu.dynamic_gather %parallel_loop3A_642[%parallel_loop3A_724] in [0] : vector<16xi32>, vector<16xi32> -> vector<16xi32>
      %parallel_loop3A_726 = arith.cmpf oge, %parallel_loop3A_628, %parallel_loop3A_720 : vector<16xf32>
      %parallel_loop3A_727 = arith.select %parallel_loop3A_726, %parallel_loop3A_628, %parallel_loop3A_720 : vector<16xi1>, vector<16xf32>
      %parallel_loop3A_728 = arith.select %parallel_loop3A_726, %parallel_loop3A_629, %parallel_loop3A_725 : vector<16xi1>, vector<16xi32>
      %parallel_loop3A_729 = arith.constant dense<true> : vector<16xi1>
      %parallel_loop3A_730, %parallel_loop3A_731, %parallel_loop3A_732 = tpu.sort %parallel_loop3A_727, %parallel_loop3A_728 masked %parallel_loop3A_729 {descending = true} : (vector<16xf32>, vector<16xi32>, vector<16xi1>) -> (vector<16xi1>, vector<16xf32>, vector<16xi32>)
      %parallel_loop3A_733 = arith.constant 15 : i32
      %parallel_loop3A_734 = vector.broadcast %parallel_loop3A_733 : i32 to vector<16xi32>
      %parallel_loop3A_735 = tpu.iota {dimensions = array<i32: 0>} : vector<16xi32>
      %parallel_loop3A_736 = arith.subi %parallel_loop3A_734, %parallel_loop3A_735 : vector<16xi32>
      %parallel_loop3A_737 = tpu.dynamic_gather %parallel_loop3A_669[%parallel_loop3A_736] in [0] : vector<16xf32>, vector<16xi32> -> vector<16xf32>
      %parallel_loop3A_738 = arith.constant 15 : i32
      %parallel_loop3A_739 = vector.broadcast %parallel_loop3A_738 : i32 to vector<16xi32>
      %parallel_loop3A_740 = tpu.iota {dimensions = array<i32: 0>} : vector<16xi32>
      %parallel_loop3A_741 = arith.subi %parallel_loop3A_739, %parallel_loop3A_740 : vector<16xi32>
      %parallel_loop3A_742 = tpu.dynamic_gather %parallel_loop3A_670[%parallel_loop3A_741] in [0] : vector<16xi32>, vector<16xi32> -> vector<16xi32>
      %parallel_loop3A_743 = arith.cmpf oge, %parallel_loop3A_656, %parallel_loop3A_737 : vector<16xf32>
      %parallel_loop3A_744 = arith.select %parallel_loop3A_743, %parallel_loop3A_656, %parallel_loop3A_737 : vector<16xi1>, vector<16xf32>
      %parallel_loop3A_745 = arith.select %parallel_loop3A_743, %parallel_loop3A_657, %parallel_loop3A_742 : vector<16xi1>, vector<16xi32>
      %parallel_loop3A_746 = arith.constant dense<true> : vector<16xi1>
      %parallel_loop3A_747, %parallel_loop3A_748, %parallel_loop3A_749 = tpu.sort %parallel_loop3A_744, %parallel_loop3A_745 masked %parallel_loop3A_746 {descending = true} : (vector<16xf32>, vector<16xi32>, vector<16xi1>) -> (vector<16xi1>, vector<16xf32>, vector<16xi32>)
      %parallel_loop3A_750 = arith.constant 15 : i32
      %parallel_loop3A_751 = vector.broadcast %parallel_loop3A_750 : i32 to vector<16xi32>
      %parallel_loop3A_752 = tpu.iota {dimensions = array<i32: 0>} : vector<16xi32>
      %parallel_loop3A_753 = arith.subi %parallel_loop3A_751, %parallel_loop3A_752 : vector<16xi32>
      %parallel_loop3A_754 = tpu.dynamic_gather %parallel_loop3A_697[%parallel_loop3A_753] in [0] : vector<16xf32>, vector<16xi32> -> vector<16xf32>
      %parallel_loop3A_755 = arith.constant 15 : i32
      %parallel_loop3A_756 = vector.broadcast %parallel_loop3A_755 : i32 to vector<16xi32>
      %parallel_loop3A_757 = tpu.iota {dimensions = array<i32: 0>} : vector<16xi32>
      %parallel_loop3A_758 = arith.subi %parallel_loop3A_756, %parallel_loop3A_757 : vector<16xi32>
      %parallel_loop3A_759 = tpu.dynamic_gather %parallel_loop3A_698[%parallel_loop3A_758] in [0] : vector<16xi32>, vector<16xi32> -> vector<16xi32>
      %parallel_loop3A_760 = arith.cmpf oge, %parallel_loop3A_684, %parallel_loop3A_754 : vector<16xf32>
      %parallel_loop3A_761 = arith.select %parallel_loop3A_760, %parallel_loop3A_684, %parallel_loop3A_754 : vector<16xi1>, vector<16xf32>
      %parallel_loop3A_762 = arith.select %parallel_loop3A_760, %parallel_loop3A_685, %parallel_loop3A_759 : vector<16xi1>, vector<16xi32>
      %parallel_loop3A_763 = arith.constant dense<true> : vector<16xi1>
      %parallel_loop3A_764, %parallel_loop3A_765, %parallel_loop3A_766 = tpu.sort %parallel_loop3A_761, %parallel_loop3A_762 masked %parallel_loop3A_763 {descending = true} : (vector<16xf32>, vector<16xi32>, vector<16xi1>) -> (vector<16xi1>, vector<16xf32>, vector<16xi32>)
      %parallel_loop3A_767 = arith.constant 15 : i32
      %parallel_loop3A_768 = vector.broadcast %parallel_loop3A_767 : i32 to vector<16xi32>
      %parallel_loop3A_769 = tpu.iota {dimensions = array<i32: 0>} : vector<16xi32>
      %parallel_loop3A_770 = arith.subi %parallel_loop3A_768, %parallel_loop3A_769 : vector<16xi32>
      %parallel_loop3A_771 = tpu.dynamic_gather %parallel_loop3A_731[%parallel_loop3A_770] in [0] : vector<16xf32>, vector<16xi32> -> vector<16xf32>
      %parallel_loop3A_772 = arith.constant 15 : i32
      %parallel_loop3A_773 = vector.broadcast %parallel_loop3A_772 : i32 to vector<16xi32>
      %parallel_loop3A_774 = tpu.iota {dimensions = array<i32: 0>} : vector<16xi32>
      %parallel_loop3A_775 = arith.subi %parallel_loop3A_773, %parallel_loop3A_774 : vector<16xi32>
      %parallel_loop3A_776 = tpu.dynamic_gather %parallel_loop3A_732[%parallel_loop3A_775] in [0] : vector<16xi32>, vector<16xi32> -> vector<16xi32>
      %parallel_loop3A_777 = arith.cmpf oge, %parallel_loop3A_714, %parallel_loop3A_771 : vector<16xf32>
      %parallel_loop3A_778 = arith.select %parallel_loop3A_777, %parallel_loop3A_714, %parallel_loop3A_771 : vector<16xi1>, vector<16xf32>
      %parallel_loop3A_779 = arith.select %parallel_loop3A_777, %parallel_loop3A_715, %parallel_loop3A_776 : vector<16xi1>, vector<16xi32>
      %parallel_loop3A_780 = arith.constant dense<true> : vector<16xi1>
      %parallel_loop3A_781, %parallel_loop3A_782, %parallel_loop3A_783 = tpu.sort %parallel_loop3A_778, %parallel_loop3A_779 masked %parallel_loop3A_780 {descending = true} : (vector<16xf32>, vector<16xi32>, vector<16xi1>) -> (vector<16xi1>, vector<16xf32>, vector<16xi32>)
      %parallel_loop3A_784 = arith.constant 15 : i32
      %parallel_loop3A_785 = vector.broadcast %parallel_loop3A_784 : i32 to vector<16xi32>
      %parallel_loop3A_786 = tpu.iota {dimensions = array<i32: 0>} : vector<16xi32>
      %parallel_loop3A_787 = arith.subi %parallel_loop3A_785, %parallel_loop3A_786 : vector<16xi32>
      %parallel_loop3A_788 = tpu.dynamic_gather %parallel_loop3A_765[%parallel_loop3A_787] in [0] : vector<16xf32>, vector<16xi32> -> vector<16xf32>
      %parallel_loop3A_789 = arith.constant 15 : i32
      %parallel_loop3A_790 = vector.broadcast %parallel_loop3A_789 : i32 to vector<16xi32>
      %parallel_loop3A_791 = tpu.iota {dimensions = array<i32: 0>} : vector<16xi32>
      %parallel_loop3A_792 = arith.subi %parallel_loop3A_790, %parallel_loop3A_791 : vector<16xi32>
      %parallel_loop3A_793 = tpu.dynamic_gather %parallel_loop3A_766[%parallel_loop3A_792] in [0] : vector<16xi32>, vector<16xi32> -> vector<16xi32>
      %parallel_loop3A_794 = arith.cmpf oge, %parallel_loop3A_748, %parallel_loop3A_788 : vector<16xf32>
      %parallel_loop3A_795 = arith.select %parallel_loop3A_794, %parallel_loop3A_748, %parallel_loop3A_788 : vector<16xi1>, vector<16xf32>
      %parallel_loop3A_796 = arith.select %parallel_loop3A_794, %parallel_loop3A_749, %parallel_loop3A_793 : vector<16xi1>, vector<16xi32>
      %parallel_loop3A_797 = arith.constant dense<true> : vector<16xi1>
      %parallel_loop3A_798, %parallel_loop3A_799, %parallel_loop3A_800 = tpu.sort %parallel_loop3A_795, %parallel_loop3A_796 masked %parallel_loop3A_797 {descending = true} : (vector<16xf32>, vector<16xi32>, vector<16xi1>) -> (vector<16xi1>, vector<16xf32>, vector<16xi32>)
      %parallel_loop3A_801 = arith.constant 15 : i32
      %parallel_loop3A_802 = vector.broadcast %parallel_loop3A_801 : i32 to vector<16xi32>
      %parallel_loop3A_803 = tpu.iota {dimensions = array<i32: 0>} : vector<16xi32>
      %parallel_loop3A_804 = arith.subi %parallel_loop3A_802, %parallel_loop3A_803 : vector<16xi32>
      %parallel_loop3A_805 = tpu.dynamic_gather %parallel_loop3A_799[%parallel_loop3A_804] in [0] : vector<16xf32>, vector<16xi32> -> vector<16xf32>
      %parallel_loop3A_806 = arith.constant 15 : i32
      %parallel_loop3A_807 = vector.broadcast %parallel_loop3A_806 : i32 to vector<16xi32>
      %parallel_loop3A_808 = tpu.iota {dimensions = array<i32: 0>} : vector<16xi32>
      %parallel_loop3A_809 = arith.subi %parallel_loop3A_807, %parallel_loop3A_808 : vector<16xi32>
      %parallel_loop3A_810 = tpu.dynamic_gather %parallel_loop3A_800[%parallel_loop3A_809] in [0] : vector<16xi32>, vector<16xi32> -> vector<16xi32>
      %parallel_loop3A_811 = arith.cmpf oge, %parallel_loop3A_782, %parallel_loop3A_805 : vector<16xf32>
      %parallel_loop3A_812 = arith.select %parallel_loop3A_811, %parallel_loop3A_782, %parallel_loop3A_805 : vector<16xi1>, vector<16xf32>
      %parallel_loop3A_813 = arith.select %parallel_loop3A_811, %parallel_loop3A_783, %parallel_loop3A_810 : vector<16xi1>, vector<16xi32>
      %parallel_loop3A_814 = arith.constant dense<true> : vector<16xi1>
      %parallel_loop3A_815, %parallel_loop3A_816, %parallel_loop3A_817 = tpu.sort %parallel_loop3A_812, %parallel_loop3A_813 masked %parallel_loop3A_814 {descending = true} : (vector<16xf32>, vector<16xi32>, vector<16xi1>) -> (vector<16xi1>, vector<16xf32>, vector<16xi32>)
      %parallel_loop3A_818 = arith.constant dense<true> : vector<16xi1>
      %parallel_loop3A_819 = arith.constant -2147483648 : i32
      %parallel_loop3A_820 = vector.broadcast %parallel_loop3A_819 : i32 to vector<16xi32>
      %parallel_loop3A_821 = arith.xori %parallel_loop3A_817, %parallel_loop3A_820 : vector<16xi32>
      %parallel_loop3A_822, %parallel_loop3A_823, %parallel_loop3A_824 = tpu.sort %parallel_loop3A_821, %parallel_loop3A_816 masked %parallel_loop3A_818 : (vector<16xi32>, vector<16xf32>, vector<16xi1>) -> (vector<16xi1>, vector<16xi32>, vector<16xf32>)
      %parallel_loop3A_825 = arith.xori %parallel_loop3A_823, %parallel_loop3A_820 : vector<16xi32>
      %parallel_loop3A_826 = arith.constant dense<true> : vector<16xi1>
      %parallel_loop3A_827, %parallel_loop3A_828, %parallel_loop3A_829 = tpu.sort %parallel_loop3A_824, %parallel_loop3A_825 masked %parallel_loop3A_826 {descending = true} : (vector<16xf32>, vector<16xi32>, vector<16xi1>) -> (vector<16xi1>, vector<16xf32>, vector<16xi32>)
      %parallel_loop3A_830 = arith.constant 0 : i32
      %parallel_loop3A_831 = vector.broadcast %parallel_loop3A_830 : i32 to vector<16xi32>
      %parallel_loop3A_832 = arith.select %lt3A_4, %parallel_loop3A_829, %parallel_loop3A_831 : vector<16xi1>, vector<16xi32>
      %parallel_loop3A_833 = vector.broadcast %parallel_loop3A_586 : i32 to vector<16xi32>
      %parallel_loop3A_834 = arith.addi %parallel_loop3A_833, %parallel_loop3A_832 : vector<16xi32>
      %parallel_loop3A_835 = tpu.vector_load_idx %arg6[%parallel_loop3A_834] : memref<65536xf32, #tpu.memory_space<vmem>>[vector<16xi32>], vector<16xf32>,
      %parallel_loop3A_836 = tpu.vector_load_idx %arg7[%parallel_loop3A_832] : memref<256xf32, #tpu.memory_space<vmem>>[vector<16xi32>], vector<16xf32>,
      %parallel_loop3A_837 = arith.subf %parallel_loop3A_835, %parallel_loop3A_836 : vector<16xf32>
      %parallel_loop3A_838 = arith.constant 0.000000e+00 : f32
      %parallel_loop3A_839 = vector.broadcast %parallel_loop3A_838 : f32 to vector<16xf32>
      %parallel_loop3A_840 = arith.select %lt3A_4, %parallel_loop3A_837, %parallel_loop3A_839 : vector<16xi1>, vector<16xf32>
      %parallel_loop3A_841 = arith.constant true
      %parallel_loop3A_842 = vector.broadcast %parallel_loop3A_841 : i1 to vector<16xi1>
      %parallel_loop3A_843 = tpu.scan <sum>, %parallel_loop3A_840 masked %parallel_loop3A_842 : vector<16xf32>, vector<16xi1> -> vector<16xf32>
      %parallel_loop3A_844 = vector.extract %parallel_loop3A_843[15] : f32 from vector<16xf32>
      %parallel_loop3A_845 = vector.broadcast %parallel_loop3A_844 : f32 to vector<16xf32>
      %parallel_loop3A_846 = arith.constant 9.99999968E-21 : f32
      %parallel_loop3A_847 = vector.broadcast %parallel_loop3A_846 : f32 to vector<16xf32>
      %parallel_loop3A_848 = arith.addf %parallel_loop3A_845, %parallel_loop3A_847 : vector<16xf32>
      %parallel_loop3A_849 = vector.bitcast %parallel_loop3A_848 : vector<16xf32> to vector<16xi32>
      %parallel_loop3A_850 = arith.constant 2129859015 : i32
      %parallel_loop3A_851 = vector.broadcast %parallel_loop3A_850 : i32 to vector<16xi32>
      %parallel_loop3A_852 = arith.subi %parallel_loop3A_851, %parallel_loop3A_849 : vector<16xi32>
      %parallel_loop3A_853 = vector.bitcast %parallel_loop3A_852 : vector<16xi32> to vector<16xf32>
      %parallel_loop3A_854 = arith.mulf %parallel_loop3A_848, %parallel_loop3A_853 : vector<16xf32>
      %parallel_loop3A_855 = arith.constant 2.000000e+00 : f32
      %parallel_loop3A_856 = vector.broadcast %parallel_loop3A_855 : f32 to vector<16xf32>
      %parallel_loop3A_857 = arith.subf %parallel_loop3A_856, %parallel_loop3A_854 : vector<16xf32>
      %parallel_loop3A_858 = arith.mulf %parallel_loop3A_853, %parallel_loop3A_857 : vector<16xf32>
      %parallel_loop3A_859 = arith.mulf %parallel_loop3A_848, %parallel_loop3A_858 : vector<16xf32>
      %parallel_loop3A_860 = arith.constant 2.000000e+00 : f32
      %parallel_loop3A_861 = vector.broadcast %parallel_loop3A_860 : f32 to vector<16xf32>
      %parallel_loop3A_862 = arith.subf %parallel_loop3A_861, %parallel_loop3A_859 : vector<16xf32>
      %parallel_loop3A_863 = arith.mulf %parallel_loop3A_858, %parallel_loop3A_862 : vector<16xf32>
      %parallel_loop3A_864 = arith.mulf %parallel_loop3A_848, %parallel_loop3A_863 : vector<16xf32>
      %parallel_loop3A_865 = arith.constant 2.000000e+00 : f32
      %parallel_loop3A_866 = vector.broadcast %parallel_loop3A_865 : f32 to vector<16xf32>
      %parallel_loop3A_867 = arith.subf %parallel_loop3A_866, %parallel_loop3A_864 : vector<16xf32>
      %parallel_loop3A_868 = arith.mulf %parallel_loop3A_863, %parallel_loop3A_867 : vector<16xf32>
      %parallel_loop3A_869 = arith.mulf %parallel_loop3A_840, %parallel_loop3A_868 : vector<16xf32>
      %parallel_loop3A_870 = arith.constant 2.500000e+00 : f32
      %parallel_loop3A_871 = vector.broadcast %parallel_loop3A_870 : f32 to vector<16xf32>
      %parallel_loop3A_872 = arith.mulf %parallel_loop3A_869, %parallel_loop3A_871 : vector<16xf32>
      %parallel_loop3A_873 = arith.constant 16 : i32
      %parallel_loop3A_874 = arith.muli %parallel_loop3A_21, %parallel_loop3A_873 : i32
      %parallel_loop3A_875 = arith.constant 8 : i32
      %parallel_loop3A_876 = arith.addi %parallel_loop3A_874, %parallel_loop3A_875 : i32
      %parallel_loop3A_877 = arith.index_cast %parallel_loop3A_876 : i32 to index
      %parallel_loop3A_878 = tpu.vector_load %arg8[%parallel_loop3A_877] masked %lt3A_4 {strides = array<i32>} : memref<2064xf32, #tpu.memory_space<vmem>>, vector<16xf32>, vector<16xi1>
      tpu.vector_store %arg8[%parallel_loop3A_877], %parallel_loop3A_872 masked %lt3A_4 {strides = array<i32>} : memref<2064xf32, #tpu.memory_space<vmem>>, vector<16xf32>, vector<16xi1>
      %parallel_loop3A_879 = arith.index_cast %parallel_loop3A_876 : i32 to index
      %parallel_loop3A_880 = tpu.vector_load %arg9[%parallel_loop3A_879] masked %lt3A_4 {strides = array<i32>} : memref<2064xi32, #tpu.memory_space<vmem>>, vector<16xi32>, vector<16xi1>
      tpu.vector_store %arg9[%parallel_loop3A_879], %parallel_loop3A_832 masked %lt3A_4 {strides = array<i32>} : memref<2064xi32, #tpu.memory_space<vmem>>, vector<16xi32>, vector<16xi1>
    } {sc.loop_unroll_factor = 4 : i64, sc.parallel_access}
    %mul3A_19 = arith.constant 2048 : i32
    %mul3A_20 = arith.muli %add3A, %mul3A_19 : i32
    "tpu.region"() ({
      %run_scoped3A = tpu.sem_alloc : memref<!tpu.dma_semaphore, #tpu.memory_space<semaphore_mem>>
      %dma_start3A = arith.constant 0 : i32
      %dma_start3A_21 = tpu.memref_slice %arg8[%dma_start3A] : memref<2064xf32, #tpu.memory_space<vmem>> -> memref<2048xf32, #tpu.memory_space<vmem>>
      %dma_start3A_22 = tpu.memref_slice %arg4[%mul3A_20] : memref<65536xf32, #tpu.memory_space<hbm>> -> memref<2048xf32, #tpu.memory_space<hbm>>
      %dma_start3A_23 = tpu.memref_slice %arg4[%mul3A_20] : memref<65536xf32, #tpu.memory_space<hbm>> -> memref<2048xf32, #tpu.memory_space<hbm>>
      %dma_start3A_24 = arith.constant 0 : i32
      %dma_start3A_25 = tpu.memref_slice %arg8[%dma_start3A_24] : memref<2064xf32, #tpu.memory_space<vmem>> -> memref<2048xf32, #tpu.memory_space<vmem>>
      tpu.enqueue_dma source(%dma_start3A_25 : memref<2048xf32, #tpu.memory_space<vmem>>) target(%dma_start3A_23 : memref<2048xf32, #tpu.memory_space<hbm>>) target_semaphore(%run_scoped3A : memref<!tpu.dma_semaphore, #tpu.memory_space<semaphore_mem>>)
      %dma_wait3A = arith.constant 0 : i32
      %dma_wait3A_26 = tpu.memref_slice %arg8[%dma_wait3A] : memref<2064xf32, #tpu.memory_space<vmem>> -> memref<2048xf32, #tpu.memory_space<vmem>>
      %dma_wait3A_27 = tpu.memref_slice %arg4[%mul3A_20] : memref<65536xf32, #tpu.memory_space<hbm>> -> memref<2048xf32, #tpu.memory_space<hbm>>
      %dma_wait3A_28 = tpu.memref_slice %arg4[%mul3A_20] : memref<65536xf32, #tpu.memory_space<hbm>> -> memref<2048xf32, #tpu.memory_space<hbm>>
      %dma_wait3A_29 = arith.constant 0 : i32
      %dma_wait3A_30 = tpu.memref_slice %arg8[%dma_wait3A_29] : memref<2064xf32, #tpu.memory_space<vmem>> -> memref<2048xf32, #tpu.memory_space<vmem>>
      tpu.wait_dma2 semaphore(%run_scoped3A : memref<!tpu.dma_semaphore, #tpu.memory_space<semaphore_mem>>) src(%dma_wait3A_30 : memref<2048xf32, #tpu.memory_space<vmem>>) dst(%dma_wait3A_28 : memref<2048xf32, #tpu.memory_space<hbm>>)
      tpu.yield
    }) : () -> ()
    "tpu.region"() ({
      %run_scoped3A = tpu.sem_alloc : memref<!tpu.dma_semaphore, #tpu.memory_space<semaphore_mem>>
      %dma_start3A = arith.constant 0 : i32
      %dma_start3A_21 = tpu.memref_slice %arg9[%dma_start3A] : memref<2064xi32, #tpu.memory_space<vmem>> -> memref<2048xi32, #tpu.memory_space<vmem>>
      %dma_start3A_22 = tpu.memref_slice %arg5[%mul3A_20] : memref<65536xi32, #tpu.memory_space<hbm>> -> memref<2048xi32, #tpu.memory_space<hbm>>
      %dma_start3A_23 = tpu.memref_slice %arg5[%mul3A_20] : memref<65536xi32, #tpu.memory_space<hbm>> -> memref<2048xi32, #tpu.memory_space<hbm>>
      %dma_start3A_24 = arith.constant 0 : i32
      %dma_start3A_25 = tpu.memref_slice %arg9[%dma_start3A_24] : memref<2064xi32, #tpu.memory_space<vmem>> -> memref<2048xi32, #tpu.memory_space<vmem>>
      tpu.enqueue_dma source(%dma_start3A_25 : memref<2048xi32, #tpu.memory_space<vmem>>) target(%dma_start3A_23 : memref<2048xi32, #tpu.memory_space<hbm>>) target_semaphore(%run_scoped3A : memref<!tpu.dma_semaphore, #tpu.memory_space<semaphore_mem>>)
      %dma_wait3A = arith.constant 0 : i32
      %dma_wait3A_26 = tpu.memref_slice %arg9[%dma_wait3A] : memref<2064xi32, #tpu.memory_space<vmem>> -> memref<2048xi32, #tpu.memory_space<vmem>>
      %dma_wait3A_27 = tpu.memref_slice %arg5[%mul3A_20] : memref<65536xi32, #tpu.memory_space<hbm>> -> memref<2048xi32, #tpu.memory_space<hbm>>
      %dma_wait3A_28 = tpu.memref_slice %arg5[%mul3A_20] : memref<65536xi32, #tpu.memory_space<hbm>> -> memref<2048xi32, #tpu.memory_space<hbm>>
      %dma_wait3A_29 = arith.constant 0 : i32
      %dma_wait3A_30 = tpu.memref_slice %arg9[%dma_wait3A_29] : memref<2064xi32, #tpu.memory_space<vmem>> -> memref<2048xi32, #tpu.memory_space<vmem>>
      tpu.wait_dma2 semaphore(%run_scoped3A : memref<!tpu.dma_semaphore, #tpu.memory_space<semaphore_mem>>) src(%dma_wait3A_30 : memref<2048xi32, #tpu.memory_space<vmem>>) dst(%dma_wait3A_28 : memref<2048xi32, #tpu.memory_space<hbm>>)
      tpu.yield
    }) : () -> ()
    return
  }
}

module attributes {stable_mosaic.version = 14 : i64} {
  func.func @_tc_body(%arg0: i32, %arg1: memref<1024x256xf32, #tpu.memory_space<vmem>>, %arg2: memref<1x256xf32, #tpu.memory_space<vmem>>, %arg3: memref<2048x128xf32, #tpu.memory_space<vmem>>) attributes {dimension_semantics = [#tpu.dimension_semantics<arbitrary>], iteration_bounds = array<i64: 8>, scalar_prefetch = 0 : i64, scratch_operands = 0 : i64, tpu.core_type = #tpu.core_type<tc>, window_params = [{transform_indices = @transform_0, window_bounds = array<i64: 1024, 256>}, {pipeline_mode = #tpu.pipeline_mode<synchronous>, transform_indices = @transform_1, window_bounds = array<i64: 1, 256>}, {transform_indices = @transform_2, window_bounds = array<i64: 2048, 128>}]} {
    %get3A = arith.constant 0 : index
    %get3A_0 = arith.constant 0 : index
    %get3A_1 = vector.load %arg1[%get3A, %get3A_0] : memref<1024x256xf32, #tpu.memory_space<vmem>>, vector<1024x256xf32>
    %logistic3A = arith.negf %get3A_1 : vector<1024x256xf32>
    %logistic3A_2 = math.exp %logistic3A : vector<1024x256xf32>
    %logistic3A_3 = arith.constant 1.000000e+00 : f32
    %logistic3A_4 = vector.broadcast %logistic3A_3 : f32 to vector<1024x256xf32>
    %logistic3A_5 = arith.addf %logistic3A_4, %logistic3A_2 : vector<1024x256xf32>
    %logistic3A_6 = arith.divf %logistic3A_4, %logistic3A_5 : vector<1024x256xf32>
    %get3A_7 = arith.constant 0 : index
    %get3A_8 = arith.constant 0 : index
    %get3A_9 = vector.load %arg2[%get3A_7, %get3A_8] : memref<1x256xf32, #tpu.memory_space<vmem>>, vector<1x256xf32>
    %add3A = vector.broadcast %get3A_9 : vector<1x256xf32> to vector<1024x256xf32>
    %add3A_10 = arith.addf %logistic3A_6, %add3A : vector<1024x256xf32>
    %reshape3A = vector.shape_cast %add3A_10 : vector<1024x256xf32> to vector<2048x128xf32>
    %swap3A = arith.constant 0 : index
    %swap3A_11 = arith.constant 0 : index
    %swap3A_12 = vector.load %arg3[%swap3A, %swap3A_11] : memref<2048x128xf32, #tpu.memory_space<vmem>>, vector<2048x128xf32>
    tpu.vector_store %arg3[%swap3A, %swap3A_11], %reshape3A {strides = array<i32>} : memref<2048x128xf32, #tpu.memory_space<vmem>>, vector<2048x128xf32>,
    return
  }
  func.func @transform_0(%arg0: i32) -> (i32, i32) {
    %c0_i32 = arith.constant 0 : i32
    %c0_i32_0 = arith.constant 0 : i32
    return %arg0, %c0_i32 : i32, i32
  }
  func.func @transform_1(%arg0: i32) -> (i32, i32) {
    %c0_i32 = arith.constant 0 : i32
    %c0_i32_0 = arith.constant 0 : i32
    %c0_i32_1 = arith.constant 0 : i32
    return %c0_i32, %c0_i32_0 : i32, i32
  }
  func.func @transform_2(%arg0: i32) -> (i32, i32) {
    %c0_i32 = arith.constant 0 : i32
    %c0_i32_0 = arith.constant 0 : i32
    return %arg0, %c0_i32 : i32, i32
  }
}

</mosaic_0001>

<sc_bundles>
// kernel: _run.4.cloned.1.call-start
scs
__scs_entry_jumppad:
0x0: {  	(pc) =	sbr.rel $0x88, $3  }
0x1: {  	(tag) =	ssettag $0x0;
	lr =	simm.s32 $0x1  }
0x2: {  	[smem:$0x3F9F] =	sst lr;
	_ =	strace $0xD0000000  }
0x3: {  	_ = 	snop  }
0x4: {  	_ = 	snop  }
0x5: {  	_ = 	snop  }
0x6: {  	_ = 	snop  }
0x7: {  	_ = 	snop  }
__scs_overlays_trampoline_lowered:
0x8: {  	[smem:$0x3FAE] =	sst s0  }
0x9: {  	[smem:$0x3FAF] =	sst s1  }
0xa: {  	[smem:$0x3FB0] =	sst s2  }
0xb: {  	[smem:$0x3FB1] =	sst s3  }
0xc: {  	[smem:$0x3FB2] =	sst s4  }
0xd: {  	[smem:$0x3FB3] =	sst s5  }
0xe: {  	[smem:$0x3FB4] =	sst s6  }
0xf: {  	[smem:$0x3FB5] =	sst s7  }
0x10: {  	[smem:$0x3FB6] =	sst s8  }
0x11: {  	[smem:$0x3FB7] =	sst s9;
	s0 =	simm.s32 @!p0 $0x0  }
0x12: {  	s1 =	sld [smem:$0x3F9D];
	s0 =	simm.s32 @p0 $0x1  }
0x13: {  	[smem:$0x3FB8] =	sst s0;
	s0 =	simm.s32 @!p1 $0x0  }
0x14: {  	s2 =	sld [smem:$0x3F9C];
	s0 =	simm.s32 @p1 $0x1  }
0x15: {  	[smem:$0x3FB9] =	sst s0;
	s0 =	simm.s32 @!p2 $0x0  }
0x16: {  	s3 =	sld [smem:$0x3FDB];
	s0 =	simm.s32 @p2 $0x1  }
0x17: {  	s4 =	simm.s32 $0x1BF5;
	[smem:$0x3FBB] =	sst s0  }
0x18: {  	s0 =	sld [smem:$0x3F9E];
	_ =	swait.ge [sflag:s4], $0x0  }
0x19: {  	s7 =	sld [smem:$0x3F9F]  }
0x1a: {  	s8 =	sadd.s32 $0xFFFFE003, lr  }
0x1b: {  	s9 =	sadd.s32 $0xFFFFFEF7, lr;
	s5 =	simm.s32 $0xFFFFFFFF;
	p2 =	slt.u32 s8, $0xFFFFF086  }
0x1c: {  	p1 =	slt.u32 s9, $0xF7A;
	s5 =	simm.s32 @!p2 $0x0  }
0x1d: {  	s5 =	simm.s32 @p1 $0x1;
	p0 =	seq.s32 s7, s2  }
0x1e: {  	s7 =	smul.u32 @!p0 $0xF7A, s2;
	p2 =	seq.s32 @!p0 s5, $0x0  }
0x1f: {  	s9 =	smul.u32 $0xF7A, s1;
	s8 =	simm.s32 @!p0 $0x1BF5;
	p2 =	por !p2, p0  }
0x20: {  	[sflag:s8] =	ssyncset.s32 @!p0 $0xFFFFF086;
	s6 =	sadd.s32 @!p0 s3, s7;
	s7 =	simm.s32 @!p0 $0x108  }
0x21: {  	s3 =	sadd.s32 s3, s9;
	s6 =	sadd.s32 @!p0 $0x88, s6;
	s7 =	simm.s32 @p2 $0x1082  }
0x22: {  	[simem:s7], [sflag:s8] =	dma.local @!p0 [hbm:s6], $0xF7A  }
0x23: {  	s9 =	sor.u32 $0xD0000000, s2;
	s6 =	simm.s32 $0x108;
	_ =	swait.ge @!p0 [sflag:s8], $0x0  }
0x24: {  	s3 =	sadd.s32 $0x88, s3;
	s6 =	simm.s32 @!p1 $0x1082;
	[sflag:s4] =	ssyncset.s32 $0xFFFFF086  }
0x25: {  	[simem:s6], [sflag:s4] =	dma.local [hbm:s3], $0xF7A  }
0x26: {  	[smem:$0x3F9F] =	sst s1;
	(tag) =	ssettag s2;
	_ =	strace s9  }
0x27: {  	s1 =	sld [smem:$0x3FAF]  }
0x28: {  	s2 =	sld [smem:$0x3FB0]  }
0x29: {  	s4 =	sld [smem:$0x3FB2]  }
0x2a: {  	p0 =	seq.s32 s5, $0x0;
	s5 =	sld [smem:$0x3FB3]  }
0x2b: {  	s6 =	sld [smem:$0x3FB4]  }
0x2c: {  	s7 =	sld [smem:$0x3FB5]  }
0x2d: {  	s3 =	simm.s32 $0x108;
	s8 =	sld [smem:$0x3FB6]  }
0x2e: {  	s3 =	simm.s32 @!p0 $0x1082;
	s9 =	sld [smem:$0x3FB7]  }
0x2f: {  	lr =	sadd.s32 s0, s3;
	s0 =	sld [smem:$0x3FAE]  }
0x30: {  	s3 =	sld [smem:$0x3FB1]  }
0x31: {  	[smem:$0x3FBA] =	sst s10  }
0x32: {  	s10 =	sld [smem:$0x3FB8];
	_ =	sdelay $0x3  }
0x33: {  	p0 =	seq.s32 s10, $0x1;
	s10 =	sld [smem:$0x3FBA];
	_ =	sdelay $0x3  }
0x34: {  	[smem:$0x3FBA] =	sst s10  }
0x35: {  	s10 =	sld [smem:$0x3FB9];
	_ =	sdelay $0x3  }
0x36: {  	p1 =	seq.s32 s10, $0x1;
	s10 =	sld [smem:$0x3FBA];
	_ =	sdelay $0x3  }
0x37: {  	[smem:$0x3FBA] =	sst s10  }
0x38: {  	s10 =	sld [smem:$0x3FBB]  }
0x39: {  	_ = 	snop;
	(pc) =	sbr.ind lr, $3  }
0x3a: {  	_ = 	snop  }
0x3b: {  	_ = 	snop  }
0x3c: {  	p2 =	seq.s32 s10, $0x1;
	s10 =	sld [smem:$0x3FBA]  }
0x3d: {  	_ =	shalt  }
0x3e: {  	_ =	shalt  }
0x3f: {  	_ =	shalt  }
0x40: {  	_ =	shalt  }
0x41: {  	_ =	shalt  }
0x42: {  	_ =	shalt  }
0x43: {  	_ =	shalt  }
0x44: {  	_ =	shalt  }
0x45: {  	_ =	shalt  }
0x46: {  	_ =	shalt  }
0x47: {  	_ =	shalt  }
0x48: {  	_ =	shalt  }
0x49: {  	_ =	shalt  }
0x4a: {  	_ =	shalt  }
0x4b: {  	_ =	shalt  }
0x4c: {  	_ =	shalt  }
0x4d: {  	_ =	shalt  }
0x4e: {  	_ =	shalt  }
0x4f: {  	_ =	shalt  }
0x50: {  	_ =	shalt  }
0x51: {  	_ =	shalt  }
0x52: {  	_ =	shalt  }
0x53: {  	_ =	shalt  }
0x54: {  	_ =	shalt  }
0x55: {  	_ =	shalt  }
0x56: {  	_ =	shalt  }
0x57: {  	_ =	shalt  }
0x58: {  	_ =	shalt  }
0x59: {  	_ =	shalt  }
0x5a: {  	_ =	shalt  }
0x5b: {  	_ =	shalt  }
0x5c: {  	_ =	shalt  }
0x5d: {  	_ =	shalt  }
0x5e: {  	_ =	shalt  }
0x5f: {  	_ =	shalt  }
0x60: {  	_ =	shalt  }
0x61: {  	_ =	shalt  }
0x62: {  	_ =	shalt  }
0x63: {  	_ =	shalt  }
0x64: {  	_ =	shalt  }
0x65: {  	_ =	shalt  }
0x66: {  	_ =	shalt  }
0x67: {  	_ =	shalt  }
0x68: {  	_ =	shalt  }
0x69: {  	_ =	shalt  }
0x6a: {  	_ =	shalt  }
0x6b: {  	_ =	shalt  }
0x6c: {  	_ =	shalt  }
0x6d: {  	_ =	shalt  }
0x6e: {  	_ =	shalt  }
0x6f: {  	_ =	shalt  }
0x70: {  	_ =	shalt  }
0x71: {  	_ =	shalt  }
0x72: {  	_ =	shalt  }
0x73: {  	_ =	shalt  }
0x74: {  	_ =	shalt  }
0x75: {  	_ =	shalt  }
0x76: {  	_ =	shalt  }
0x77: {  	_ =	shalt  }
0x78: {  	_ =	shalt  }
0x79: {  	_ =	shalt  }
0x7a: {  	_ =	shalt  }
0x7b: {  	_ =	shalt  }
0x7c: {  	_ =	shalt  }
0x7d: {  	_ =	shalt  }
0x7e: {  	_ =	shalt  }
0x7f: {  	_ =	shalt  }
0x80: {  	_ =	shalt  }
0x81: {  	_ =	shalt  }
0x82: {  	_ =	shalt  }
0x83: {  	_ =	shalt  }
0x84: {  	_ =	shalt  }
0x85: {  	_ =	shalt  }
0x86: {  	_ =	shalt  }
0x87: {  	_ =	shalt  }
.Lfunc_end0:
.L_simem_size_0:
called_computation_lowered:
.L_overlay_start_0:
0x88: {  	s2 =	sld [smem:$0x3FD9]  }
0x89: {  	s3 =	sld [smem:$0x3FFE];
	_ =	sdelay $0x1  }
0x8a: {  	s1 =	srdreg.scid  }
0x8b: {  	s0 =	sand.u32 $0x1, s1  }
0x8c: {  	s14 =	sshll.u32 s0, $0xA;
	s2 =	sadd.s32 s3, s2  }
0x8d: {  	s2 =	sadd.s32 s2, s14  }
0x8e: {  	[smem:$0x3FC6] =	sst s2  }
0x8f: {  	_ = 	snop  }
0x90: {  	s2 =	sld [smem:$0x3FD0];
	_ =	sdelay $0x2  }
0x91: {  	s4 =	simm.s32 $0xA;
	s5 =	simm.s32 $0x10;
	s15 =	sld [smem:$0x3FC8]  }
0x92: {  	[smem:s5], [sflag:s4] =	dma.local [hbm:s2], $0x1  }
0x93: {  	_ =	swait.eq [sflag:s4], $0x1  }
0x94: {  	[sflag:s4] =	ssyncset.done $0x0  }
0x95: {  	s16 =	sld [smem:$0x10];
	[sflag:s4] =	ssyncadd.s32 $0xFFFFFFFF  }
0x96: {  	s17 =	sld [smem:$0x11];
	(tm) =	ssettm $0x1  }
0x97: {  	s18 =	sld [smem:$0x3FFB];
	_ =	sdelay $0x3  }
0x98: {  	_ =	strace s18  }
0x99: {  	s5 =	sld [smem:$0x3FFC];
	_ =	sdelay $0x3  }
0x9a: {  	_ =	strace s5  }
0x9b: {  	s5 =	sld [smem:$0x3FFD];
	_ =	sdelay $0x3  }
0x9c: {  	_ =	strace s5  }
0x9d: {  	_ =	strace $0x8FFFFFFF  }
0x9e: {  	s19 =	sld [smem:$0x3FDB];
	_ =	sdelay $0x1  }
0x9f: {  	s6 =	simm.s32 $_scs_section_size  }
0xa0: {  	s7 =	simm.s32 $_size__tile_overlayer_lowered;
	s8 =	simm.s32 $_tile_overlayer_lowered  }
0xa1: {  	s22 =	simm.s32 $0x1BFF;
	s21 =	sshll.u32 s8, $0x1;
	s5 =	sadd.s32 s6, s19  }
0xa2: {  	s9 =	simm.s32 $0x0;
	s20 =	sshll.u32 s7, $0x1;
	s7 =	sadd.s32 s21, s5  }
0xa3: {  	[timem:s9], [sflag:s22] =	dma.local [hbm:s7], s20  }
0xa4: {  	_ =	swait.ge [sflag:s22], s20  }
0xa5: {  	s6 =	ssub.s32 $0x0, s20;
	[sflag:s22] =	ssyncset.done $0x0  }
0xa6: {  	[sflag:s22] =	ssyncadd.s32 s6;
	_ =	sdelay $0x1  }
0xa7: {  	s23 =	simm.s32 $0x1B8B  }
0xa8: {  	_ =	swait.ge [sflag:s23], $0x1  }
0xa9: {  	[sflag:s23] =	ssyncset.done $0x0  }
0xaa: {  	s25 =	simm.s32 $0x1B8E;
	s24 =	sld [smem:$0x3FFE];
	[sflag:s23] =	ssyncadd.s32 $0xFFFFFFFF  }
0xab: {  	s26 =	simm.s32 $execute0_lowered;
	[smem:$0x3FD2] =	sst s25  }
0xac: {  	s7 =	sshll.u32 s26, $0x1;
	_ =	strace $0x80000046;
	[dreg:$0x1] =	wrdreg $0xFFFFFFFF  }
0xad: {  	s28 =	simm.s32 $_size_execute0_lowered;
	s5 =	sadd.s32 s5, s7;
	[dreg:$0x0] =	wrdreg $0x0  }
0xae: {  	s7 =	sshll.u32 s28, $0x1;
	[dreg:$0x2] =	wrdreg s5  }
0xaf: {  	[dreg:$0x3] =	wrdreg s7  }
0xb0: {  	[dreg:$0x4] =	wrdreg $0xC0  }
0xb1: {  	_ =	task [dreg:s9], $0x5FFFF  }
0xb2: {  	[dreg:$0x1] =	wrdreg $0xFFFFFFFF  }
0xb3: {  	[dreg:$0x0] =	wrdreg $0x60  }
0xb4: {  	[dreg:$0x2] =	wrdreg s24  }
0xb5: {  	[dreg:$0x3] =	wrdreg s15  }
0xb6: {  	[dreg:$0x4] =	wrdreg s16  }
0xb7: {  	[dreg:$0x5] =	wrdreg s17  }
0xb8: {  	[dreg:$0x6] =	wrdreg $0x9  }
0xb9: {  	_ =	task.clear_ibuf [dreg:s9], $0x7FFFF;
	_ =	strace $0x90000046  }
0xba: {  	s29 =	simm.s32 $0x9;
	_ =	strace $0x80000048  }
0xbb: {  	_ =	swait.ge [sflag:s29], $0x1  }
0xbc: {  	[sflag:s29] =	ssyncadd.s32 $0xFFFFFFFF  }
0xbd: {  	_ =	strace $0x90000048  }
0xbe: {  	_ =	sfence  }
0xbf: {  	s30 =	sld [smem:$0x0];
	_ =	sdelay $0x2  }
0xc0: {  	s31 =	sshll.u32 s1, $0xD;
	s1 =	sshrl.u32 s1, $0x2  }
0xc1: {  	s3 =	sand.u32 $0x4000, s31;
	s1 =	sadd.s32 s1, s30  }
0xc2: {  	s0 =	sor.u32 s3, s0;
	s1 =	sshll.u32 s1, $0x11  }
0xc3: {  	s0 =	sor.u32 s1, s0  }
0xc4: {  	s0 =	sadd.s32 $0x8F2B, s0  }
0xc5: {  	[sflag:s0] =	ssyncadd.remote.s32 $0x1  }
0xc6: {  	_ =	sfence.sel $0xFFFF  }
0xc7: {  	[dreg:$0x0] =	wrdreg $0xFFFFFFFF;
	(pc) =	sbr.abs _section_cstart, $3  }
0xc8: {  	[dreg:$0x1] =	wrdreg $0xFFFFFFFF  }
0xc9: {  	_ =	task.clear_ibuf [dreg:s9], $0x2FFFF;
	_ =	strace $0x9FFFFFFF  }
0xca: {  	(tm) =	ssettm $0x7FFFFFFF  }
0xcb: {  	_ =	shalt  }
tec
execute0_lowered:
.L_overlay_start_1:
0x0: {  	(tag) =	ssettag $0x1  }
0x1: {  	v0 =	vimm.s32 $0x60402000  }
0x2: {  	v1 =	vimm.s32 $0xE0C0A080;
	vm14 =	vcmask $0xF00;
	vm13 =	vcmask $0x1F10  }
0x3: {  	vm12 =	vcmask $0x2320;
	vm3 =	vcmask $0x2724;
	vm1 =	vcmask $0x2B28  }
0x4: {  	vm10 =	vcmask $0x2F2C;
	vm11 =	vcmask $0x704;
	vm9 =	vcmask $0xB08  }
0x5: {  	vm2 =	vcmask $0x3330;
	vm8 =	vcmask $0xF0C;
	v2 =	vimm.s32 $0x61412101  }
0x6: {  	vm0 =	vcmask $0x1714;
	v3 =	vimm.s32 $0xE1C1A181;
	vm7 =	vcmask $0x1B18  }
0x7: {  	vm6 =	vcmask $0x231C;
	vm4 =	vcmask $0x3734;
	vm5 =	vcmask $0x3B38  }
0x8: {  	v4 =	vimm.s32 $0xE2C2A282;
	v5 =	vimm.s32 $0x63432303;
	v6 =	vimm.s32 $0xE3C3A383  }
0x9: {  	v7 =	vimm.s32 $0xE4C4A484;
	v8 =	vimm.s32 $0x66462606;
	v9 =	vimm.s32 $0xE6C6A686  }
0xa: {  	v10 =	vimm.s32 $0xE7C7A787;
	v11 =	vimm.s32 $0x69492909;
	v12 =	vimm.s32 $0xE9C9A989  }
0xb: {  	v13 =	vimm.s32 $0xEACAAA8A;
	v14 =	vimm.s32 $0x6C4C2C0C;
	v15 =	vimm.s32 $0xECCCAC8C  }
0xc: {  	v16 =	vimm.s32 $0xEDCDAD8D;
	v17 =	vimm.s32 $0x6F4F2F0F;
	v18 =	vimm.s32 $0xEFCFAF8F  }
0xd: {  	v19 =	vimm.s32 $0xF0D0B090;
	v20 =	vimm.s32 $0x72523212;
	v21 =	vimm.s32 $0xF2D2B292  }
0xe: {  	v22 =	vimm.s32 $0xF3D3B393;
	v23 =	vimm.s32 $0x75553515;
	v24 =	vimm.s32 $0xF5D5B595  }
0xf: {  	v25 =	vimm.s32 $0xF6D6B696;
	v26 =	vimm.s32 $0x78583818;
	v27 =	vimm.s32 $0xF8D8B898  }
0x10: {  	v28 =	vimm.s32 $0xF9D9B999;
	v29 =	vimm.s32 $0x7B5B3B1B;
	v30 =	vimm.s32 $0xFBDBBB9B  }
0x11: {  	v31 =	vimm.s32 $0xFCDCBC9C;
	v32 =	vimm.s32 $0x7E5E3E1E;
	v33 =	vimm.s32 $0xFEDEBE9E  }
0x12: {  	v60 =	vimm.s32 $0x7F5F3F1F;
	v61 =	vimm.s32 $0xFFDFBF9F;
	v62 =	vimm.s32 $0xFFFFFB80  }
0x13: {  	v34 =	vimm.s32 $0xFFFFFD80;
	v38 =	vimm.s32 $0x80A0C0E0;
	v0 =	vunpack.c.0.s8.s32 v0  }
0x14: {  	v37 =	vunpack.c.0.s8.s32 v1;
	v2 =	vunpack.c.0.s8.s32 v2;
	v3 =	vunpack.c.0.s8.s32 v3  }
0x15: {  	v4 =	vunpack.c.0.s8.s32 v4;
	v5 =	vunpack.c.0.s8.s32 v5;
	v8 =	vunpack.c.0.s8.s32 v8  }
0x16: {  	v11 =	vunpack.c.0.s8.s32 v11;
	v14 =	vunpack.c.0.s8.s32 v14;
	v17 =	vunpack.c.0.s8.s32 v17  }
0x17: {  	v20 =	vunpack.c.0.s8.s32 v20;
	v23 =	vunpack.c.0.s8.s32 v23;
	v26 =	vunpack.c.0.s8.s32 v26  }
0x18: {  	v29 =	vunpack.c.0.s8.s32 v29;
	v32 =	vunpack.c.0.s8.s32 v32;
	v34 =	vsel vm11, $0xFFFFFDA0, v34  }
0x19: {  	v33 =	vunpack.c.0.s8.s32 v33;
	v38 =	vunpack.c.0.s8.s32 v38;
	v34 =	vsel vm9, $0xFFFFFDC0, v34  }
0x1a: {  	v0 =	vand.u32 $0xFF, v0;
	v1 =	vand.u32 $0xFF, v37;
	v2 =	vand.u32 $0xFF, v2  }
0x1b: {  	v3 =	vand.u32 $0xFF, v3;
	v4 =	vand.u32 $0xFF, v4;
	v59 =	vand.u32 $0xFF, v33  }
0x1c: {  	v33 =	vunpack.c.0.s8.s32 v61;
	v34 =	vsel vm8, $0xFFFFFDE0, v34;
	v37 =	vcombine.low v37, v38  }
0x1d: {  	v0 =	vnsel vm14, $0x100, v0;
	v2 =	vnsel vm14, $0x101, v2;
	v34 =	vsel vm0, $0xFFFFFDA0, v34  }
0x1e: {  	v0 =	vsel vm13, v1, v0;
	v1 =	vimm.s32 $0xFFFFF980;
	v2 =	vsel vm13, v3, v2  }
0x1f: {  	v3 =	vimm.s32 $0x62422202;
	v33 =	vand.u32 $0xFF, v33;
	v34 =	vsel vm7, $0xFFFFFDC0, v34  }
0x20: {  	v0 =	vsel vm12, $0x1E0, v0;
	v1 =	vsel vm11, $0xFFFFF9A0, v1;
	v2 =	vsel vm12, $0x1E1, v2  }
0x21: {  	v3 =	vunpack.c.0.s8.s32 v3;
	v34 =	vsel vm6, $0xFFFFFDE0, v34;
	v0 =	vsel vm3, $0x1C0, v0  }
0x22: {  	v1 =	vsel vm9, $0xFFFFF9C0, v1;
	v2 =	vsel vm3, $0x1C1, v2;
	v34 =	vsel vm3, $0xFFFFFDC0, v34  }
0x23: {  	v0 =	vsel vm1, $0x1A0, v0;
	v1 =	vsel vm8, $0xFFFFF9E0, v1;
	v2 =	vsel vm1, $0x1A1, v2  }
0x24: {  	v3 =	vand.u32 $0xFF, v3;
	v34 =	vsel vm1, $0xFFFFFDA0, v34;
	v0 =	vsel vm10, $0x180, v0  }
0x25: {  	v1 =	vsel vm0, $0xFFFFF9A0, v1;
	v2 =	vsel vm10, $0x181, v2;
	v3 =	vnsel vm14, $0x102, v3  }
0x26: {  	v39 =	vsel vm2, $0xFFFFFDE0, v34;
	v0 =	vsel vm2, $0x160, v0;
	v1 =	vsel vm7, $0xFFFFF9C0, v1  }
0x27: {  	v2 =	vsel vm2, $0x161, v2;
	v3 =	vsel vm13, v4, v3;
	v4 =	vand.u32 $0xFF, v5  }
0x28: {  	v5 =	vunpack.c.0.s8.s32 v6;
	v6 =	vimm.s32 $0x64442404;
	v63 =	vsel vm4, $0xFFFFFDC0, v39  }
0x29: {  	v1 =	vsel vm6, $0xFFFFF9E0, v1;
	v0 =	vsel vm4, $0x140, v0;
	v2 =	vsel vm4, $0x141, v2  }
0x2a: {  	v3 =	vsel vm12, $0x1E2, v3;
	v4 =	vnsel vm14, $0x103, v4;
	v6 =	vunpack.c.0.s8.s32 v6  }
0x2b: {  	v1 =	vsel vm3, $0xFFFFF9C0, v1;
	v0 =	vsel vm5, $0x120, v0;
	v2 =	vsel vm5, $0x121, v2  }
0x2c: {  	v5 =	vand.u32 $0xFF, v5;
	v3 =	vsel vm3, $0x1C2, v3;
	v1 =	vsel vm1, $0xFFFFF9A0, v1  }
0x2d: {  	v4 =	vsel vm13, v5, v4;
	v5 =	vunpack.c.0.s8.s32 v7;
	v3 =	vsel vm1, $0x1A2, v3  }
0x2e: {  	v6 =	vand.u32 $0xFF, v6;
	v7 =	vimm.s32 $0xE5C5A585;
	v1 =	vsel vm2, $0xFFFFF9E0, v1  }
0x2f: {  	v4 =	vsel vm12, $0x1E3, v4;
	v6 =	vnsel vm14, $0x104, v6;
	v3 =	vsel vm10, $0x182, v3  }
0x30: {  	v7 =	vunpack.c.0.s8.s32 v7;
	v1 =	vsel vm4, $0xFFFFF9C0, v1;
	v4 =	vsel vm3, $0x1C3, v4  }
0x31: {  	v5 =	vand.u32 $0xFF, v5;
	v3 =	vsel vm2, $0x162, v3;
	v1 =	vsel vm5, $0xFFFFF9A0, v1  }
0x32: {  	v4 =	vsel vm1, $0x1A3, v4;
	v5 =	vsel vm13, v5, v6;
	v3 =	vsel vm4, $0x142, v3  }
0x33: {  	v6 =	vimm.s32 $0x65452505;
	v7 =	vand.u32 $0xFF, v7;
	v5 =	vsel vm12, $0x1E4, v5  }
0x34: {  	v4 =	vsel vm10, $0x183, v4;
	v6 =	vunpack.c.0.s8.s32 v6;
	v5 =	vsel vm3, $0x1C4, v5  }
0x35: {  	v3 =	vsel vm5, $0x122, v3;
	v4 =	vsel vm2, $0x163, v4;
	v5 =	vsel vm1, $0x1A4, v5  }
0x36: {  	v4 =	vsel vm4, $0x143, v4;
	v6 =	vand.u32 $0xFF, v6;
	v5 =	vsel vm10, $0x184, v5  }
0x37: {  	v4 =	vsel vm5, $0x123, v4;
	v6 =	vnsel vm14, $0x105, v6;
	v5 =	vsel vm2, $0x164, v5  }
0x38: {  	v6 =	vsel vm13, v7, v6;
	v7 =	vand.u32 $0xFF, v8;
	v8 =	vunpack.c.0.s8.s32 v9  }
0x39: {  	v9 =	vimm.s32 $0x67472707;
	v5 =	vsel vm4, $0x144, v5;
	v6 =	vsel vm12, $0x1E5, v6  }
0x3a: {  	v7 =	vnsel vm14, $0x106, v7;
	v9 =	vunpack.c.0.s8.s32 v9;
	v8 =	vand.u32 $0xFF, v8  }
0x3b: {  	v5 =	vsel vm5, $0x124, v5;
	v6 =	vsel vm3, $0x1C5, v6;
	v7 =	vsel vm13, v8, v7  }
0x3c: {  	v8 =	vunpack.c.0.s8.s32 v10;
	v6 =	vsel vm1, $0x1A5, v6;
	v9 =	vand.u32 $0xFF, v9  }
0x3d: {  	v10 =	vimm.s32 $0xE8C8A888;
	v7 =	vsel vm12, $0x1E6, v7;
	v9 =	vnsel vm14, $0x107, v9  }
0x3e: {  	v6 =	vsel vm10, $0x185, v6;
	v10 =	vunpack.c.0.s8.s32 v10;
	v7 =	vsel vm3, $0x1C6, v7  }
0x3f: {  	v8 =	vand.u32 $0xFF, v8;
	v6 =	vsel vm2, $0x165, v6;
	v7 =	vsel vm1, $0x1A6, v7  }
0x40: {  	v8 =	vsel vm13, v8, v9;
	v6 =	vsel vm4, $0x145, v6;
	v9 =	vimm.s32 $0x68482808  }
0x41: {  	v10 =	vand.u32 $0xFF, v10;
	v8 =	vsel vm12, $0x1E7, v8;
	v9 =	vunpack.c.0.s8.s32 v9  }
0x42: {  	v7 =	vsel vm10, $0x186, v7;
	v6 =	vsel vm5, $0x125, v6;
	v8 =	vsel vm3, $0x1C7, v8  }
0x43: {  	v7 =	vsel vm2, $0x166, v7;
	v8 =	vsel vm1, $0x1A7, v8;
	v9 =	vand.u32 $0xFF, v9  }
0x44: {  	v7 =	vsel vm4, $0x146, v7;
	v8 =	vsel vm10, $0x187, v8;
	v9 =	vnsel vm14, $0x108, v9  }
0x45: {  	v7 =	vsel vm5, $0x126, v7;
	v8 =	vsel vm2, $0x167, v8;
	v9 =	vsel vm13, v10, v9  }
0x46: {  	v10 =	vand.u32 $0xFF, v11;
	v11 =	vunpack.c.0.s8.s32 v12;
	v12 =	vimm.s32 $0x6A4A2A0A  }
0x47: {  	v8 =	vsel vm4, $0x147, v8;
	v9 =	vsel vm12, $0x1E8, v9;
	v10 =	vnsel vm14, $0x109, v10  }
0x48: {  	v12 =	vunpack.c.0.s8.s32 v12;
	v8 =	vsel vm5, $0x127, v8;
	v11 =	vand.u32 $0xFF, v11  }
0x49: {  	v9 =	vsel vm3, $0x1C8, v9;
	v10 =	vsel vm13, v11, v10;
	v11 =	vunpack.c.0.s8.s32 v13  }
0x4a: {  	v9 =	vsel vm1, $0x1A8, v9;
	v12 =	vand.u32 $0xFF, v12;
	v13 =	vimm.s32 $0xEBCBAB8B  }
0x4b: {  	v10 =	vsel vm12, $0x1E9, v10;
	v12 =	vnsel vm14, $0x10A, v12;
	v9 =	vsel vm10, $0x188, v9  }
0x4c: {  	v13 =	vunpack.c.0.s8.s32 v13;
	v10 =	vsel vm3, $0x1C9, v10;
	v11 =	vand.u32 $0xFF, v11  }
0x4d: {  	v9 =	vsel vm2, $0x168, v9;
	v10 =	vsel vm1, $0x1A9, v10;
	v11 =	vsel vm13, v11, v12  }
0x4e: {  	v9 =	vsel vm4, $0x148, v9;
	v12 =	vimm.s32 $0x6B4B2B0B;
	v13 =	vand.u32 $0xFF, v13  }
0x4f: {  	v10 =	vsel vm10, $0x189, v10;
	v11 =	vsel vm12, $0x1EA, v11;
	v12 =	vunpack.c.0.s8.s32 v12  }
0x50: {  	v9 =	vsel vm5, $0x128, v9;
	v10 =	vsel vm2, $0x169, v10;
	v11 =	vsel vm3, $0x1CA, v11  }
0x51: {  	v10 =	vsel vm4, $0x149, v10;
	v11 =	vsel vm1, $0x1AA, v11;
	v12 =	vand.u32 $0xFF, v12  }
0x52: {  	v10 =	vsel vm5, $0x129, v10;
	v11 =	vsel vm10, $0x18A, v11;
	v12 =	vnsel vm14, $0x10B, v12  }
0x53: {  	v11 =	vsel vm2, $0x16A, v11;
	v12 =	vsel vm13, v13, v12;
	v13 =	vand.u32 $0xFF, v14  }
0x54: {  	v14 =	vunpack.c.0.s8.s32 v15;
	v15 =	vimm.s32 $0x6D4D2D0D;
	v11 =	vsel vm4, $0x14A, v11  }
0x55: {  	v12 =	vsel vm12, $0x1EB, v12;
	v13 =	vnsel vm14, $0x10C, v13;
	v15 =	vunpack.c.0.s8.s32 v15  }
0x56: {  	v11 =	vsel vm5, $0x12A, v11;
	v14 =	vand.u32 $0xFF, v14;
	v12 =	vsel vm3, $0x1CB, v12  }
0x57: {  	v13 =	vsel vm13, v14, v13;
	v14 =	vunpack.c.0.s8.s32 v16;
	v12 =	vsel vm1, $0x1AB, v12  }
0x58: {  	v15 =	vand.u32 $0xFF, v15;
	v16 =	vimm.s32 $0xEECEAE8E;
	v13 =	vsel vm12, $0x1EC, v13  }
0x59: {  	v15 =	vnsel vm14, $0x10D, v15;
	v12 =	vsel vm10, $0x18B, v12;
	v16 =	vunpack.c.0.s8.s32 v16  }
0x5a: {  	v13 =	vsel vm3, $0x1CC, v13;
	v14 =	vand.u32 $0xFF, v14;
	v12 =	vsel vm2, $0x16B, v12  }
0x5b: {  	v13 =	vsel vm1, $0x1AC, v13;
	v14 =	vsel vm13, v14, v15;
	v12 =	vsel vm4, $0x14B, v12  }
0x5c: {  	v15 =	vimm.s32 $0x6E4E2E0E;
	v16 =	vand.u32 $0xFF, v16;
	v14 =	vsel vm12, $0x1ED, v14  }
0x5d: {  	v13 =	vsel vm10, $0x18C, v13;
	v15 =	vunpack.c.0.s8.s32 v15;
	v14 =	vsel vm3, $0x1CD, v14  }
0x5e: {  	v12 =	vsel vm5, $0x12B, v12;
	v13 =	vsel vm2, $0x16C, v13;
	v14 =	vsel vm1, $0x1AD, v14  }
0x5f: {  	v13 =	vsel vm4, $0x14C, v13;
	v15 =	vand.u32 $0xFF, v15;
	v14 =	vsel vm10, $0x18D, v14  }
0x60: {  	v13 =	vsel vm5, $0x12C, v13;
	v15 =	vnsel vm14, $0x10E, v15;
	v14 =	vsel vm2, $0x16D, v14  }
0x61: {  	v15 =	vsel vm13, v16, v15;
	v16 =	vand.u32 $0xFF, v17;
	v17 =	vunpack.c.0.s8.s32 v18  }
0x62: {  	v18 =	vimm.s32 $0x70503010;
	v14 =	vsel vm4, $0x14D, v14;
	v15 =	vsel vm12, $0x1EE, v15  }
0x63: {  	v16 =	vnsel vm14, $0x10F, v16;
	v18 =	vunpack.c.0.s8.s32 v18;
	v17 =	vand.u32 $0xFF, v17  }
0x64: {  	v14 =	vsel vm5, $0x12D, v14;
	v15 =	vsel vm3, $0x1CE, v15;
	v16 =	vsel vm13, v17, v16  }
0x65: {  	v17 =	vunpack.c.0.s8.s32 v19;
	v15 =	vsel vm1, $0x1AE, v15;
	v18 =	vand.u32 $0xFF, v18  }
0x66: {  	v19 =	vimm.s32 $0xF1D1B191;
	v16 =	vsel vm12, $0x1EF, v16;
	v18 =	vnsel vm14, $0x110, v18  }
0x67: {  	v15 =	vsel vm10, $0x18E, v15;
	v19 =	vunpack.c.0.s8.s32 v19;
	v16 =	vsel vm3, $0x1CF, v16  }
0x68: {  	v17 =	vand.u32 $0xFF, v17;
	v15 =	vsel vm2, $0x16E, v15;
	v16 =	vsel vm1, $0x1AF, v16  }
0x69: {  	v17 =	vsel vm13, v17, v18;
	v15 =	vsel vm4, $0x14E, v15;
	v18 =	vimm.s32 $0x71513111  }
0x6a: {  	v19 =	vand.u32 $0xFF, v19;
	v17 =	vsel vm12, $0x1F0, v17;
	v18 =	vunpack.c.0.s8.s32 v18  }
0x6b: {  	v16 =	vsel vm10, $0x18F, v16;
	v15 =	vsel vm5, $0x12E, v15;
	v17 =	vsel vm3, $0x1D0, v17  }
0x6c: {  	v16 =	vsel vm2, $0x16F, v16;
	v17 =	vsel vm1, $0x1B0, v17;
	v18 =	vand.u32 $0xFF, v18  }
0x6d: {  	v16 =	vsel vm4, $0x14F, v16;
	v17 =	vsel vm10, $0x190, v17;
	v18 =	vnsel vm14, $0x111, v18  }
0x6e: {  	v16 =	vsel vm5, $0x12F, v16;
	v17 =	vsel vm2, $0x170, v17;
	v18 =	vsel vm13, v19, v18  }
0x6f: {  	v19 =	vand.u32 $0xFF, v20;
	v20 =	vunpack.c.0.s8.s32 v21;
	v21 =	vimm.s32 $0x73533313  }
0x70: {  	v17 =	vsel vm4, $0x150, v17;
	v18 =	vsel vm12, $0x1F1, v18;
	v19 =	vnsel vm14, $0x112, v19  }
0x71: {  	v21 =	vunpack.c.0.s8.s32 v21;
	v17 =	vsel vm5, $0x130, v17;
	v20 =	vand.u32 $0xFF, v20  }
0x72: {  	v18 =	vsel vm3, $0x1D1, v18;
	v19 =	vsel vm13, v20, v19;
	v20 =	vunpack.c.0.s8.s32 v22  }
0x73: {  	v18 =	vsel vm1, $0x1B1, v18;
	v21 =	vand.u32 $0xFF, v21;
	v22 =	vimm.s32 $0xF4D4B494  }
0x74: {  	v19 =	vsel vm12, $0x1F2, v19;
	v21 =	vnsel vm14, $0x113, v21;
	v18 =	vsel vm10, $0x191, v18  }
0x75: {  	v22 =	vunpack.c.0.s8.s32 v22;
	v19 =	vsel vm3, $0x1D2, v19;
	v20 =	vand.u32 $0xFF, v20  }
0x76: {  	v18 =	vsel vm2, $0x171, v18;
	v19 =	vsel vm1, $0x1B2, v19;
	v20 =	vsel vm13, v20, v21  }
0x77: {  	v18 =	vsel vm4, $0x151, v18;
	v21 =	vimm.s32 $0x74543414;
	v22 =	vand.u32 $0xFF, v22  }
0x78: {  	v19 =	vsel vm10, $0x192, v19;
	v20 =	vsel vm12, $0x1F3, v20;
	v21 =	vunpack.c.0.s8.s32 v21  }
0x79: {  	v18 =	vsel vm5, $0x131, v18;
	v19 =	vsel vm2, $0x172, v19;
	v20 =	vsel vm3, $0x1D3, v20  }
0x7a: {  	v19 =	vsel vm4, $0x152, v19;
	v20 =	vsel vm1, $0x1B3, v20;
	v21 =	vand.u32 $0xFF, v21  }
0x7b: {  	v19 =	vsel vm5, $0x132, v19;
	v20 =	vsel vm10, $0x193, v20;
	v21 =	vnsel vm14, $0x114, v21  }
0x7c: {  	v20 =	vsel vm2, $0x173, v20;
	v21 =	vsel vm13, v22, v21;
	v22 =	vand.u32 $0xFF, v23  }
0x7d: {  	v23 =	vunpack.c.0.s8.s32 v24;
	v24 =	vimm.s32 $0x76563616;
	v20 =	vsel vm4, $0x153, v20  }
0x7e: {  	v21 =	vsel vm12, $0x1F4, v21;
	v22 =	vnsel vm14, $0x115, v22;
	v24 =	vunpack.c.0.s8.s32 v24  }
0x7f: {  	v20 =	vsel vm5, $0x133, v20;
	v23 =	vand.u32 $0xFF, v23;
	v21 =	vsel vm3, $0x1D4, v21  }
0x80: {  	v22 =	vsel vm13, v23, v22;
	v23 =	vunpack.c.0.s8.s32 v25;
	v21 =	vsel vm1, $0x1B4, v21  }
0x81: {  	v24 =	vand.u32 $0xFF, v24;
	v25 =	vimm.s32 $0xF7D7B797;
	v22 =	vsel vm12, $0x1F5, v22  }
0x82: {  	v24 =	vnsel vm14, $0x116, v24;
	v21 =	vsel vm10, $0x194, v21;
	v25 =	vunpack.c.0.s8.s32 v25  }
0x83: {  	v22 =	vsel vm3, $0x1D5, v22;
	v23 =	vand.u32 $0xFF, v23;
	v21 =	vsel vm2, $0x174, v21  }
0x84: {  	v22 =	vsel vm1, $0x1B5, v22;
	v23 =	vsel vm13, v23, v24;
	v21 =	vsel vm4, $0x154, v21  }
0x85: {  	v24 =	vimm.s32 $0x77573717;
	v25 =	vand.u32 $0xFF, v25;
	v23 =	vsel vm12, $0x1F6, v23  }
0x86: {  	v22 =	vsel vm10, $0x195, v22;
	v24 =	vunpack.c.0.s8.s32 v24;
	v23 =	vsel vm3, $0x1D6, v23  }
0x87: {  	v21 =	vsel vm5, $0x134, v21;
	v22 =	vsel vm2, $0x175, v22;
	v23 =	vsel vm1, $0x1B6, v23  }
0x88: {  	v22 =	vsel vm4, $0x155, v22;
	v24 =	vand.u32 $0xFF, v24;
	v23 =	vsel vm10, $0x196, v23  }
0x89: {  	v22 =	vsel vm5, $0x135, v22;
	v24 =	vnsel vm14, $0x117, v24;
	v23 =	vsel vm2, $0x176, v23  }
0x8a: {  	v24 =	vsel vm13, v25, v24;
	v25 =	vand.u32 $0xFF, v26;
	v26 =	vunpack.c.0.s8.s32 v27  }
0x8b: {  	v27 =	vimm.s32 $0x79593919;
	v23 =	vsel vm4, $0x156, v23;
	v24 =	vsel vm12, $0x1F7, v24  }
0x8c: {  	v25 =	vnsel vm14, $0x118, v25;
	v27 =	vunpack.c.0.s8.s32 v27;
	v26 =	vand.u32 $0xFF, v26  }
0x8d: {  	v23 =	vsel vm5, $0x136, v23;
	v24 =	vsel vm3, $0x1D7, v24;
	v25 =	vsel vm13, v26, v25  }
0x8e: {  	v26 =	vunpack.c.0.s8.s32 v28;
	v24 =	vsel vm1, $0x1B7, v24;
	v27 =	vand.u32 $0xFF, v27  }
0x8f: {  	v28 =	vimm.s32 $0xFADABA9A;
	v25 =	vsel vm12, $0x1F8, v25;
	v27 =	vnsel vm14, $0x119, v27  }
0x90: {  	v24 =	vsel vm10, $0x197, v24;
	v28 =	vunpack.c.0.s8.s32 v28;
	v25 =	vsel vm3, $0x1D8, v25  }
0x91: {  	v26 =	vand.u32 $0xFF, v26;
	v24 =	vsel vm2, $0x177, v24;
	v25 =	vsel vm1, $0x1B8, v25  }
0x92: {  	v26 =	vsel vm13, v26, v27;
	v24 =	vsel vm4, $0x157, v24;
	v27 =	vimm.s32 $0x7A5A3A1A  }
0x93: {  	v28 =	vand.u32 $0xFF, v28;
	v26 =	vsel vm12, $0x1F9, v26;
	v27 =	vunpack.c.0.s8.s32 v27  }
0x94: {  	v25 =	vsel vm10, $0x198, v25;
	v24 =	vsel vm5, $0x137, v24;
	v26 =	vsel vm3, $0x1D9, v26  }
0x95: {  	v25 =	vsel vm2, $0x178, v25;
	v26 =	vsel vm1, $0x1B9, v26;
	v27 =	vand.u32 $0xFF, v27  }
0x96: {  	v25 =	vsel vm4, $0x158, v25;
	v26 =	vsel vm10, $0x199, v26;
	v27 =	vnsel vm14, $0x11A, v27  }
0x97: {  	v25 =	vsel vm5, $0x138, v25;
	v26 =	vsel vm2, $0x179, v26;
	v27 =	vsel vm13, v28, v27  }
0x98: {  	v28 =	vand.u32 $0xFF, v29;
	v29 =	vunpack.c.0.s8.s32 v30;
	v30 =	vimm.s32 $0x7C5C3C1C  }
0x99: {  	v26 =	vsel vm4, $0x159, v26;
	v27 =	vsel vm12, $0x1FA, v27;
	v28 =	vnsel vm14, $0x11B, v28  }
0x9a: {  	v30 =	vunpack.c.0.s8.s32 v30;
	v26 =	vsel vm5, $0x139, v26;
	v29 =	vand.u32 $0xFF, v29  }
0x9b: {  	v27 =	vsel vm3, $0x1DA, v27;
	v28 =	vsel vm13, v29, v28;
	v29 =	vunpack.c.0.s8.s32 v31  }
0x9c: {  	v27 =	vsel vm1, $0x1BA, v27;
	v30 =	vand.u32 $0xFF, v30;
	v31 =	vimm.s32 $0xFDDDBD9D  }
0x9d: {  	v28 =	vsel vm12, $0x1FB, v28;
	v30 =	vnsel vm14, $0x11C, v30;
	v27 =	vsel vm10, $0x19A, v27  }
0x9e: {  	v31 =	vunpack.c.0.s8.s32 v31;
	v28 =	vsel vm3, $0x1DB, v28;
	v29 =	vand.u32 $0xFF, v29  }
0x9f: {  	v27 =	vsel vm2, $0x17A, v27;
	v28 =	vsel vm1, $0x1BB, v28;
	v29 =	vsel vm13, v29, v30  }
0xa0: {  	v27 =	vsel vm4, $0x15A, v27;
	v30 =	vimm.s32 $0x7D5D3D1D;
	v31 =	vand.u32 $0xFF, v31  }
0xa1: {  	v28 =	vsel vm10, $0x19B, v28;
	v29 =	vsel vm12, $0x1FC, v29;
	v30 =	vunpack.c.0.s8.s32 v30  }
0xa2: {  	v27 =	vsel vm5, $0x13A, v27;
	v28 =	vsel vm2, $0x17B, v28;
	v29 =	vsel vm3, $0x1DC, v29  }
0xa3: {  	v28 =	vsel vm4, $0x15B, v28;
	v29 =	vsel vm1, $0x1BC, v29;
	v30 =	vand.u32 $0xFF, v30  }
0xa4: {  	v28 =	vsel vm5, $0x13B, v28;
	v29 =	vsel vm10, $0x19C, v29;
	v30 =	vnsel vm14, $0x11D, v30  }
0xa5: {  	v29 =	vsel vm2, $0x17C, v29;
	v30 =	vsel vm13, v31, v30;
	v31 =	vand.u32 $0xFF, v32  }
0xa6: {  	v32 =	vunpack.c.0.s8.s32 v60;
	v29 =	vsel vm4, $0x15C, v29;
	v31 =	vnsel vm14, $0x11E, v31  }
0xa7: {  	v30 =	vsel vm12, $0x1FD, v30;
	v29 =	vsel vm5, $0x13C, v29;
	v31 =	vsel vm13, v59, v31  }
0xa8: {  	s4 =	rddreg [dreg:$0x0];
	v30 =	vsel vm3, $0x1DD, v30;
	v32 =	vand.u32 $0xFF, v32;
	v31 =	vsel vm12, $0x1FE, v31  }
0xa9: {  	s0 =	rddreg [dreg:$0x1];
	v30 =	vsel vm1, $0x1BD, v30;
	v32 =	vnsel vm14, $0x11F, v32;
	v31 =	vsel vm3, $0x1DE, v31  }
0xaa: {  	s5 =	rddreg [dreg:$0x2];
	v30 =	vsel vm10, $0x19D, v30;
	v32 =	vsel vm13, v33, v32;
	v33 =	vsel vm11, $0xFFFFFBA0, v62  }
0xab: {  	s6 =	rddreg [dreg:$0x3];
	v31 =	vsel vm1, $0x1BE, v31;
	v30 =	vsel vm2, $0x17D, v30;
	v33 =	vsel vm9, $0xFFFFFBC0, v33  }
0xac: {  	s1 =	rddreg [dreg:$0x4];
	v32 =	vsel vm12, $0x1FF, v32;
	v31 =	vsel vm10, $0x19E, v31;
	v33 =	vsel vm8, $0xFFFFFBE0, v33  }
0xad: {  	s7 =	srdreg.scid;
	s2 =	stileid.u32;
	v30 =	vsel vm4, $0x15D, v30;
	v32 =	vsel vm3, $0x1DF, v32;
	v33 =	vsel vm0, $0xFFFFFBA0, v33  }
0xae: {  	s3 =	simm.s32 $0x0;
	s11 =	simm.s32 $0x10980;
	s12 =	simm.s32 $0x0;
	v31 =	vsel vm2, $0x17E, v31;
	v30 =	vsel vm5, $0x13D, v30;
	v35 =	vsel vm7, $0xFFFFFBC0, v33  }
0xaf: {  	s7 =	sand.u32 $0x1, s7;
	s8 =	sshll.u32 s2, $0x1;
	[smem:$0x7FF] =	sst s3;
	v32 =	vsel vm1, $0x1BF, v32;
	vm0 =	vmmov $0xff;
	v35 =	vsel vm6, $0xFFFFFBE0, v35  }
0xb0: {  	s8 =	sor.u32 s7, s8;
	s7 =	ssub.s32 $0x2, s7;
	_ =	strace $0x80000047;
	v31 =	vsel vm4, $0x15E, v31;
	v32 =	vsel vm10, $0x19F, v32;
	v35 =	vsel vm3, $0xFFFFFBC0, v35  }
0xb1: {  	s9 =	sshll.u32 s8, $0xD;
	s10 =	sshrl.u32 s7, $0x1;
	s8 =	sshll.u32 s8, $0x8;
	v33 =	vlaneseq.u32;
	v32 =	vsel vm2, $0x17F, v32;
	v35 =	vsel vm1, $0xFFFFFBA0, v35  }
0xb2: {  	s4 =	sadd.s32 s9, s4;
	s7 =	ssub.s32 s7, s10;
	s5 =	sadd.s32 s5, s8;
	v36 =	vmul.u32 $0xFFFFFFFF, v33;
	v32 =	vsel vm4, $0x15F, v32;
	v35 =	vsel vm2, $0xFFFFFBE0, v35  }
0xb3: {  	s6 =	sadd.s32 s6, s8;
	s8 =	simm.s32 $0x10000;
	s9 =	simm.s32 $0x1;
	v31 =	vsel vm5, $0x13E, v31;
	v32 =	vsel vm5, $0x13F, v32;
	v35 =	vsel vm4, $0xFFFFFBC0, v35  }
0xb4: {  	s10 =	simm.s32 $0x10100;
	s4 =	sadd.s32 $0xC00, s4;
	s7 =	smax.u32 s7, $0x1;
	v34 =	vadd.s32 $0xF, v36;
	v36 =	vsel vm5, $0xFFFFFDA0, v63;
	v35 =	vsel vm5, $0xFFFFFBA0, v35  }
.LBB2_1:
0xb5: {  	[tilespmem:s8], [sflag:$0x1] =	stream.linear.gather [hbm4b:s0+s3], $0x100, $0x38;
	[tilespmem:$0x11200] =	vst v63  }
0xb6: {  	_ =	swait.ge [sflag:s9], $0x100  }
0xb7: {  	[sflag:s9] =	ssyncset.done $0x0  }
0xb8: {  	[sflag:s9] =	ssyncadd.s32 $0xFFFFFF00  }
0xb9: {  	[tilespmem:s3], [sflag:$0x1] =	stream.linear.gather [hbm4b:s4+s3], $0x10000, $0x38;
	[tilespmem:$0x11200] =	vst v63  }
0xba: {  	_ =	swait.ge [sflag:s9], $0x10000  }
0xbb: {  	s13 =	simm.s32 $0xFFFFFFFC;
	s14 =	simm.s32 $0x700;
	[sflag:s9] =	ssyncset.done $0x0  }
0xbc: {  	s15 =	simm.s32 $0x109A0;
	s16 =	simm.s32 $0x10120;
	[sflag:s9] =	ssyncadd.s32 $0xFFFF0000  }
.LBB2_2:
0xbd: {  	s17 =	sadd.s32 $0xFFFFF900, s14  }
0xbe: {  	v39 =	vor.u32 s17, v2  }
0xbf: {  	v40 =	vor.u32 s17, v3  }
0xc0: {  	v41 =	vor.u32 s17, v4  }
0xc1: {  	v43 =	vor.u32 s17, v6  }
0xc2: {  	v38 =	vor.u32 s17, v0;
	v48 =	vor.u32 s17, v9  }
0xc3: {  	v38 =	vand.u32 v1, v38;
	v39 =	vld.idx.msk [tilespmem:v39+s3+$0x0], $0xffff  }
0xc4: {  	v61 =	vor.u32 s17, v10;
	v40 =	vld.idx.msk [tilespmem:v40+s3+$0x0], $0xffff  }
0xc5: {  	v42 =	vor.u32 s17, v5;
	v41 =	vld.idx.msk [tilespmem:v41+s3+$0x0], $0xffff  }
0xc6: {  	v63 =	vor.u32 s17, v11;
	v60 =	vld.idx.msk [tilespmem:v43+s3+$0x0], $0xffff  }
0xc7: {  	v55 =	vor.u32 s17, v13;
	v54 =	vld.idx.msk [tilespmem:v48+s3+$0x0], $0xffff  }
0xc8: {  	v38 =	vld.idx.msk [tilespmem:v38+s3+$0x0], $0xffff  }
0xc9: {  	v44 =	vor.u32 s17, v7;
	v43 =	vld.idx.msk [tilespmem:v61+s3+$0x0], $0xffff  }
0xca: {  	v58 =	vor.u32 s17, v14;
	v42 =	vld.idx.msk [tilespmem:v42+s3+$0x0], $0xffff  }
0xcb: {  	v45 =	vor.u32 s17, v8;
	v52 =	vor.u32 s17, v12;
	v57 =	vld.idx.msk [tilespmem:v63+s3+$0x0], $0xffff  }
0xcc: {  	v49 =	vor.u32 s17, v17;
	v48 =	vld.idx.msk [tilespmem:v55+s3+$0x0], $0xffff;
	v63 =	vor.u32 s17, v18;
	v55 =	vor.u32 s17, v28  }
0xcd: {  	v46 =	vmin.f32 v38, $-Inf;
	v47 =	vmin.f32 v38, v39;
	v38 =	vmax.f32 v38, v39  }
0xce: {  	v44 =	vld.idx.msk [tilespmem:v44+s3+$0x0], $0xffff;
	v50 =	vmin.f32 v54, v43;
	v46 =	vmax.f32 v46, v47;
	v62 =	vmin.f32 v38, v40  }
0xcf: {  	v38 =	vmax.f32 v38, v40;
	v40 =	vld.idx.msk [tilespmem:v58+s3+$0x0], $0xffff;
	v58 =	vor.u32 s17, v20;
	v46 =	vmax.f32 v46, v62  }
0xd0: {  	v51 =	vmin.f32 v38, v41;
	v38 =	vmax.f32 v38, v41;
	v41 =	vld.idx.msk [tilespmem:v45+s3+$0x0], $0xffff;
	v62 =	vmin.f32 v54, $-Inf  }
0xd1: {  	v45 =	vld.idx.msk [tilespmem:v52+s3+$0x0], $0xffff;
	v52 =	vor.u32 s17, v21;
	v46 =	vmax.f32 v46, v51;
	v53 =	vmin.f32 v38, v42  }
0xd2: {  	v38 =	vmax.f32 v38, v42;
	v42 =	vmax.f32 v54, v43;
	v47 =	vmax.f32 v62, v50  }
0xd3: {  	v51 =	vor.u32 s17, v19;
	v43 =	vld.idx.msk [tilespmem:v63+s3+$0x0], $0xffff;
	v63 =	vor.u32 s17, v23;
	v46 =	vmax.f32 v46, v53  }
0xd4: {  	v49 =	vld.idx.msk [tilespmem:v49+s3+$0x0], $0xffff;
	v56 =	vmin.f32 v38, v60;
	v38 =	vmax.f32 v38, v60;
	v60 =	vor.u32 s17, v15  }
0xd5: {  	v39 =	vmax.f32 v42, v57;
	v53 =	vor.u32 s17, v24;
	v46 =	vmax.f32 v46, v56  }
0xd6: {  	v59 =	vmin.f32 v38, v44;
	v38 =	vmax.f32 v38, v44;
	v56 =	vmin.f32 v42, v57  }
0xd7: {  	v44 =	vor.u32 s17, v16;
	v57 =	vmin.f32 v39, v45;
	v39 =	vmax.f32 v39, v45;
	v45 =	vld.idx.msk [tilespmem:v58+s3+$0x0], $0xffff  }
0xd8: {  	v46 =	vmax.f32 v46, v59;
	v47 =	vmax.f32 v47, v56;
	v61 =	vmin.f32 v38, v41;
	v62 =	vld.idx.msk [tilespmem:v51+s3+$0x0], $0xffff  }
0xd9: {  	v38 =	vmax.f32 v38, v41;
	v58 =	vmin.f32 v49, $-Inf;
	v42 =	vld.idx.msk [tilespmem:v60+s3+$0x0], $0xffff;
	v60 =	vor.u32 s17, v22  }
0xda: {  	v46 =	vmax.f32 v46, v61;
	v47 =	vmax.f32 v47, v57;
	v59 =	vmin.f32 v39, v48  }
0xdb: {  	v39 =	vmax.f32 v39, v48;
	v57 =	vor.u32 s17, v25;
	v54 =	vmin.f32 v49, v43  }
0xdc: {  	v50 =	vld.idx.msk [tilespmem:v52+s3+$0x0], $0xffff;
	v43 =	vmax.f32 v49, v43;
	v47 =	vmax.f32 v47, v59;
	v59 =	vor.u32 s17, v26  }
0xdd: {  	v49 =	vor.u32 s17, v27;
	v61 =	vmin.f32 v39, v40;
	v39 =	vmax.f32 v39, v40;
	v44 =	vld.idx.msk [tilespmem:v44+s3+$0x0], $0xffff  }
0xde: {  	v47 =	vmax.f32 v47, v61;
	v40 =	vmax.f32 v43, v62;
	v56 =	vmin.f32 v39, v42;
	v48 =	vld.idx.msk [tilespmem:v60+s3+$0x0], $0xffff  }
0xdf: {  	v39 =	vmax.f32 v39, v42;
	v42 =	vmax.f32 v58, v54;
	v60 =	vmin.f32 v43, v62;
	v43 =	vld.idx.msk [tilespmem:v53+s3+$0x0], $0xffff  }
0xe0: {  	v61 =	vmin.f32 v40, v45;
	v40 =	vmax.f32 v40, v45;
	v45 =	vld.idx.msk [tilespmem:v57+s3+$0x0], $0xffff;
	v62 =	vor.u32 s17, v30  }
0xe1: {  	v53 =	vor.u32 s17, v29;
	v52 =	vld.idx.msk [tilespmem:v59+s3+$0x0], $0xffff;
	v57 =	vor.u32 s17, v32;
	v41 =	vmax.f32 v47, v56  }
0xe2: {  	v51 =	vld.idx.msk [tilespmem:v63+s3+$0x0], $0xffff;
	v42 =	vmax.f32 v42, v60;
	v63 =	vmin.f32 v40, v50;
	v56 =	vor.u32 s17, v31  }
0xe3: {  	v49 =	vld.idx.msk [tilespmem:v49+s3+$0x0], $0xffff;
	v40 =	vmax.f32 v40, v50;
	v59 =	vmin.f32 v39, v44;
	v42 =	vmax.f32 v42, v61  }
0xe4: {  	v55 =	vld.idx.msk [tilespmem:v55+s3+$0x0], $0xffff;
	v39 =	vmax.f32 v39, v44;
	v41 =	vmax.f32 v41, v59;
	v42 =	vmax.f32 v42, v63  }
0xe5: {  	v58 =	vmin.f32 v40, v48;
	v40 =	vmax.f32 v40, v48;
	v61 =	vld.idx.msk [tilespmem:v62+s3+$0x0], $0xffff;
	v62 =	vmin.f32 v45, $-Inf  }
0xe6: {  	v53 =	vld.idx.msk [tilespmem:v53+s3+$0x0], $0xffff;
	v63 =	vmin.f32 v45, v52;
	v45 =	vmax.f32 v45, v52;
	v42 =	vmax.f32 v42, v58  }
0xe7: {  	v60 =	vmin.f32 v40, v51;
	v40 =	vmax.f32 v40, v51;
	v47 =	vmax.f32 v62, v63  }
0xe8: {  	v54 =	vld.idx.msk [tilespmem:v56+s3+$0x0], $0xffff;
	v56 =	vmin.f32 v45, v49;
	v45 =	vmax.f32 v45, v49;
	v42 =	vmax.f32 v42, v60  }
0xe9: {  	v57 =	vld.idx.msk [tilespmem:v57+s3+$0x0], $0xffff;
	v47 =	vmax.f32 v47, v56;
	v58 =	vmin.f32 v45, v55;
	v45 =	vmax.f32 v45, v55  }
0xea: {  	v63 =	vmin.f32 v40, v43;
	v40 =	vmax.f32 v40, v43;
	v55 =	vmax.f32 v46, v41  }
0xeb: {  	v47 =	vmax.f32 v47, v58;
	v59 =	vmin.f32 v45, v53;
	v45 =	vmax.f32 v45, v53  }
0xec: {  	v47 =	vmax.f32 v47, v59;
	v60 =	vmin.f32 v45, v61;
	v44 =	vmax.f32 v45, v61  }
0xed: {  	v61 =	vmax.f32 v47, v60;
	v62 =	vmin.f32 v44, v54;
	v44 =	vmax.f32 v44, v54  }
0xee: {  	v42 =	vmax.f32 v42, v63;
	v45 =	vmax.f32 v61, v62;
	v52 =	vmin.f32 v44, v57  }
0xef: {  	v54 =	vmax.f32 v38, v39;
	v44 =	vmax.f32 v44, v57;
	v53 =	vmax.f32 v45, v52  }
0xf0: {  	v38 =	vmin.f32 v38, v39;
	v56 =	vmin.f32 v40, v44;
	v42 =	vmax.f32 v42, v53  }
0xf1: {  	v38 =	vmax.f32 v38, v55;
	v57 =	vmax.f32 v40, v44;
	v58 =	vmax.f32 v56, v42  }
0xf2: {  	v59 =	vmin.f32 v54, v57;
	v38 =	vmax.f32 v38, v58  }
0xf3: {  	v39 =	vmax.f32 v54, v57;
	v38 =	vmax.f32 v59, v38  }
0xf4: {  	v38 =	vadd.f32 v38, v39;
	_ =	sdelay $0x1  }
0xf5: {  	v39 =	vnsel vm0, $0xFF800000, v38  }
0xf6: {  	(xrf1) =	vsort.dscd.msk.f32 $0xffff, v39, v33;
	_ =	sdelay $0xd  }
0xf7: {  	_, v39, _ =	vpop (xrf1)  }
0xf8: {  	v39 =	vshll.u32 v39, $0x5  }
0xf9: {  	(v2sf) =	vpush v39, $0x0;
	_ =	sdelay $0x1  }
0xfa: {  	(v2sf) =	vpush v39, $0x1;
	_ =	sdelay $0x1  }
0xfb: {  	(v2sf) =	vpush v39, $0x2;
	_ =	sdelay $0x3  }
0xfc: {  	(v2sf) =	vpush v39, $0x3;
	_ =	sdelay $0x6  }
0xfd: {  	s18 =	spop (v2sf)  }
0xfe: {  	s19 =	sadd.s32 s18, s17  }
0xff: {  	s20 =	sor.u32 $0x10, s18;
	s21 =	spop (v2sf);
	s18 =	sand.u32 $0x60, s18  }
0x100: {  	s19 =	sand.u32 $0xFFFFFF80, s19;
	s22 =	sand.u32 $0x70, s20;
	s23 =	sadd.s32 s21, s17  }
0x101: {  	s30 =	sand.u32 $0x60, s21;
	s21 =	sor.u32 $0x10, s21;
	s24 =	spop (v2sf)  }
0x102: {  	s18 =	sor.u32 s18, s19;
	s19 =	sor.u32 s22, s19;
	s29 =	sand.u32 $0xFFFFFF80, s23  }
0x103: {  	s26 =	sand.u32 $0x70, s21;
	s25 =	sadd.s32 s24, s17;
	s23 =	sor.u32 $0x10, s24;
	v60 =	vld [tilespmem:s18+$0x0]  }
0x104: {  	v38 =	vperm.xlane v38, v34;
	s31 =	sor.u32 s30, s29;
	v61 =	vld [tilespmem:s19+$0x0];
	s28 =	sor.u32 s26, s29;
	s29 =	sand.u32 $0xFFFFFF80, s25  }
0x105: {  	v62 =	vbroadcast v39, $0x0;
	s30 =	sand.u32 $0x60, s24;
	s25 =	spop (v2sf);
	v63 =	vld [tilespmem:s31+$0x0];
	s31 =	sand.u32 $0x70, s23  }
0x106: {  	v38 =	vnsel vm0, $0xFF800000, v38;
	v48 =	vld [tilespmem:s28+$0x0];
	s18 =	sor.u32 s30, s29;
	s28 =	sadd.s32 s25, s17;
	s30 =	sand.u32 $0x60, s25  }
0x107: {  	(xrf1) =	vsort.dscd.msk.f32 $0xffff, v38, v33;
	v50 =	vbroadcast v39, $0x1;
	v49 =	vor.u32 v33, v62;
	s26 =	sor.u32 s31, s29;
	v51 =	vld [tilespmem:s18+$0x0];
	s29 =	sand.u32 $0xFFFFFF80, s28;
	s31 =	sor.u32 $0x10, s25  }
0x108: {  	v52 =	vor.u32 s20, v33;
	v53 =	vld [tilespmem:s26+$0x0];
	s26 =	sor.u32 s30, s29;
	s28 =	sand.u32 $0x70, s31;
	(xrf1) =	vsort.dscd.msk.f32 $0xffff, v60, v49  }
0x109: {  	v54 =	vor.u32 v33, v50;
	v39 =	vbroadcast v39, $0x2;
	v55 =	vld [tilespmem:s26+$0x0];
	s18 =	sor.u32 s28, s29;
	(xrf1) =	vsort.dscd.msk.f32 $0xffff, v61, v52  }
0x10a: {  	v56 =	vor.u32 s21, v33;
	v57 =	vld [tilespmem:s18+$0x0];
	(xrf1) =	vsort.dscd.msk.f32 $0xffff, v63, v54  }
0x10b: {  	v58 =	vor.u32 v33, v39;
	(xrf1) =	vsort.dscd.msk.f32 $0xffff, v48, v56  }
0x10c: {  	v59 =	vor.u32 s23, v33;
	(xrf1) =	vsort.dscd.msk.f32 $0xffff, v51, v58  }
0x10d: {  	v60 =	vor.u32 s25, v33;
	(xrf1) =	vsort.dscd.msk.f32 $0xffff, v53, v59  }
0x10e: {  	v61 =	vor.u32 s31, v33;
	(xrf1) =	vsort.dscd.msk.f32 $0xffff, v55, v60  }
0x10f: {  	(xrf1) =	vsort.dscd.msk.f32 $0xffff, v57, v61;
	_ =	sdelay $0x5  }
0x110: {  	_, v38, _ =	vpop (xrf1)  }
0x111: {  	v62, v63, _ =	vpop (xrf1)  }
0x112: {  	v52, v53, _ =	vpop (xrf1)  }
0x113: {  	v43, v44, _ =	vpop (xrf1)  }
0x114: {  	v41 =	vperm.xlane v52, v34;
	v55, v54, _ =	vpop (xrf1)  }
0x115: {  	v42 =	vperm.xlane v53, v34;
	v56, v48, _ =	vpop (xrf1);
	v45 =	vperm.xlane v55, v34  }
0x116: {  	vm1 =	vge.f32 v62, v41;
	v60 =	vperm.xlane v54, v34;
	v57, v50, _ =	vpop (xrf1)  }
0x117: {  	v39 =	vsel vm1, v62, v41;
	v40 =	vsel vm1, v63, v42;
	v59, v58, _ =	vpop (xrf1);
	vm1 =	vge.f32 v43, v45  }
0x118: {  	(xrf1) =	vsort.dscd.msk.f32 $0xffff, v39, v40;
	v49 =	vperm.xlane v57, v34;
	v53 =	vperm.xlane v50, v34;
	v62, v61, _ =	vpop (xrf1)  }
0x119: {  	v63 =	vsel vm1, v43, v45;
	v42 =	vsel vm1, v44, v60;
	v54 =	vperm.xlane v62, v34  }
0x11a: {  	(xrf1) =	vsort.dscd.msk.f32 $0xffff, v63, v42;
	vm1 =	vge.f32 v56, v49;
	v55 =	vperm.xlane v61, v34  }
0x11b: {  	v40 =	vsel vm1, v56, v49;
	v56 =	vsel vm1, v48, v53;
	vm1 =	vge.f32 v59, v54  }
0x11c: {  	(xrf1) =	vsort.dscd.msk.f32 $0xffff, v40, v56;
	v57 =	vsel vm1, v59, v54;
	v39 =	vsel vm1, v58, v55  }
0x11d: {  	(xrf1) =	vsort.dscd.msk.f32 $0xffff, v57, v39;
	_ =	sdelay $0xa  }
0x11e: {  	v39, v40, _ =	vpop (xrf1)  }
0x11f: {  	v59, v58, _ =	vpop (xrf1)  }
0x120: {  	v60, v61, _ =	vpop (xrf1)  }
0x121: {  	v41 =	vperm.xlane v59, v34;
	v62, v63, _ =	vpop (xrf1)  }
0x122: {  	v42 =	vperm.xlane v58, v34;
	v45 =	vperm.xlane v62, v34  }
0x123: {  	vm1 =	vge.f32 v39, v41;
	v46 =	vperm.xlane v63, v34  }
0x124: {  	v39 =	vsel vm1, v39, v41;
	v40 =	vsel vm1, v40, v42;
	vm1 =	vge.f32 v60, v45  }
0x125: {  	(xrf1) =	vsort.dscd.msk.f32 $0xffff, v39, v40;
	v45 =	vsel vm1, v60, v45;
	v47 =	vsel vm1, v61, v46  }
0x126: {  	(xrf1) =	vsort.dscd.msk.f32 $0xffff, v45, v47;
	_ =	sdelay $0xc  }
0x127: {  	v39, v40, _ =	vpop (xrf1)  }
0x128: {  	v48, v49, _ =	vpop (xrf1)  }
0x129: {  	v41 =	vperm.xlane v48, v34  }
0x12a: {  	v42 =	vperm.xlane v49, v34  }
0x12b: {  	vm1 =	vge.f32 v39, v41  }
0x12c: {  	v39 =	vsel vm1, v39, v41;
	v40 =	vsel vm1, v40, v42  }
0x12d: {  	(xrf1) =	vsort.dscd.msk.f32 $0xffff, v39, v40;
	_ =	sdelay $0xd  }
0x12e: {  	v39, v40, _ =	vpop (xrf1)  }
0x12f: {  	v40 =	vxor.u32 $0x80000000, v40  }
0x130: {  	(xrf1) =	vsort.ascd.msk.u32 $0xffff, v40, v39;
	_ =	sdelay $0xd  }
0x131: {  	v39, v40, _ =	vpop (xrf1)  }
0x132: {  	v39 =	vxor.u32 $0x80000000, v39  }
0x133: {  	(xrf1) =	vsort.dscd.msk.f32 $0xffff, v40, v39;
	_ =	sdelay $0xd  }
0x134: {  	_, v39, _ =	vpop (xrf1)  }
0x135: {  	v39 =	vnsel vm0, $0x0, v39  }
0x136: {  	v50 =	vadd.s32 s17, v39;
	_ =	sdelay $0x3  }
0x137: {  	v51 =	vld.idx.msk [tilespmem:v39+s8+$0x0], $0xffff  }
0x138: {  	v40 =	vld.idx.msk [tilespmem:v50+s3+$0x0], $0xffff;
	_ =	sdelay $0x4  }
0x139: {  	v40 =	vsub.f32 v40, v51;
	_ =	sdelay $0x1  }
0x13a: {  	v40 =	vnsel vm0, $0x0, v40  }
0x13b: {  	(xrf2) =	vadd.scan.msk.f32 $0xffff, v40;
	_ =	sdelay $0x9  }
0x13c: {  	v52, _, _ =	vpop (xrf2)  }
0x13d: {  	v41 =	vadd.f32 $9.999999680e-21, v52;
	_ =	sdelay $0x1  }
0x13e: {  	v41 =	vbroadcast v41, $0xF;
	_ =	sdelay $0x1  }
0x13f: {  	v53 =	vsub.s32 $0x7EF311C7, v41  }
0x140: {  	v54 =	vmul.f32 v53, v41;
	_ =	sdelay $0x1  }
0x141: {  	v43 =	vsub.f32 $2.000000000e+00, v54;
	_ =	sdelay $0x1  }
0x142: {  	v42 =	vmul.f32 v53, v43;
	_ =	sdelay $0x1  }
0x143: {  	v43 =	vmul.f32 v42, v41;
	_ =	sdelay $0x1  }
0x144: {  	v43 =	vsub.f32 $2.000000000e+00, v43;
	_ =	sdelay $0x1  }
0x145: {  	v42 =	vmul.f32 v43, v42;
	_ =	sdelay $0x1  }
0x146: {  	v41 =	vmul.f32 v42, v41;
	_ =	sdelay $0x1  }
0x147: {  	v41 =	vsub.f32 $2.000000000e+00, v41;
	_ =	sdelay $0x1  }
0x148: {  	v41 =	vmul.f32 v41, v42;
	_ =	sdelay $0x1  }
0x149: {  	v40 =	vmul.f32 v41, v40;
	_ =	sdelay $0x1  }
0x14a: {  	v40 =	vmul.f32 $2.500000000e+00, v40;
	_ =	sdelay $0x1  }
0x14b: {  	[tilespmem:s16+$0xFFFFFFE0] =	vst.msk $0xff, v40  }
0x14c: {  	v38 =	vshll.u32 v38, $0x5;
	[tilespmem:s15+$0xFFFFFFE0] =	vst.msk $0xff, v39  }
0x14d: {  	(v2sf) =	vpush v38, $0x0;
	_ =	sdelay $0x1  }
0x14e: {  	(v2sf) =	vpush v38, $0x1;
	_ =	sdelay $0x2  }
0x14f: {  	(v2sf) =	vpush v38, $0x2;
	_ =	sdelay $0x1  }
0x150: {  	(v2sf) =	vpush v38, $0x3;
	_ =	sdelay $0x7  }
0x151: {  	s17 =	sadd.s32 $0xFFFFFA00, s14;
	s29 =	spop (v2sf)  }
0x152: {  	s30 =	sadd.s32 s29, s17  }
0x153: {  	s20 =	sor.u32 $0x10, s29;
	s31 =	spop (v2sf);
	s18 =	sand.u32 $0x60, s29  }
0x154: {  	s19 =	sand.u32 $0xFFFFFF80, s30;
	s24 =	sand.u32 $0x70, s20;
	s25 =	sadd.s32 s31, s17  }
0x155: {  	s28 =	sand.u32 $0x60, s31;
	s21 =	sor.u32 $0x10, s31;
	s18 =	sor.u32 s18, s19  }
0x156: {  	s19 =	sor.u32 s24, s19;
	s26 =	sand.u32 $0xFFFFFF80, s25;
	s24 =	spop (v2sf)  }
0x157: {  	s30 =	sand.u32 $0x70, s21;
	v55 =	vld [tilespmem:s18+$0x0];
	s29 =	sor.u32 s28, s26;
	s31 =	sadd.s32 s24, s17  }
0x158: {  	v56 =	vld [tilespmem:s19+$0x0];
	s26 =	sor.u32 s30, s26;
	s23 =	sor.u32 $0x10, s24;
	s25 =	spop (v2sf)  }
0x159: {  	v57 =	vbroadcast v38, $0x0;
	s28 =	sand.u32 $0xFFFFFF80, s31;
	v58 =	vld [tilespmem:s29+$0x0];
	s29 =	sand.u32 $0x60, s24;
	s30 =	sand.u32 $0x70, s23  }
0x15a: {  	v59 =	vld [tilespmem:s26+$0x0];
	s24 =	sadd.s32 s25, s17;
	s18 =	sor.u32 s29, s28;
	s31 =	sor.u32 s30, s28  }
0x15b: {  	v60 =	vbroadcast v38, $0x1;
	v41 =	vor.u32 v33, v57;
	s26 =	sand.u32 $0xFFFFFF80, s24;
	s28 =	sand.u32 $0x60, s25;
	s29 =	sor.u32 $0x10, s25;
	v61 =	vld [tilespmem:s18+$0x0]  }
0x15c: {  	v62 =	vor.u32 s20, v33;
	v63 =	vld [tilespmem:s31+$0x0];
	s30 =	sor.u32 s28, s26;
	s31 =	sand.u32 $0x70, s29;
	(xrf1) =	vsort.dscd.msk.f32 $0xffff, v55, v41  }
0x15d: {  	v46 =	vor.u32 v33, v60;
	v38 =	vbroadcast v38, $0x2;
	v47 =	vld [tilespmem:s30+$0x0];
	s18 =	sor.u32 s31, s26;
	(xrf1) =	vsort.dscd.msk.f32 $0xffff, v56, v62  }
0x15e: {  	v48 =	vor.u32 s21, v33;
	v49 =	vld [tilespmem:s18+$0x0];
	(xrf1) =	vsort.dscd.msk.f32 $0xffff, v58, v46  }
0x15f: {  	v38 =	vor.u32 v33, v38;
	(xrf1) =	vsort.dscd.msk.f32 $0xffff, v59, v48  }
0x160: {  	v50 =	vor.u32 s23, v33;
	(xrf1) =	vsort.dscd.msk.f32 $0xffff, v61, v38  }
0x161: {  	v51 =	vor.u32 s25, v33;
	(xrf1) =	vsort.dscd.msk.f32 $0xffff, v63, v50  }
0x162: {  	v52 =	vor.u32 s29, v33;
	(xrf1) =	vsort.dscd.msk.f32 $0xffff, v47, v51  }
0x163: {  	(xrf1) =	vsort.dscd.msk.f32 $0xffff, v49, v52;
	_ =	sdelay $0x6  }
0x164: {  	v60, v53, _ =	vpop (xrf1)  }
0x165: {  	v62, v61, _ =	vpop (xrf1)  }
0x166: {  	v63, v43, _ =	vpop (xrf1);
	v40 =	vperm.xlane v62, v34  }
0x167: {  	v54, v55, _ =	vpop (xrf1)  }
0x168: {  	v41 =	vperm.xlane v61, v34;
	v46, v47, _ =	vpop (xrf1);
	vm1 =	vge.f32 v60, v40;
	v44 =	vperm.xlane v54, v34  }
0x169: {  	v57, v56, _ =	vpop (xrf1);
	v38 =	vsel vm1, v60, v40  }
0x16a: {  	v39 =	vsel vm1, v53, v41;
	v60 =	vperm.xlane v55, v34;
	v59, v58, _ =	vpop (xrf1);
	vm1 =	vge.f32 v63, v44  }
0x16b: {  	(xrf1) =	vsort.dscd.msk.f32 $0xffff, v38, v39;
	v52 =	vperm.xlane v57, v34;
	v53 =	vperm.xlane v56, v34;
	v62, v61, _ =	vpop (xrf1)  }
0x16c: {  	v63 =	vsel vm1, v63, v44;
	v41 =	vsel vm1, v43, v60;
	v54 =	vperm.xlane v62, v34  }
0x16d: {  	(xrf1) =	vsort.dscd.msk.f32 $0xffff, v63, v41;
	vm1 =	vge.f32 v46, v52;
	v55 =	vperm.xlane v61, v34  }
0x16e: {  	v39 =	vsel vm1, v46, v52;
	v56 =	vsel vm1, v47, v53;
	vm1 =	vge.f32 v59, v54  }
0x16f: {  	(xrf1) =	vsort.dscd.msk.f32 $0xffff, v39, v56;
	v57 =	vsel vm1, v59, v54;
	v38 =	vsel vm1, v58, v55  }
0x170: {  	(xrf1) =	vsort.dscd.msk.f32 $0xffff, v57, v38;
	_ =	sdelay $0xa  }
0x171: {  	v38, v39, _ =	vpop (xrf1)  }
0x172: {  	v59, v58, _ =	vpop (xrf1)  }
0x173: {  	v60, v61, _ =	vpop (xrf1)  }
0x174: {  	v40 =	vperm.xlane v59, v34;
	v62, v63, _ =	vpop (xrf1)  }
0x175: {  	v41 =	vperm.xlane v58, v34;
	v44 =	vperm.xlane v62, v34  }
0x176: {  	vm1 =	vge.f32 v38, v40;
	v45 =	vperm.xlane v63, v34  }
0x177: {  	v38 =	vsel vm1, v38, v40;
	v39 =	vsel vm1, v39, v41;
	vm1 =	vge.f32 v60, v44  }
0x178: {  	(xrf1) =	vsort.dscd.msk.f32 $0xffff, v38, v39;
	v46 =	vsel vm1, v60, v44;
	v47 =	vsel vm1, v61, v45  }
0x179: {  	(xrf1) =	vsort.dscd.msk.f32 $0xffff, v46, v47;
	_ =	sdelay $0xc  }
0x17a: {  	v38, v39, _ =	vpop (xrf1)  }
0x17b: {  	v48, v49, _ =	vpop (xrf1)  }
0x17c: {  	v40 =	vperm.xlane v48, v34  }
0x17d: {  	v41 =	vperm.xlane v49, v34  }
0x17e: {  	vm1 =	vge.f32 v38, v40  }
0x17f: {  	v38 =	vsel vm1, v38, v40;
	v39 =	vsel vm1, v39, v41  }
0x180: {  	(xrf1) =	vsort.dscd.msk.f32 $0xffff, v38, v39;
	_ =	sdelay $0xd  }
0x181: {  	v38, v39, _ =	vpop (xrf1)  }
0x182: {  	v39 =	vxor.u32 $0x80000000, v39  }
0x183: {  	(xrf1) =	vsort.ascd.msk.u32 $0xffff, v39, v38;
	_ =	sdelay $0xd  }
0x184: {  	v38, v39, _ =	vpop (xrf1)  }
0x185: {  	v38 =	vxor.u32 $0x80000000, v38  }
0x186: {  	(xrf1) =	vsort.dscd.msk.f32 $0xffff, v39, v38;
	_ =	sdelay $0xd  }
0x187: {  	_, v38, _ =	vpop (xrf1)  }
0x188: {  	v38 =	vnsel vm0, $0x0, v38  }
0x189: {  	v50 =	vadd.s32 s17, v38;
	_ =	sdelay $0x3  }
0x18a: {  	v51 =	vld.idx.msk [tilespmem:v38+s8+$0x0], $0xffff  }
0x18b: {  	v39 =	vld.idx.msk [tilespmem:v50+s3+$0x0], $0xffff;
	_ =	sdelay $0x4  }
0x18c: {  	v39 =	vsub.f32 v39, v51;
	_ =	sdelay $0x1  }
0x18d: {  	v39 =	vnsel vm0, $0x0, v39  }
0x18e: {  	(xrf2) =	vadd.scan.msk.f32 $0xffff, v39;
	_ =	sdelay $0x9  }
0x18f: {  	v52, _, _ =	vpop (xrf2)  }
0x190: {  	v40 =	vadd.f32 $9.999999680e-21, v52;
	_ =	sdelay $0x1  }
0x191: {  	v40 =	vbroadcast v40, $0xF;
	_ =	sdelay $0x1  }
0x192: {  	v53 =	vsub.s32 $0x7EF311C7, v40  }
0x193: {  	v54 =	vmul.f32 v53, v40;
	_ =	sdelay $0x1  }
0x194: {  	v42 =	vsub.f32 $2.000000000e+00, v54;
	_ =	sdelay $0x1  }
0x195: {  	v41 =	vmul.f32 v53, v42;
	_ =	sdelay $0x1  }
0x196: {  	v42 =	vmul.f32 v41, v40;
	_ =	sdelay $0x1  }
0x197: {  	v42 =	vsub.f32 $2.000000000e+00, v42;
	_ =	sdelay $0x1  }
0x198: {  	v41 =	vmul.f32 v42, v41;
	_ =	sdelay $0x1  }
0x199: {  	v40 =	vmul.f32 v41, v40;
	_ =	sdelay $0x1  }
0x19a: {  	v40 =	vsub.f32 $2.000000000e+00, v40;
	_ =	sdelay $0x1  }
0x19b: {  	v40 =	vmul.f32 v40, v41  }
0x19c: {  	s17 =	sadd.s32 $0xFFFFFB00, s14  }
0x19d: {  	v55 =	vor.u32 s17, v0;
	v39 =	vmul.f32 v40, v39  }
0x19e: {  	v40 =	vand.u32 v35, v55  }
0x19f: {  	v56 =	vor.u32 s17, v2;
	v39 =	vmul.f32 $2.500000000e+00, v39  }
0x1a0: {  	v57 =	vor.u32 s17, v3  }
0x1a1: {  	v58 =	vor.u32 s17, v4;
	[tilespmem:s16+$0xFFFFFFE8] =	vst.msk $0xff, v39  }
0x1a2: {  	v55 =	vor.u32 s17, v10;
	[tilespmem:s15+$0xFFFFFFE8] =	vst.msk $0xff, v38  }
0x1a3: {  	v59 =	vor.u32 s17, v5;
	v40 =	vld.idx.msk [tilespmem:v40+s3+$0x0], $0xffff  }
0x1a4: {  	v61 =	vor.u32 s17, v7;
	v41 =	vld.idx.msk [tilespmem:v56+s3+$0x0], $0xffff  }
0x1a5: {  	v60 =	vor.u32 s17, v6;
	v39 =	vld.idx.msk [tilespmem:v57+s3+$0x0], $0xffff  }
0x1a6: {  	v38 =	vld.idx.msk [tilespmem:v58+s3+$0x0], $0xffff  }
0x1a7: {  	v43 =	vld.idx.msk [tilespmem:v55+s3+$0x0], $0xffff;
	v55 =	vor.u32 s17, v17  }
0x1a8: {  	v62 =	vor.u32 s17, v8;
	v53 =	vor.u32 s17, v9;
	v42 =	vld.idx.msk [tilespmem:v59+s3+$0x0], $0xffff  }
0x1a9: {  	v51 =	vor.u32 s17, v23;
	v59 =	vor.u32 s17, v11;
	v44 =	vld.idx.msk [tilespmem:v61+s3+$0x0], $0xffff;
	v61 =	vor.u32 s17, v12  }
0x1aa: {  	v54 =	vld.idx.msk [tilespmem:v60+s3+$0x0], $0xffff;
	v63 =	vmin.f32 v40, $-Inf;
	v52 =	vmin.f32 v40, v41;
	v40 =	vmax.f32 v40, v41  }
0x1ab: {  	v56 =	vor.u32 s17, v13;
	v46 =	vmax.f32 v63, v52;
	v58 =	vmin.f32 v40, v39  }
0x1ac: {  	v49 =	vld.idx.msk [tilespmem:v55+s3+$0x0], $0xffff;
	v55 =	vor.u32 s17, v28;
	v39 =	vmax.f32 v40, v39;
	v46 =	vmax.f32 v46, v58  }
0x1ad: {  	v52 =	vld.idx.msk [tilespmem:v53+s3+$0x0], $0xffff;
	v60 =	vmin.f32 v39, v38;
	v38 =	vmax.f32 v39, v38;
	v58 =	vor.u32 s17, v14  }
0x1ae: {  	v39 =	vld.idx.msk [tilespmem:v62+s3+$0x0], $0xffff;
	v46 =	vmax.f32 v46, v60;
	v63 =	vmin.f32 v38, v42;
	v38 =	vmax.f32 v38, v42  }
0x1af: {  	v40 =	vld.idx.msk [tilespmem:v59+s3+$0x0], $0xffff;
	v60 =	vor.u32 s17, v18;
	v46 =	vmax.f32 v46, v63;
	v57 =	vmin.f32 v38, v54  }
0x1b0: {  	v45 =	vld.idx.msk [tilespmem:v61+s3+$0x0], $0xffff;
	v38 =	vmax.f32 v38, v54;
	v63 =	vor.u32 s17, v15;
	v46 =	vmax.f32 v46, v57  }
0x1b1: {  	v62 =	vmin.f32 v38, v44;
	v38 =	vmax.f32 v38, v44;
	v57 =	vor.u32 s17, v20  }
0x1b2: {  	v48 =	vld.idx.msk [tilespmem:v56+s3+$0x0], $0xffff;
	v46 =	vmax.f32 v46, v62;
	v54 =	vmin.f32 v52, $-Inf;
	v59 =	vmin.f32 v52, v43  }
0x1b3: {  	v42 =	vmax.f32 v52, v43;
	v62 =	vor.u32 s17, v19;
	v53 =	vmin.f32 v38, v39  }
0x1b4: {  	v47 =	vmax.f32 v54, v59;
	v61 =	vmin.f32 v42, v40;
	v41 =	vld.idx.msk [tilespmem:v58+s3+$0x0], $0xffff;
	v40 =	vmax.f32 v42, v40  }
0x1b5: {  	v51 =	vld.idx.msk [tilespmem:v51+s3+$0x0], $0xffff;
	v59 =	vor.u32 s17, v21;
	v47 =	vmax.f32 v47, v61;
	v56 =	vmin.f32 v40, v45  }
0x1b6: {  	v40 =	vmax.f32 v40, v45;
	v42 =	vld.idx.msk [tilespmem:v63+s3+$0x0], $0xffff;
	v63 =	vor.u32 s17, v16;
	v47 =	vmax.f32 v47, v56  }
0x1b7: {  	v43 =	vld.idx.msk [tilespmem:v60+s3+$0x0], $0xffff;
	v58 =	vmin.f32 v40, v48;
	v40 =	vmax.f32 v40, v48;
	v48 =	vor.u32 s17, v22  }
0x1b8: {  	v38 =	vmax.f32 v38, v39;
	v47 =	vmax.f32 v47, v58;
	v45 =	vld.idx.msk [tilespmem:v57+s3+$0x0], $0xffff;
	v58 =	vor.u32 s17, v26  }
0x1b9: {  	v60 =	vmin.f32 v40, v41;
	v40 =	vmax.f32 v40, v41;
	v41 =	vld.idx.msk [tilespmem:v62+s3+$0x0], $0xffff;
	v62 =	vor.u32 s17, v24  }
0x1ba: {  	v46 =	vmax.f32 v46, v53;
	v50 =	vld.idx.msk [tilespmem:v59+s3+$0x0], $0xffff;
	v47 =	vmax.f32 v47, v60;
	v60 =	vor.u32 s17, v27  }
0x1bb: {  	v53 =	vor.u32 s17, v29;
	v56 =	vor.u32 s17, v31;
	v44 =	vld.idx.msk [tilespmem:v63+s3+$0x0], $0xffff;
	v63 =	vor.u32 s17, v25  }
0x1bc: {  	v57 =	vmin.f32 v49, $-Inf;
	v59 =	vmin.f32 v49, v43;
	v43 =	vmax.f32 v49, v43;
	v48 =	vld.idx.msk [tilespmem:v48+s3+$0x0], $0xffff  }
0x1bd: {  	v61 =	vmin.f32 v40, v42;
	v40 =	vmax.f32 v40, v42;
	v42 =	vmax.f32 v57, v59;
	v52 =	vld.idx.msk [tilespmem:v58+s3+$0x0], $0xffff  }
0x1be: {  	v39 =	vmax.f32 v47, v61;
	v61 =	vmin.f32 v43, v41;
	v41 =	vmax.f32 v43, v41;
	v43 =	vld.idx.msk [tilespmem:v62+s3+$0x0], $0xffff  }
0x1bf: {  	v47 =	vor.u32 s17, v30;
	v42 =	vmax.f32 v42, v61;
	v62 =	vmin.f32 v41, v45;
	v49 =	vld.idx.msk [tilespmem:v60+s3+$0x0], $0xffff  }
0x1c0: {  	v41 =	vmax.f32 v41, v45;
	v60 =	vor.u32 s17, v32;
	v45 =	vld.idx.msk [tilespmem:v63+s3+$0x0], $0xffff;
	v42 =	vmax.f32 v42, v62  }
0x1c1: {  	v63 =	vmin.f32 v41, v50;
	v41 =	vmax.f32 v41, v50;
	v62 =	vmin.f32 v40, v44  }
0x1c2: {  	v40 =	vmax.f32 v40, v44;
	v42 =	vmax.f32 v42, v63;
	v61 =	vmin.f32 v41, v48  }
0x1c3: {  	v55 =	vld.idx.msk [tilespmem:v55+s3+$0x0], $0xffff;
	v41 =	vmax.f32 v41, v48;
	v39 =	vmax.f32 v39, v62;
	v42 =	vmax.f32 v42, v61  }
0x1c4: {  	v53 =	vld.idx.msk [tilespmem:v53+s3+$0x0], $0xffff;
	v63 =	vmin.f32 v41, v51;
	v41 =	vmax.f32 v41, v51;
	v39 =	vmax.f32 v46, v39  }
0x1c5: {  	v44 =	vld.idx.msk [tilespmem:v47+s3+$0x0], $0xffff;
	v54 =	vmin.f32 v45, $-Inf;
	v57 =	vmin.f32 v45, v52;
	v45 =	vmax.f32 v45, v52  }
0x1c6: {  	v58 =	vld.idx.msk [tilespmem:v56+s3+$0x0], $0xffff;
	v42 =	vmax.f32 v42, v63;
	v47 =	vmax.f32 v54, v57;
	v59 =	vmin.f32 v45, v49  }
0x1c7: {  	v60 =	vld.idx.msk [tilespmem:v60+s3+$0x0], $0xffff;
	v45 =	vmax.f32 v45, v49;
	v54 =	vmin.f32 v41, v43;
	v41 =	vmax.f32 v41, v43  }
0x1c8: {  	v47 =	vmax.f32 v47, v59;
	v61 =	vmin.f32 v45, v55;
	v45 =	vmax.f32 v45, v55  }
0x1c9: {  	v47 =	vmax.f32 v47, v61;
	v62 =	vmin.f32 v45, v53;
	v45 =	vmax.f32 v45, v53  }
0x1ca: {  	v47 =	vmax.f32 v47, v62;
	v63 =	vmin.f32 v45, v44;
	v44 =	vmax.f32 v45, v44  }
0x1cb: {  	v52 =	vmax.f32 v47, v63;
	v53 =	vmin.f32 v44, v58;
	v44 =	vmax.f32 v44, v58  }
0x1cc: {  	v57 =	vmax.f32 v38, v40;
	v45 =	vmax.f32 v52, v53;
	v55 =	vmin.f32 v44, v60  }
0x1cd: {  	v42 =	vmax.f32 v42, v54;
	v44 =	vmax.f32 v44, v60;
	v56 =	vmax.f32 v45, v55  }
0x1ce: {  	v38 =	vmin.f32 v38, v40;
	v58 =	vmin.f32 v41, v44;
	v42 =	vmax.f32 v42, v56  }
0x1cf: {  	v38 =	vmax.f32 v38, v39;
	v59 =	vmax.f32 v41, v44;
	v40 =	vmax.f32 v58, v42  }
0x1d0: {  	v41 =	vmin.f32 v57, v59;
	v38 =	vmax.f32 v38, v40  }
0x1d1: {  	v39 =	vmax.f32 v57, v59;
	v38 =	vmax.f32 v41, v38  }
0x1d2: {  	v38 =	vadd.f32 v38, v39;
	_ =	sdelay $0x1  }
0x1d3: {  	v39 =	vnsel vm0, $0xFF800000, v38  }
0x1d4: {  	(xrf1) =	vsort.dscd.msk.f32 $0xffff, v39, v33;
	_ =	sdelay $0xd  }
0x1d5: {  	_, v39, _ =	vpop (xrf1)  }
0x1d6: {  	v39 =	vshll.u32 v39, $0x5  }
0x1d7: {  	(v2sf) =	vpush v39, $0x0;
	_ =	sdelay $0x1  }
0x1d8: {  	(v2sf) =	vpush v39, $0x1;
	_ =	sdelay $0x1  }
0x1d9: {  	(v2sf) =	vpush v39, $0x2;
	_ =	sdelay $0x3  }
0x1da: {  	(v2sf) =	vpush v39, $0x3;
	_ =	sdelay $0x6  }
0x1db: {  	s22 =	spop (v2sf)  }
0x1dc: {  	s23 =	sadd.s32 s22, s17  }
0x1dd: {  	s20 =	sor.u32 $0x10, s22;
	s24 =	spop (v2sf);
	s18 =	sand.u32 $0x60, s22  }
0x1de: {  	s19 =	sand.u32 $0xFFFFFF80, s23;
	s25 =	sand.u32 $0x70, s20;
	s26 =	sadd.s32 s24, s17  }
0x1df: {  	s29 =	sand.u32 $0x60, s24;
	s21 =	sor.u32 $0x10, s24;
	s30 =	spop (v2sf)  }
0x1e0: {  	s18 =	sor.u32 s18, s19;
	s19 =	sor.u32 s25, s19;
	s28 =	sand.u32 $0xFFFFFF80, s26  }
0x1e1: {  	s25 =	sand.u32 $0x70, s21;
	s26 =	sadd.s32 s30, s17;
	s23 =	sor.u32 $0x10, s30;
	v60 =	vld [tilespmem:s18+$0x0]  }
0x1e2: {  	v38 =	vperm.xlane v38, v34;
	s30 =	sand.u32 $0x60, s30;
	s31 =	sor.u32 s29, s28;
	v61 =	vld [tilespmem:s19+$0x0];
	s28 =	sor.u32 s25, s28  }
0x1e3: {  	v62 =	vbroadcast v39, $0x0;
	s29 =	sand.u32 $0xFFFFFF80, s26;
	s25 =	spop (v2sf);
	v63 =	vld [tilespmem:s31+$0x0];
	s31 =	sand.u32 $0x70, s23  }
0x1e4: {  	v38 =	vnsel vm0, $0xFF800000, v38;
	v48 =	vld [tilespmem:s28+$0x0];
	s18 =	sor.u32 s30, s29;
	s28 =	sadd.s32 s25, s17;
	s30 =	sand.u32 $0x60, s25  }
0x1e5: {  	(xrf1) =	vsort.dscd.msk.f32 $0xffff, v38, v33;
	v50 =	vbroadcast v39, $0x1;
	v49 =	vor.u32 v33, v62;
	s26 =	sor.u32 s31, s29;
	v51 =	vld [tilespmem:s18+$0x0];
	s29 =	sand.u32 $0xFFFFFF80, s28;
	s31 =	sor.u32 $0x10, s25  }
0x1e6: {  	v52 =	vor.u32 s20, v33;
	v53 =	vld [tilespmem:s26+$0x0];
	s26 =	sor.u32 s30, s29;
	s28 =	sand.u32 $0x70, s31;
	(xrf1) =	vsort.dscd.msk.f32 $0xffff, v60, v49  }
0x1e7: {  	v54 =	vor.u32 v33, v50;
	v39 =	vbroadcast v39, $0x2;
	v55 =	vld [tilespmem:s26+$0x0];
	s18 =	sor.u32 s28, s29;
	(xrf1) =	vsort.dscd.msk.f32 $0xffff, v61, v52  }
0x1e8: {  	v56 =	vor.u32 s21, v33;
	v57 =	vld [tilespmem:s18+$0x0];
	(xrf1) =	vsort.dscd.msk.f32 $0xffff, v63, v54  }
0x1e9: {  	v58 =	vor.u32 v33, v39;
	(xrf1) =	vsort.dscd.msk.f32 $0xffff, v48, v56  }
0x1ea: {  	v59 =	vor.u32 s23, v33;
	(xrf1) =	vsort.dscd.msk.f32 $0xffff, v51, v58  }
0x1eb: {  	v60 =	vor.u32 s25, v33;
	(xrf1) =	vsort.dscd.msk.f32 $0xffff, v53, v59  }
0x1ec: {  	v61 =	vor.u32 s31, v33;
	(xrf1) =	vsort.dscd.msk.f32 $0xffff, v55, v60  }
0x1ed: {  	(xrf1) =	vsort.dscd.msk.f32 $0xffff, v57, v61;
	_ =	sdelay $0x5  }
0x1ee: {  	_, v38, _ =	vpop (xrf1)  }
0x1ef: {  	v62, v63, _ =	vpop (xrf1)  }
0x1f0: {  	v52, v53, _ =	vpop (xrf1)  }
0x1f1: {  	v43, v44, _ =	vpop (xrf1)  }
0x1f2: {  	v41 =	vperm.xlane v52, v34;
	v55, v54, _ =	vpop (xrf1)  }
0x1f3: {  	v42 =	vperm.xlane v53, v34;
	v56, v48, _ =	vpop (xrf1);
	v45 =	vperm.xlane v55, v34  }
0x1f4: {  	vm1 =	vge.f32 v62, v41;
	v60 =	vperm.xlane v54, v34;
	v57, v50, _ =	vpop (xrf1)  }
0x1f5: {  	v39 =	vsel vm1, v62, v41;
	v40 =	vsel vm1, v63, v42;
	v59, v58, _ =	vpop (xrf1);
	vm1 =	vge.f32 v43, v45  }
0x1f6: {  	(xrf1) =	vsort.dscd.msk.f32 $0xffff, v39, v40;
	v49 =	vperm.xlane v57, v34;
	v53 =	vperm.xlane v50, v34;
	v62, v61, _ =	vpop (xrf1)  }
0x1f7: {  	v63 =	vsel vm1, v43, v45;
	v42 =	vsel vm1, v44, v60;
	v54 =	vperm.xlane v62, v34  }
0x1f8: {  	(xrf1) =	vsort.dscd.msk.f32 $0xffff, v63, v42;
	vm1 =	vge.f32 v56, v49;
	v55 =	vperm.xlane v61, v34  }
0x1f9: {  	v40 =	vsel vm1, v56, v49;
	v56 =	vsel vm1, v48, v53;
	vm1 =	vge.f32 v59, v54  }
0x1fa: {  	(xrf1) =	vsort.dscd.msk.f32 $0xffff, v40, v56;
	v57 =	vsel vm1, v59, v54;
	v39 =	vsel vm1, v58, v55  }
0x1fb: {  	(xrf1) =	vsort.dscd.msk.f32 $0xffff, v57, v39;
	_ =	sdelay $0xa  }
0x1fc: {  	v39, v40, _ =	vpop (xrf1)  }
0x1fd: {  	v59, v58, _ =	vpop (xrf1)  }
0x1fe: {  	v60, v61, _ =	vpop (xrf1)  }
0x1ff: {  	v41 =	vperm.xlane v59, v34;
	v62, v63, _ =	vpop (xrf1)  }
0x200: {  	v42 =	vperm.xlane v58, v34;
	v45 =	vperm.xlane v62, v34  }
0x201: {  	vm1 =	vge.f32 v39, v41;
	v46 =	vperm.xlane v63, v34  }
0x202: {  	v39 =	vsel vm1, v39, v41;
	v40 =	vsel vm1, v40, v42;
	vm1 =	vge.f32 v60, v45  }
0x203: {  	(xrf1) =	vsort.dscd.msk.f32 $0xffff, v39, v40;
	v48 =	vsel vm1, v60, v45;
	v49 =	vsel vm1, v61, v46  }
0x204: {  	(xrf1) =	vsort.dscd.msk.f32 $0xffff, v48, v49;
	_ =	sdelay $0xc  }
0x205: {  	v39, v40, _ =	vpop (xrf1)  }
0x206: {  	v50, v51, _ =	vpop (xrf1)  }
0x207: {  	v41 =	vperm.xlane v50, v34  }
0x208: {  	v42 =	vperm.xlane v51, v34  }
0x209: {  	vm1 =	vge.f32 v39, v41  }
0x20a: {  	v39 =	vsel vm1, v39, v41;
	v40 =	vsel vm1, v40, v42  }
0x20b: {  	(xrf1) =	vsort.dscd.msk.f32 $0xffff, v39, v40;
	_ =	sdelay $0xd  }
0x20c: {  	v39, v40, _ =	vpop (xrf1)  }
0x20d: {  	v40 =	vxor.u32 $0x80000000, v40  }
0x20e: {  	(xrf1) =	vsort.ascd.msk.u32 $0xffff, v40, v39;
	_ =	sdelay $0xd  }
0x20f: {  	v39, v40, _ =	vpop (xrf1)  }
0x210: {  	v39 =	vxor.u32 $0x80000000, v39  }
0x211: {  	(xrf1) =	vsort.dscd.msk.f32 $0xffff, v40, v39;
	_ =	sdelay $0xd  }
0x212: {  	_, v39, _ =	vpop (xrf1)  }
0x213: {  	v39 =	vnsel vm0, $0x0, v39  }
0x214: {  	v52 =	vadd.s32 s17, v39;
	_ =	sdelay $0x3  }
0x215: {  	v53 =	vld.idx.msk [tilespmem:v39+s8+$0x0], $0xffff  }
0x216: {  	v40 =	vld.idx.msk [tilespmem:v52+s3+$0x0], $0xffff;
	_ =	sdelay $0x4  }
0x217: {  	v40 =	vsub.f32 v40, v53;
	_ =	sdelay $0x1  }
0x218: {  	v40 =	vnsel vm0, $0x0, v40  }
0x219: {  	(xrf2) =	vadd.scan.msk.f32 $0xffff, v40;
	_ =	sdelay $0x9  }
0x21a: {  	v54, _, _ =	vpop (xrf2)  }
0x21b: {  	v41 =	vadd.f32 $9.999999680e-21, v54;
	_ =	sdelay $0x1  }
0x21c: {  	v41 =	vbroadcast v41, $0xF;
	_ =	sdelay $0x1  }
0x21d: {  	v55 =	vsub.s32 $0x7EF311C7, v41  }
0x21e: {  	v56 =	vmul.f32 v55, v41;
	_ =	sdelay $0x1  }
0x21f: {  	v38 =	vshll.u32 v38, $0x5;
	v43 =	vsub.f32 $2.000000000e+00, v56  }
0x220: {  	(v2sf) =	vpush v38, $0x0  }
0x221: {  	(v2sf) =	vpush v38, $0x1;
	v42 =	vmul.f32 v55, v43;
	_ =	sdelay $0x1  }
0x222: {  	v43 =	vmul.f32 v42, v41;
	_ =	sdelay $0x1  }
0x223: {  	v43 =	vsub.f32 $2.000000000e+00, v43  }
0x224: {  	(v2sf) =	vpush v38, $0x2  }
0x225: {  	(v2sf) =	vpush v38, $0x3;
	v42 =	vmul.f32 v43, v42;
	_ =	sdelay $0x1  }
0x226: {  	v41 =	vmul.f32 v42, v41;
	_ =	sdelay $0x1  }
0x227: {  	v41 =	vsub.f32 $2.000000000e+00, v41;
	_ =	sdelay $0x1  }
0x228: {  	v41 =	vmul.f32 v41, v42;
	_ =	sdelay $0x1  }
0x229: {  	s29 =	spop (v2sf);
	v40 =	vmul.f32 v41, v40  }
0x22a: {  	s20 =	sor.u32 $0x10, s29;
	s31 =	spop (v2sf)  }
0x22b: {  	s18 =	sand.u32 $0x60, s29;
	s24 =	sand.u32 $0x70, s20;
	s17 =	sadd.s32 $0xFFFFFC00, s14;
	v40 =	vmul.f32 $2.500000000e+00, v40  }
0x22c: {  	s28 =	sand.u32 $0x60, s31;
	s30 =	sadd.s32 s29, s17;
	s25 =	sadd.s32 s31, s17  }
0x22d: {  	s21 =	sor.u32 $0x10, s31;
	s19 =	sand.u32 $0xFFFFFF80, s30;
	s26 =	sand.u32 $0xFFFFFF80, s25;
	[tilespmem:s16+$0xFFFFFFF0] =	vst.msk $0xff, v40  }
0x22e: {  	s30 =	sand.u32 $0x70, s21;
	s18 =	sor.u32 s18, s19;
	s19 =	sor.u32 s24, s19;
	[tilespmem:s15+$0xFFFFFFF0] =	vst.msk $0xff, v39  }
0x22f: {  	s24 =	spop (v2sf);
	s29 =	sor.u32 s28, s26;
	s26 =	sor.u32 s30, s26;
	v39 =	vld [tilespmem:s18+$0x0]  }
0x230: {  	s31 =	sadd.s32 s24, s17;
	s23 =	sor.u32 $0x10, s24;
	s25 =	spop (v2sf);
	v40 =	vld [tilespmem:s19+$0x0]  }
0x231: {  	v57 =	vbroadcast v38, $0x0;
	s28 =	sand.u32 $0xFFFFFF80, s31;
	s30 =	sand.u32 $0x70, s23;
	v58 =	vld [tilespmem:s29+$0x0];
	s29 =	sand.u32 $0x60, s24  }
0x232: {  	s31 =	sor.u32 s30, s28;
	v59 =	vld [tilespmem:s26+$0x0];
	s24 =	sadd.s32 s25, s17;
	s18 =	sor.u32 s29, s28  }
0x233: {  	v60 =	vbroadcast v38, $0x1;
	v41 =	vor.u32 v33, v57;
	s26 =	sand.u32 $0xFFFFFF80, s24;
	s28 =	sand.u32 $0x60, s25;
	s29 =	sor.u32 $0x10, s25;
	v61 =	vld [tilespmem:s18+$0x0]  }
0x234: {  	v62 =	vor.u32 s20, v33;
	v63 =	vld [tilespmem:s31+$0x0];
	s30 =	sor.u32 s28, s26;
	s31 =	sand.u32 $0x70, s29;
	(xrf1) =	vsort.dscd.msk.f32 $0xffff, v39, v41  }
0x235: {  	v38 =	vbroadcast v38, $0x2;
	v46 =	vor.u32 v33, v60;
	v47 =	vld [tilespmem:s30+$0x0];
	s18 =	sor.u32 s31, s26;
	(xrf1) =	vsort.dscd.msk.f32 $0xffff, v40, v62  }
0x236: {  	v48 =	vor.u32 s21, v33;
	v49 =	vld [tilespmem:s18+$0x0];
	(xrf1) =	vsort.dscd.msk.f32 $0xffff, v58, v46  }
0x237: {  	v38 =	vor.u32 v33, v38;
	(xrf1) =	vsort.dscd.msk.f32 $0xffff, v59, v48  }
0x238: {  	v50 =	vor.u32 s23, v33;
	(xrf1) =	vsort.dscd.msk.f32 $0xffff, v61, v38  }
0x239: {  	v51 =	vor.u32 s25, v33;
	(xrf1) =	vsort.dscd.msk.f32 $0xffff, v63, v50  }
0x23a: {  	v52 =	vor.u32 s29, v33;
	(xrf1) =	vsort.dscd.msk.f32 $0xffff, v47, v51  }
0x23b: {  	(xrf1) =	vsort.dscd.msk.f32 $0xffff, v49, v52;
	_ =	sdelay $0x6  }
0x23c: {  	v60, v53, _ =	vpop (xrf1)  }
0x23d: {  	v62, v61, _ =	vpop (xrf1)  }
0x23e: {  	v63, v43, _ =	vpop (xrf1);
	v40 =	vperm.xlane v62, v34  }
0x23f: {  	v54, v55, _ =	vpop (xrf1)  }
0x240: {  	v41 =	vperm.xlane v61, v34;
	v46, v47, _ =	vpop (xrf1);
	vm1 =	vge.f32 v60, v40;
	v44 =	vperm.xlane v54, v34  }
0x241: {  	v57, v56, _ =	vpop (xrf1);
	v38 =	vsel vm1, v60, v40  }
0x242: {  	v39 =	vsel vm1, v53, v41;
	v60 =	vperm.xlane v55, v34;
	v59, v58, _ =	vpop (xrf1);
	vm1 =	vge.f32 v63, v44  }
0x243: {  	(xrf1) =	vsort.dscd.msk.f32 $0xffff, v38, v39;
	v52 =	vperm.xlane v57, v34;
	v53 =	vperm.xlane v56, v34;
	v62, v61, _ =	vpop (xrf1)  }
0x244: {  	v63 =	vsel vm1, v63, v44;
	v41 =	vsel vm1, v43, v60;
	v54 =	vperm.xlane v62, v34  }
0x245: {  	(xrf1) =	vsort.dscd.msk.f32 $0xffff, v63, v41;
	vm1 =	vge.f32 v46, v52;
	v55 =	vperm.xlane v61, v34  }
0x246: {  	v39 =	vsel vm1, v46, v52;
	v56 =	vsel vm1, v47, v53;
	vm1 =	vge.f32 v59, v54  }
0x247: {  	(xrf1) =	vsort.dscd.msk.f32 $0xffff, v39, v56;
	v57 =	vsel vm1, v59, v54;
	v38 =	vsel vm1, v58, v55  }
0x248: {  	(xrf1) =	vsort.dscd.msk.f32 $0xffff, v57, v38;
	_ =	sdelay $0xa  }
0x249: {  	v38, v39, _ =	vpop (xrf1)  }
0x24a: {  	v59, v58, _ =	vpop (xrf1)  }
0x24b: {  	v60, v61, _ =	vpop (xrf1)  }
0x24c: {  	v40 =	vperm.xlane v59, v34;
	v62, v63, _ =	vpop (xrf1)  }
0x24d: {  	v41 =	vperm.xlane v58, v34;
	v44 =	vperm.xlane v62, v34  }
0x24e: {  	vm1 =	vge.f32 v38, v40;
	v45 =	vperm.xlane v63, v34  }
0x24f: {  	v38 =	vsel vm1, v38, v40;
	v39 =	vsel vm1, v39, v41;
	vm1 =	vge.f32 v60, v44  }
0x250: {  	(xrf1) =	vsort.dscd.msk.f32 $0xffff, v38, v39;
	v47 =	vsel vm1, v60, v44;
	v48 =	vsel vm1, v61, v45  }
0x251: {  	(xrf1) =	vsort.dscd.msk.f32 $0xffff, v47, v48;
	_ =	sdelay $0xc  }
0x252: {  	v38, v39, _ =	vpop (xrf1)  }
0x253: {  	v49, v50, _ =	vpop (xrf1)  }
0x254: {  	v40 =	vperm.xlane v49, v34  }
0x255: {  	v41 =	vperm.xlane v50, v34  }
0x256: {  	vm1 =	vge.f32 v38, v40  }
0x257: {  	v38 =	vsel vm1, v38, v40;
	v39 =	vsel vm1, v39, v41  }
0x258: {  	(xrf1) =	vsort.dscd.msk.f32 $0xffff, v38, v39;
	_ =	sdelay $0xd  }
0x259: {  	v38, v39, _ =	vpop (xrf1)  }
0x25a: {  	v39 =	vxor.u32 $0x80000000, v39  }
0x25b: {  	(xrf1) =	vsort.ascd.msk.u32 $0xffff, v39, v38;
	_ =	sdelay $0xd  }
0x25c: {  	v38, v39, _ =	vpop (xrf1)  }
0x25d: {  	v38 =	vxor.u32 $0x80000000, v38  }
0x25e: {  	(xrf1) =	vsort.dscd.msk.f32 $0xffff, v39, v38;
	_ =	sdelay $0xd  }
0x25f: {  	_, v38, _ =	vpop (xrf1)  }
0x260: {  	v38 =	vnsel vm0, $0x0, v38  }
0x261: {  	v51 =	vadd.s32 s17, v38;
	_ =	sdelay $0x3  }
0x262: {  	v52 =	vld.idx.msk [tilespmem:v38+s8+$0x0], $0xffff  }
0x263: {  	v39 =	vld.idx.msk [tilespmem:v51+s3+$0x0], $0xffff;
	_ =	sdelay $0x4  }
0x264: {  	v39 =	vsub.f32 v39, v52;
	_ =	sdelay $0x1  }
0x265: {  	v39 =	vnsel vm0, $0x0, v39  }
0x266: {  	(xrf2) =	vadd.scan.msk.f32 $0xffff, v39;
	_ =	sdelay $0x9  }
0x267: {  	v53, _, _ =	vpop (xrf2)  }
0x268: {  	v40 =	vadd.f32 $9.999999680e-21, v53;
	_ =	sdelay $0x1  }
0x269: {  	v40 =	vbroadcast v40, $0xF;
	_ =	sdelay $0x1  }
0x26a: {  	v54 =	vsub.s32 $0x7EF311C7, v40  }
0x26b: {  	v55 =	vmul.f32 v54, v40;
	_ =	sdelay $0x1  }
0x26c: {  	v42 =	vsub.f32 $2.000000000e+00, v55;
	_ =	sdelay $0x1  }
0x26d: {  	v41 =	vmul.f32 v54, v42;
	_ =	sdelay $0x1  }
0x26e: {  	v42 =	vmul.f32 v41, v40;
	_ =	sdelay $0x1  }
0x26f: {  	v42 =	vsub.f32 $2.000000000e+00, v42;
	_ =	sdelay $0x1  }
0x270: {  	v41 =	vmul.f32 v42, v41;
	_ =	sdelay $0x1  }
0x271: {  	v40 =	vmul.f32 v41, v40;
	_ =	sdelay $0x1  }
0x272: {  	v40 =	vsub.f32 $2.000000000e+00, v40;
	_ =	sdelay $0x1  }
0x273: {  	v40 =	vmul.f32 v40, v41  }
0x274: {  	s17 =	sadd.s32 $0xFFFFFD00, s14  }
0x275: {  	v56 =	vor.u32 s17, v0;
	v39 =	vmul.f32 v40, v39  }
0x276: {  	v40 =	vand.u32 v36, v56  }
0x277: {  	v57 =	vor.u32 s17, v2;
	v39 =	vmul.f32 $2.500000000e+00, v39  }
0x278: {  	v58 =	vor.u32 s17, v3  }
0x279: {  	v60 =	vor.u32 s17, v5;
	[tilespmem:s16+$0xFFFFFFF8] =	vst.msk $0xff, v39  }
0x27a: {  	v59 =	vor.u32 s17, v4;
	[tilespmem:s15+$0xFFFFFFF8] =	vst.msk $0xff, v38  }
0x27b: {  	v62 =	vor.u32 s17, v7;
	v40 =	vld.idx.msk [tilespmem:v40+s3+$0x0], $0xffff  }
0x27c: {  	v54 =	vor.u32 s17, v9;
	v41 =	vld.idx.msk [tilespmem:v57+s3+$0x0], $0xffff  }
0x27d: {  	v56 =	vor.u32 s17, v10;
	v39 =	vld.idx.msk [tilespmem:v58+s3+$0x0], $0xffff  }
0x27e: {  	v42 =	vld.idx.msk [tilespmem:v60+s3+$0x0], $0xffff;
	v60 =	vor.u32 s17, v12  }
0x27f: {  	v61 =	vor.u32 s17, v6;
	v38 =	vld.idx.msk [tilespmem:v59+s3+$0x0], $0xffff  }
0x280: {  	v58 =	vor.u32 s17, v11;
	v44 =	vld.idx.msk [tilespmem:v62+s3+$0x0], $0xffff  }
0x281: {  	v63 =	vor.u32 s17, v8;
	v62 =	vld.idx.msk [tilespmem:v54+s3+$0x0], $0xffff  }
0x282: {  	v51 =	vor.u32 s17, v23;
	v43 =	vld.idx.msk [tilespmem:v56+s3+$0x0], $0xffff;
	v52 =	vmin.f32 v40, $-Inf  }
0x283: {  	v53 =	vmin.f32 v40, v41;
	v40 =	vmax.f32 v40, v41;
	v45 =	vld.idx.msk [tilespmem:v60+s3+$0x0], $0xffff;
	v60 =	vor.u32 s17, v18  }
0x284: {  	v55 =	vld.idx.msk [tilespmem:v61+s3+$0x0], $0xffff;
	v46 =	vmax.f32 v52, v53;
	v57 =	vmin.f32 v40, v39;
	v39 =	vmax.f32 v40, v39  }
0x285: {  	v40 =	vld.idx.msk [tilespmem:v58+s3+$0x0], $0xffff;
	v53 =	vor.u32 s17, v14;
	v58 =	vor.u32 s17, v17;
	v46 =	vmax.f32 v46, v57  }
0x286: {  	v59 =	vmin.f32 v39, v38;
	v38 =	vmax.f32 v39, v38;
	v39 =	vld.idx.msk [tilespmem:v63+s3+$0x0], $0xffff;
	v63 =	vor.u32 s17, v13  }
0x287: {  	v57 =	vmin.f32 v62, $-Inf;
	v46 =	vmax.f32 v46, v59;
	v61 =	vmin.f32 v38, v42  }
0x288: {  	v38 =	vmax.f32 v38, v42;
	v59 =	vmin.f32 v62, v43;
	v42 =	vmax.f32 v62, v43  }
0x289: {  	v62 =	vor.u32 s17, v19;
	v46 =	vmax.f32 v46, v61;
	v52 =	vmin.f32 v38, v55  }
0x28a: {  	v38 =	vmax.f32 v38, v55;
	v55 =	vor.u32 s17, v15;
	v47 =	vmax.f32 v57, v59;
	v43 =	vld.idx.msk [tilespmem:v60+s3+$0x0], $0xffff  }
0x28b: {  	v46 =	vmax.f32 v46, v52;
	v54 =	vmin.f32 v38, v44;
	v38 =	vmax.f32 v38, v44;
	v49 =	vld.idx.msk [tilespmem:v58+s3+$0x0], $0xffff  }
0x28c: {  	v46 =	vmax.f32 v46, v54;
	v61 =	vmin.f32 v42, v40;
	v58 =	vor.u32 s17, v21;
	v48 =	vld.idx.msk [tilespmem:v63+s3+$0x0], $0xffff  }
0x28d: {  	v41 =	vld.idx.msk [tilespmem:v53+s3+$0x0], $0xffff;
	v40 =	vmax.f32 v42, v40;
	v53 =	vor.u32 s17, v29;
	v56 =	vmin.f32 v38, v39  }
0x28e: {  	v47 =	vmax.f32 v47, v61;
	v46 =	vmax.f32 v46, v56;
	v56 =	vor.u32 s17, v20  }
0x28f: {  	v63 =	vor.u32 s17, v16;
	v61 =	vor.u32 s17, v24;
	v42 =	vld.idx.msk [tilespmem:v55+s3+$0x0], $0xffff;
	v55 =	vmin.f32 v40, v45  }
0x290: {  	v38 =	vmax.f32 v38, v39;
	v40 =	vmax.f32 v40, v45;
	v47 =	vmax.f32 v47, v55  }
0x291: {  	v50 =	vld.idx.msk [tilespmem:v58+s3+$0x0], $0xffff;
	v57 =	vmin.f32 v40, v48;
	v40 =	vmax.f32 v40, v48;
	v48 =	vor.u32 s17, v22  }
0x292: {  	v58 =	vmin.f32 v49, v43;
	v59 =	vmin.f32 v40, v41;
	v40 =	vmax.f32 v40, v41;
	v41 =	vld.idx.msk [tilespmem:v62+s3+$0x0], $0xffff  }
0x293: {  	v43 =	vmax.f32 v49, v43;
	v47 =	vmax.f32 v47, v57;
	v45 =	vld.idx.msk [tilespmem:v56+s3+$0x0], $0xffff;
	v57 =	vor.u32 s17, v26  }
0x294: {  	v44 =	vld.idx.msk [tilespmem:v63+s3+$0x0], $0xffff;
	v63 =	vmin.f32 v49, $-Inf;
	v49 =	vor.u32 s17, v27;
	v62 =	vor.u32 s17, v25  }
0x295: {  	v51 =	vld.idx.msk [tilespmem:v51+s3+$0x0], $0xffff;
	v56 =	vor.u32 s17, v31;
	v47 =	vmax.f32 v47, v59;
	v60 =	vmin.f32 v40, v42  }
0x296: {  	v40 =	vmax.f32 v40, v42;
	v42 =	vmax.f32 v63, v58;
	v39 =	vmax.f32 v47, v60;
	v48 =	vld.idx.msk [tilespmem:v48+s3+$0x0], $0xffff  }
0x297: {  	v60 =	vor.u32 s17, v28;
	v59 =	vmin.f32 v43, v41;
	v41 =	vmax.f32 v43, v41;
	v43 =	vld.idx.msk [tilespmem:v61+s3+$0x0], $0xffff  }
0x298: {  	v52 =	vld.idx.msk [tilespmem:v57+s3+$0x0], $0xffff;
	v57 =	vor.u32 s17, v32;
	v42 =	vmax.f32 v42, v59;
	v61 =	vmin.f32 v41, v45  }
0x299: {  	v41 =	vmax.f32 v41, v45;
	v45 =	vld.idx.msk [tilespmem:v62+s3+$0x0], $0xffff;
	v62 =	vor.u32 s17, v30;
	v59 =	vmin.f32 v40, v44  }
0x29a: {  	v49 =	vld.idx.msk [tilespmem:v49+s3+$0x0], $0xffff;
	v40 =	vmax.f32 v40, v44;
	v42 =	vmax.f32 v42, v61;
	v63 =	vmin.f32 v41, v50  }
0x29b: {  	v41 =	vmax.f32 v41, v50;
	v39 =	vmax.f32 v39, v59;
	v42 =	vmax.f32 v42, v63  }
0x29c: {  	v55 =	vld.idx.msk [tilespmem:v60+s3+$0x0], $0xffff;
	v39 =	vmax.f32 v46, v39;
	v58 =	vmin.f32 v41, v48;
	v41 =	vmax.f32 v41, v48  }
0x29d: {  	v53 =	vld.idx.msk [tilespmem:v53+s3+$0x0], $0xffff;
	v42 =	vmax.f32 v42, v58;
	v60 =	vmin.f32 v41, v51;
	v41 =	vmax.f32 v41, v51  }
0x29e: {  	v61 =	vld.idx.msk [tilespmem:v62+s3+$0x0], $0xffff;
	v62 =	vmin.f32 v45, $-Inf;
	v63 =	vmin.f32 v45, v52;
	v45 =	vmax.f32 v45, v52  }
0x29f: {  	v54 =	vld.idx.msk [tilespmem:v56+s3+$0x0], $0xffff;
	v42 =	vmax.f32 v42, v60;
	v47 =	vmax.f32 v62, v63;
	v56 =	vmin.f32 v45, v49  }
0x2a0: {  	v57 =	vld.idx.msk [tilespmem:v57+s3+$0x0], $0xffff;
	v45 =	vmax.f32 v45, v49;
	v63 =	vmin.f32 v41, v43;
	v41 =	vmax.f32 v41, v43  }
0x2a1: {  	v47 =	vmax.f32 v47, v56;
	v58 =	vmin.f32 v45, v55;
	v45 =	vmax.f32 v45, v55  }
0x2a2: {  	v47 =	vmax.f32 v47, v58;
	v59 =	vmin.f32 v45, v53;
	v45 =	vmax.f32 v45, v53  }
0x2a3: {  	v47 =	vmax.f32 v47, v59;
	v60 =	vmin.f32 v45, v61;
	v44 =	vmax.f32 v45, v61  }
0x2a4: {  	v61 =	vmax.f32 v47, v60;
	v62 =	vmin.f32 v44, v54;
	v44 =	vmax.f32 v44, v54  }
0x2a5: {  	v42 =	vmax.f32 v42, v63;
	v45 =	vmax.f32 v61, v62;
	v51 =	vmin.f32 v44, v57  }
0x2a6: {  	v53 =	vmax.f32 v38, v40;
	v44 =	vmax.f32 v44, v57;
	v52 =	vmax.f32 v45, v51  }
0x2a7: {  	v38 =	vmin.f32 v38, v40;
	v54 =	vmin.f32 v41, v44;
	v42 =	vmax.f32 v42, v52  }
0x2a8: {  	v38 =	vmax.f32 v38, v39;
	v55 =	vmax.f32 v41, v44;
	v40 =	vmax.f32 v54, v42  }
0x2a9: {  	v41 =	vmin.f32 v53, v55;
	v38 =	vmax.f32 v38, v40  }
0x2aa: {  	v39 =	vmax.f32 v53, v55;
	v38 =	vmax.f32 v41, v38  }
0x2ab: {  	v38 =	vadd.f32 v38, v39;
	_ =	sdelay $0x1  }
0x2ac: {  	v39 =	vnsel vm0, $0xFF800000, v38  }
0x2ad: {  	(xrf1) =	vsort.dscd.msk.f32 $0xffff, v39, v33;
	_ =	sdelay $0xd  }
0x2ae: {  	_, v39, _ =	vpop (xrf1)  }
0x2af: {  	v39 =	vshll.u32 v39, $0x5  }
0x2b0: {  	(v2sf) =	vpush v39, $0x0;
	_ =	sdelay $0x1  }
0x2b1: {  	(v2sf) =	vpush v39, $0x1;
	_ =	sdelay $0x1  }
0x2b2: {  	(v2sf) =	vpush v39, $0x2;
	_ =	sdelay $0x3  }
0x2b3: {  	(v2sf) =	vpush v39, $0x3;
	_ =	sdelay $0x6  }
0x2b4: {  	s22 =	spop (v2sf)  }
0x2b5: {  	s23 =	sadd.s32 s22, s17  }
0x2b6: {  	s20 =	sor.u32 $0x10, s22;
	s24 =	spop (v2sf);
	s18 =	sand.u32 $0x60, s22  }
0x2b7: {  	s19 =	sand.u32 $0xFFFFFF80, s23;
	s25 =	sand.u32 $0x70, s20;
	s26 =	sadd.s32 s24, s17  }
0x2b8: {  	s29 =	sand.u32 $0x60, s24;
	s21 =	sor.u32 $0x10, s24;
	s30 =	spop (v2sf)  }
0x2b9: {  	s18 =	sor.u32 s18, s19;
	s19 =	sor.u32 s25, s19;
	s28 =	sand.u32 $0xFFFFFF80, s26  }
0x2ba: {  	s25 =	sand.u32 $0x70, s21;
	s26 =	sadd.s32 s30, s17;
	s23 =	sor.u32 $0x10, s30;
	v56 =	vld [tilespmem:s18+$0x0]  }
0x2bb: {  	v38 =	vperm.xlane v38, v34;
	s30 =	sand.u32 $0x60, s30;
	s31 =	sor.u32 s29, s28;
	v57 =	vld [tilespmem:s19+$0x0];
	s28 =	sor.u32 s25, s28  }
0x2bc: {  	v58 =	vbroadcast v39, $0x0;
	s29 =	sand.u32 $0xFFFFFF80, s26;
	s25 =	spop (v2sf);
	v59 =	vld [tilespmem:s31+$0x0];
	s31 =	sand.u32 $0x70, s23  }
0x2bd: {  	v38 =	vnsel vm0, $0xFF800000, v38;
	v60 =	vld [tilespmem:s28+$0x0];
	s18 =	sor.u32 s30, s29;
	s28 =	sadd.s32 s25, s17;
	s30 =	sand.u32 $0x60, s25  }
0x2be: {  	(xrf1) =	vsort.dscd.msk.f32 $0xffff, v38, v33;
	v62 =	vbroadcast v39, $0x1;
	v61 =	vor.u32 v33, v58;
	s26 =	sor.u32 s31, s29;
	v63 =	vld [tilespmem:s18+$0x0];
	s29 =	sand.u32 $0xFFFFFF80, s28;
	s31 =	sor.u32 $0x10, s25  }
0x2bf: {  	v47 =	vor.u32 s20, v33;
	v48 =	vld [tilespmem:s26+$0x0];
	s26 =	sor.u32 s30, s29;
	s28 =	sand.u32 $0x70, s31;
	(xrf1) =	vsort.dscd.msk.f32 $0xffff, v56, v61  }
0x2c0: {  	v49 =	vor.u32 v33, v62;
	v39 =	vbroadcast v39, $0x2;
	v50 =	vld [tilespmem:s26+$0x0];
	s18 =	sor.u32 s28, s29;
	(xrf1) =	vsort.dscd.msk.f32 $0xffff, v57, v47  }
0x2c1: {  	v51 =	vor.u32 s21, v33;
	v52 =	vld [tilespmem:s18+$0x0];
	(xrf1) =	vsort.dscd.msk.f32 $0xffff, v59, v49  }
0x2c2: {  	v53 =	vor.u32 v33, v39;
	(xrf1) =	vsort.dscd.msk.f32 $0xffff, v60, v51  }
0x2c3: {  	v54 =	vor.u32 s23, v33;
	(xrf1) =	vsort.dscd.msk.f32 $0xffff, v63, v53  }
0x2c4: {  	v55 =	vor.u32 s25, v33;
	(xrf1) =	vsort.dscd.msk.f32 $0xffff, v48, v54  }
0x2c5: {  	v56 =	vor.u32 s31, v33;
	(xrf1) =	vsort.dscd.msk.f32 $0xffff, v50, v55  }
0x2c6: {  	(xrf1) =	vsort.dscd.msk.f32 $0xffff, v52, v56;
	_ =	sdelay $0x5  }
0x2c7: {  	_, v38, _ =	vpop (xrf1)  }
0x2c8: {  	v57, v58, _ =	vpop (xrf1)  }
0x2c9: {  	v59, v60, _ =	vpop (xrf1)  }
0x2ca: {  	v43, v44, _ =	vpop (xrf1);
	v41 =	vperm.xlane v59, v34  }
0x2cb: {  	v62, v61, _ =	vpop (xrf1)  }
0x2cc: {  	v42 =	vperm.xlane v60, v34;
	v47, v48, _ =	vpop (xrf1);
	vm1 =	vge.f32 v57, v41;
	v45 =	vperm.xlane v62, v34  }
0x2cd: {  	v63, v50, _ =	vpop (xrf1);
	v39 =	vsel vm1, v57, v41  }
0x2ce: {  	v40 =	vsel vm1, v58, v42;
	v57 =	vperm.xlane v61, v34;
	v56, v51, _ =	vpop (xrf1);
	vm1 =	vge.f32 v43, v45  }
0x2cf: {  	(xrf1) =	vsort.dscd.msk.f32 $0xffff, v39, v40;
	v61 =	vperm.xlane v63, v34;
	v62 =	vperm.xlane v50, v34;
	v59, v58, _ =	vpop (xrf1)  }
0x2d0: {  	v60 =	vsel vm1, v43, v45;
	v42 =	vsel vm1, v44, v57;
	v63 =	vperm.xlane v59, v34  }
0x2d1: {  	(xrf1) =	vsort.dscd.msk.f32 $0xffff, v60, v42;
	vm1 =	vge.f32 v47, v61;
	v49 =	vperm.xlane v58, v34  }
0x2d2: {  	v40 =	vsel vm1, v47, v61;
	v50 =	vsel vm1, v48, v62;
	vm1 =	vge.f32 v56, v63  }
0x2d3: {  	(xrf1) =	vsort.dscd.msk.f32 $0xffff, v40, v50;
	v52 =	vsel vm1, v56, v63;
	v39 =	vsel vm1, v51, v49  }
0x2d4: {  	(xrf1) =	vsort.dscd.msk.f32 $0xffff, v52, v39;
	_ =	sdelay $0xa  }
0x2d5: {  	v39, v40, _ =	vpop (xrf1)  }
0x2d6: {  	v54, v53, _ =	vpop (xrf1)  }
0x2d7: {  	v55, v56, _ =	vpop (xrf1)  }
0x2d8: {  	v41 =	vperm.xlane v54, v34;
	v57, v58, _ =	vpop (xrf1)  }
0x2d9: {  	v42 =	vperm.xlane v53, v34;
	v45 =	vperm.xlane v57, v34  }
0x2da: {  	vm1 =	vge.f32 v39, v41;
	v46 =	vperm.xlane v58, v34  }
0x2db: {  	v39 =	vsel vm1, v39, v41;
	v40 =	vsel vm1, v40, v42;
	vm1 =	vge.f32 v55, v45  }
0x2dc: {  	(xrf1) =	vsort.dscd.msk.f32 $0xffff, v39, v40;
	v59 =	vsel vm1, v55, v45;
	v60 =	vsel vm1, v56, v46  }
0x2dd: {  	(xrf1) =	vsort.dscd.msk.f32 $0xffff, v59, v60;
	_ =	sdelay $0xc  }
0x2de: {  	v39, v40, _ =	vpop (xrf1)  }
0x2df: {  	v61, v62, _ =	vpop (xrf1)  }
0x2e0: {  	v41 =	vperm.xlane v61, v34  }
0x2e1: {  	v42 =	vperm.xlane v62, v34  }
0x2e2: {  	vm1 =	vge.f32 v39, v41  }
0x2e3: {  	v39 =	vsel vm1, v39, v41;
	v40 =	vsel vm1, v40, v42  }
0x2e4: {  	(xrf1) =	vsort.dscd.msk.f32 $0xffff, v39, v40;
	_ =	sdelay $0xd  }
0x2e5: {  	v39, v40, _ =	vpop (xrf1)  }
0x2e6: {  	v40 =	vxor.u32 $0x80000000, v40  }
0x2e7: {  	(xrf1) =	vsort.ascd.msk.u32 $0xffff, v40, v39;
	_ =	sdelay $0xd  }
0x2e8: {  	v39, v40, _ =	vpop (xrf1)  }
0x2e9: {  	v39 =	vxor.u32 $0x80000000, v39  }
0x2ea: {  	(xrf1) =	vsort.dscd.msk.f32 $0xffff, v40, v39;
	_ =	sdelay $0xd  }
0x2eb: {  	_, v39, _ =	vpop (xrf1)  }
0x2ec: {  	v39 =	vnsel vm0, $0x0, v39  }
0x2ed: {  	v63 =	vadd.s32 s17, v39;
	_ =	sdelay $0x3  }
0x2ee: {  	v44 =	vld.idx.msk [tilespmem:v39+s8+$0x0], $0xffff  }
0x2ef: {  	v40 =	vld.idx.msk [tilespmem:v63+s3+$0x0], $0xffff;
	_ =	sdelay $0x4  }
0x2f0: {  	v40 =	vsub.f32 v40, v44;
	_ =	sdelay $0x1  }
0x2f1: {  	v40 =	vnsel vm0, $0x0, v40  }
0x2f2: {  	(xrf2) =	vadd.scan.msk.f32 $0xffff, v40;
	_ =	sdelay $0x9  }
0x2f3: {  	v45, _, _ =	vpop (xrf2)  }
0x2f4: {  	v41 =	vadd.f32 $9.999999680e-21, v45;
	_ =	sdelay $0x1  }
0x2f5: {  	v41 =	vbroadcast v41, $0xF;
	_ =	sdelay $0x1  }
0x2f6: {  	v46 =	vsub.s32 $0x7EF311C7, v41  }
0x2f7: {  	v47 =	vmul.f32 v46, v41;
	_ =	sdelay $0x1  }
0x2f8: {  	v38 =	vshll.u32 v38, $0x5;
	v43 =	vsub.f32 $2.000000000e+00, v47  }
0x2f9: {  	(v2sf) =	vpush v38, $0x0  }
0x2fa: {  	(v2sf) =	vpush v38, $0x1;
	v42 =	vmul.f32 v46, v43;
	_ =	sdelay $0x1  }
0x2fb: {  	v43 =	vmul.f32 v42, v41;
	_ =	sdelay $0x1  }
0x2fc: {  	v43 =	vsub.f32 $2.000000000e+00, v43  }
0x2fd: {  	(v2sf) =	vpush v38, $0x2  }
0x2fe: {  	(v2sf) =	vpush v38, $0x3;
	v42 =	vmul.f32 v43, v42;
	_ =	sdelay $0x1  }
0x2ff: {  	v41 =	vmul.f32 v42, v41;
	_ =	sdelay $0x1  }
0x300: {  	v41 =	vsub.f32 $2.000000000e+00, v41;
	_ =	sdelay $0x1  }
0x301: {  	v41 =	vmul.f32 v41, v42;
	_ =	sdelay $0x1  }
0x302: {  	s29 =	spop (v2sf);
	v40 =	vmul.f32 v41, v40  }
0x303: {  	s20 =	sor.u32 $0x10, s29;
	s31 =	spop (v2sf)  }
0x304: {  	s18 =	sand.u32 $0x60, s29;
	s24 =	sand.u32 $0x70, s20;
	s17 =	sadd.s32 $0xFFFFFE00, s14;
	v40 =	vmul.f32 $2.500000000e+00, v40  }
0x305: {  	s28 =	sand.u32 $0x60, s31;
	s30 =	sadd.s32 s29, s17;
	s25 =	sadd.s32 s31, s17  }
0x306: {  	s21 =	sor.u32 $0x10, s31;
	s19 =	sand.u32 $0xFFFFFF80, s30;
	s26 =	sand.u32 $0xFFFFFF80, s25;
	[tilespmem:s16+$0x0] =	vst.msk $0xff, v40  }
0x307: {  	s30 =	sand.u32 $0x70, s21;
	s18 =	sor.u32 s18, s19;
	s19 =	sor.u32 s24, s19;
	[tilespmem:s15+$0x0] =	vst.msk $0xff, v39  }
0x308: {  	s24 =	spop (v2sf);
	s29 =	sor.u32 s28, s26;
	s26 =	sor.u32 s30, s26;
	v39 =	vld [tilespmem:s18+$0x0]  }
0x309: {  	s31 =	sadd.s32 s24, s17;
	s23 =	sor.u32 $0x10, s24;
	s25 =	spop (v2sf);
	v40 =	vld [tilespmem:s19+$0x0]  }
0x30a: {  	v48 =	vbroadcast v38, $0x0;
	s28 =	sand.u32 $0xFFFFFF80, s31;
	s30 =	sand.u32 $0x70, s23;
	v49 =	vld [tilespmem:s29+$0x0];
	s29 =	sand.u32 $0x60, s24  }
0x30b: {  	s31 =	sor.u32 s30, s28;
	v50 =	vld [tilespmem:s26+$0x0];
	s24 =	sadd.s32 s25, s17;
	s18 =	sor.u32 s29, s28  }
0x30c: {  	v51 =	vbroadcast v38, $0x1;
	v41 =	vor.u32 v33, v48;
	s26 =	sand.u32 $0xFFFFFF80, s24;
	s28 =	sand.u32 $0x60, s25;
	s29 =	sor.u32 $0x10, s25;
	v52 =	vld [tilespmem:s18+$0x0]  }
0x30d: {  	v53 =	vor.u32 s20, v33;
	v54 =	vld [tilespmem:s31+$0x0];
	s30 =	sor.u32 s28, s26;
	s31 =	sand.u32 $0x70, s29;
	(xrf1) =	vsort.dscd.msk.f32 $0xffff, v39, v41  }
0x30e: {  	v38 =	vbroadcast v38, $0x2;
	v55 =	vor.u32 v33, v51;
	v56 =	vld [tilespmem:s30+$0x0];
	s18 =	sor.u32 s31, s26;
	(xrf1) =	vsort.dscd.msk.f32 $0xffff, v40, v53  }
0x30f: {  	v57 =	vor.u32 s21, v33;
	v58 =	vld [tilespmem:s18+$0x0];
	(xrf1) =	vsort.dscd.msk.f32 $0xffff, v49, v55  }
0x310: {  	v38 =	vor.u32 v33, v38;
	(xrf1) =	vsort.dscd.msk.f32 $0xffff, v50, v57  }
0x311: {  	v59 =	vor.u32 s23, v33;
	(xrf1) =	vsort.dscd.msk.f32 $0xffff, v52, v38  }
0x312: {  	v60 =	vor.u32 s25, v33;
	(xrf1) =	vsort.dscd.msk.f32 $0xffff, v54, v59  }
0x313: {  	v61 =	vor.u32 s29, v33;
	(xrf1) =	vsort.dscd.msk.f32 $0xffff, v56, v60  }
0x314: {  	(xrf1) =	vsort.dscd.msk.f32 $0xffff, v58, v61;
	_ =	sdelay $0x6  }
0x315: {  	v63, v62, _ =	vpop (xrf1)  }
0x316: {  	v53, v52, _ =	vpop (xrf1)  }
0x317: {  	v54, v43, _ =	vpop (xrf1)  }
0x318: {  	v40 =	vperm.xlane v53, v34;
	v55, v56, _ =	vpop (xrf1)  }
0x319: {  	v41 =	vperm.xlane v52, v34;
	v46, v47, _ =	vpop (xrf1);
	v44 =	vperm.xlane v55, v34  }
0x31a: {  	vm1 =	vge.f32 v63, v40;
	v61 =	vperm.xlane v56, v34;
	v58, v57, _ =	vpop (xrf1)  }
0x31b: {  	v38 =	vsel vm1, v63, v40;
	v39 =	vsel vm1, v62, v41;
	v60, v59, _ =	vpop (xrf1);
	vm1 =	vge.f32 v54, v44  }
0x31c: {  	(xrf1) =	vsort.dscd.msk.f32 $0xffff, v38, v39;
	v53 =	vperm.xlane v58, v34;
	v63, v62, _ =	vpop (xrf1);
	v52 =	vsel vm1, v54, v44  }
0x31d: {  	v41 =	vsel vm1, v43, v61;
	v54 =	vperm.xlane v57, v34;
	v55 =	vperm.xlane v63, v34  }
0x31e: {  	(xrf1) =	vsort.dscd.msk.f32 $0xffff, v52, v41;
	vm1 =	vge.f32 v46, v53;
	v56 =	vperm.xlane v62, v34  }
0x31f: {  	v39 =	vsel vm1, v46, v53;
	v57 =	vsel vm1, v47, v54;
	vm1 =	vge.f32 v60, v55  }
0x320: {  	(xrf1) =	vsort.dscd.msk.f32 $0xffff, v39, v57;
	v58 =	vsel vm1, v60, v55;
	v38 =	vsel vm1, v59, v56  }
0x321: {  	(xrf1) =	vsort.dscd.msk.f32 $0xffff, v58, v38;
	_ =	sdelay $0xa  }
0x322: {  	v38, v39, _ =	vpop (xrf1)  }
0x323: {  	v60, v59, _ =	vpop (xrf1)  }
0x324: {  	v61, v62, _ =	vpop (xrf1)  }
0x325: {  	v40 =	vperm.xlane v60, v34;
	v63, v48, _ =	vpop (xrf1)  }
0x326: {  	v41 =	vperm.xlane v59, v34;
	v44 =	vperm.xlane v63, v34  }
0x327: {  	vm1 =	vge.f32 v38, v40;
	v45 =	vperm.xlane v48, v34  }
0x328: {  	v38 =	vsel vm1, v38, v40;
	v39 =	vsel vm1, v39, v41;
	vm1 =	vge.f32 v61, v44  }
0x329: {  	(xrf1) =	vsort.dscd.msk.f32 $0xffff, v38, v39;
	v49 =	vsel vm1, v61, v44;
	v50 =	vsel vm1, v62, v45  }
0x32a: {  	(xrf1) =	vsort.dscd.msk.f32 $0xffff, v49, v50;
	_ =	sdelay $0xc  }
0x32b: {  	v38, v39, _ =	vpop (xrf1)  }
0x32c: {  	v51, v52, _ =	vpop (xrf1)  }
0x32d: {  	v40 =	vperm.xlane v51, v34  }
0x32e: {  	v41 =	vperm.xlane v52, v34  }
0x32f: {  	vm1 =	vge.f32 v38, v40  }
0x330: {  	v38 =	vsel vm1, v38, v40;
	v39 =	vsel vm1, v39, v41  }
0x331: {  	(xrf1) =	vsort.dscd.msk.f32 $0xffff, v38, v39;
	_ =	sdelay $0xd  }
0x332: {  	v38, v39, _ =	vpop (xrf1)  }
0x333: {  	v39 =	vxor.u32 $0x80000000, v39  }
0x334: {  	(xrf1) =	vsort.ascd.msk.u32 $0xffff, v39, v38;
	_ =	sdelay $0xd  }
0x335: {  	v38, v39, _ =	vpop (xrf1)  }
0x336: {  	v38 =	vxor.u32 $0x80000000, v38  }
0x337: {  	(xrf1) =	vsort.dscd.msk.f32 $0xffff, v39, v38;
	_ =	sdelay $0xd  }
0x338: {  	_, v38, _ =	vpop (xrf1)  }
0x339: {  	v38 =	vnsel vm0, $0x0, v38  }
0x33a: {  	v53 =	vadd.s32 s17, v38;
	_ =	sdelay $0x3  }
0x33b: {  	v54 =	vld.idx.msk [tilespmem:v38+s8+$0x0], $0xffff  }
0x33c: {  	v39 =	vld.idx.msk [tilespmem:v53+s3+$0x0], $0xffff;
	_ =	sdelay $0x4  }
0x33d: {  	v39 =	vsub.f32 v39, v54;
	_ =	sdelay $0x1  }
0x33e: {  	v39 =	vnsel vm0, $0x0, v39  }
0x33f: {  	(xrf2) =	vadd.scan.msk.f32 $0xffff, v39;
	_ =	sdelay $0x9  }
0x340: {  	v55, _, _ =	vpop (xrf2)  }
0x341: {  	v40 =	vadd.f32 $9.999999680e-21, v55;
	_ =	sdelay $0x1  }
0x342: {  	v40 =	vbroadcast v40, $0xF;
	_ =	sdelay $0x1  }
0x343: {  	v56 =	vsub.s32 $0x7EF311C7, v40  }
0x344: {  	v57 =	vmul.f32 v56, v40;
	_ =	sdelay $0x1  }
0x345: {  	v42 =	vsub.f32 $2.000000000e+00, v57;
	_ =	sdelay $0x1  }
0x346: {  	v41 =	vmul.f32 v56, v42;
	_ =	sdelay $0x1  }
0x347: {  	v42 =	vmul.f32 v41, v40;
	_ =	sdelay $0x1  }
0x348: {  	v42 =	vsub.f32 $2.000000000e+00, v42;
	_ =	sdelay $0x1  }
0x349: {  	v41 =	vmul.f32 v42, v41;
	_ =	sdelay $0x1  }
0x34a: {  	v40 =	vmul.f32 v41, v40;
	_ =	sdelay $0x1  }
0x34b: {  	v40 =	vsub.f32 $2.000000000e+00, v40;
	_ =	sdelay $0x1  }
0x34c: {  	v40 =	vmul.f32 v40, v41  }
0x34d: {  	s17 =	sadd.s32 $0xFFFFFF00, s14  }
0x34e: {  	v58 =	vor.u32 s17, v0;
	v39 =	vmul.f32 v40, v39  }
0x34f: {  	v40 =	vand.u32 v37, v58  }
0x350: {  	v59 =	vor.u32 s17, v2;
	v39 =	vmul.f32 $2.500000000e+00, v39  }
0x351: {  	v60 =	vor.u32 s17, v3  }
0x352: {  	v52 =	vor.u32 s17, v7;
	[tilespmem:s16+$0x8] =	vst.msk $0xff, v39  }
0x353: {  	v56 =	vor.u32 s17, v9;
	[tilespmem:s15+$0x8] =	vst.msk $0xff, v38  }
0x354: {  	v58 =	vor.u32 s17, v10;
	v40 =	vld.idx.msk [tilespmem:v40+s3+$0x0], $0xffff  }
0x355: {  	v61 =	vor.u32 s17, v4;
	v41 =	vld.idx.msk [tilespmem:v59+s3+$0x0], $0xffff  }
0x356: {  	v62 =	vor.u32 s17, v5;
	v39 =	vld.idx.msk [tilespmem:v60+s3+$0x0], $0xffff  }
0x357: {  	v63 =	vor.u32 s17, v6;
	v44 =	vld.idx.msk [tilespmem:v52+s3+$0x0], $0xffff  }
0x358: {  	v52 =	vld.idx.msk [tilespmem:v56+s3+$0x0], $0xffff  }
0x359: {  	v60 =	vor.u32 s17, v11;
	v43 =	vld.idx.msk [tilespmem:v58+s3+$0x0], $0xffff  }
0x35a: {  	v51 =	vor.u32 s17, v23;
	v38 =	vld.idx.msk [tilespmem:v61+s3+$0x0], $0xffff  }
0x35b: {  	v53 =	vor.u32 s17, v8;
	v42 =	vld.idx.msk [tilespmem:v62+s3+$0x0], $0xffff;
	v54 =	vmin.f32 v40, $-Inf;
	v55 =	vmin.f32 v40, v41  }
0x35c: {  	v57 =	vld.idx.msk [tilespmem:v63+s3+$0x0], $0xffff;
	v62 =	vor.u32 s17, v12;
	v40 =	vmax.f32 v40, v41;
	v46 =	vmax.f32 v54, v55  }
0x35d: {  	v59 =	vmin.f32 v40, v39;
	v39 =	vmax.f32 v40, v39;
	v55 =	vor.u32 s17, v13  }
0x35e: {  	v40 =	vld.idx.msk [tilespmem:v60+s3+$0x0], $0xffff;
	v54 =	vmin.f32 v52, $-Inf;
	v60 =	vmin.f32 v52, v43;
	v46 =	vmax.f32 v46, v59  }
0x35f: {  	v61 =	vmin.f32 v39, v38;
	v38 =	vmax.f32 v39, v38;
	v59 =	vor.u32 s17, v15  }
0x360: {  	v47 =	vmax.f32 v54, v60;
	v63 =	vmin.f32 v38, v42;
	v38 =	vmax.f32 v38, v42  }
0x361: {  	v56 =	vmin.f32 v38, v57;
	v38 =	vmax.f32 v38, v57;
	v57 =	vor.u32 s17, v14  }
0x362: {  	v39 =	vld.idx.msk [tilespmem:v53+s3+$0x0], $0xffff;
	v60 =	vor.u32 s17, v21;
	v46 =	vmax.f32 v46, v61;
	v42 =	vmax.f32 v52, v43  }
0x363: {  	v45 =	vld.idx.msk [tilespmem:v62+s3+$0x0], $0xffff;
	v61 =	vor.u32 s17, v18;
	v46 =	vmax.f32 v46, v63;
	v63 =	vor.u32 s17, v19  }
0x364: {  	v46 =	vmax.f32 v46, v56;
	v58 =	vmin.f32 v38, v44;
	v48 =	vld.idx.msk [tilespmem:v55+s3+$0x0], $0xffff;
	v55 =	vor.u32 s17, v17  }
0x365: {  	v38 =	vmax.f32 v38, v44;
	v56 =	vor.u32 s17, v16;
	v46 =	vmax.f32 v46, v58  }
0x366: {  	v62 =	vmin.f32 v42, v40;
	v40 =	vmax.f32 v42, v40;
	v58 =	vor.u32 s17, v20;
	v41 =	vld.idx.msk [tilespmem:v57+s3+$0x0], $0xffff  }
0x367: {  	v53 =	vmin.f32 v38, v39;
	v47 =	vmax.f32 v47, v62;
	v42 =	vld.idx.msk [tilespmem:v59+s3+$0x0], $0xffff;
	v38 =	vmax.f32 v38, v39  }
0x368: {  	v46 =	vmax.f32 v46, v53;
	v43 =	vld.idx.msk [tilespmem:v61+s3+$0x0], $0xffff;
	v53 =	vor.u32 s17, v29;
	v57 =	vmin.f32 v40, v45  }
0x369: {  	v40 =	vmax.f32 v40, v45;
	v47 =	vmax.f32 v47, v57;
	v57 =	vor.u32 s17, v25;
	v49 =	vld.idx.msk [tilespmem:v55+s3+$0x0], $0xffff  }
0x36a: {  	v59 =	vmin.f32 v40, v48;
	v40 =	vmax.f32 v40, v48;
	v48 =	vor.u32 s17, v22  }
0x36b: {  	v55 =	vor.u32 s17, v28;
	v61 =	vmin.f32 v40, v41;
	v40 =	vmax.f32 v40, v41;
	v41 =	vld.idx.msk [tilespmem:v63+s3+$0x0], $0xffff  }
0x36c: {  	v45 =	vld.idx.msk [tilespmem:v58+s3+$0x0], $0xffff;
	v47 =	vmax.f32 v47, v59;
	v59 =	vor.u32 s17, v26;
	v63 =	vor.u32 s17, v24  }
0x36d: {  	v50 =	vld.idx.msk [tilespmem:v60+s3+$0x0], $0xffff;
	v47 =	vmax.f32 v47, v61;
	v62 =	vmin.f32 v40, v42;
	v40 =	vmax.f32 v40, v42  }
0x36e: {  	v44 =	vld.idx.msk [tilespmem:v56+s3+$0x0], $0xffff;
	v39 =	vmax.f32 v47, v62;
	v58 =	vmin.f32 v49, $-Inf;
	v60 =	vmin.f32 v49, v43  }
0x36f: {  	v43 =	vmax.f32 v49, v43;
	v48 =	vld.idx.msk [tilespmem:v48+s3+$0x0], $0xffff;
	v49 =	vor.u32 s17, v27;
	v47 =	vor.u32 s17, v30  }
0x370: {  	v51 =	vld.idx.msk [tilespmem:v51+s3+$0x0], $0xffff;
	v42 =	vmax.f32 v58, v60;
	v61 =	vmin.f32 v43, v41;
	v41 =	vmax.f32 v43, v41  }
0x371: {  	v52 =	vld.idx.msk [tilespmem:v59+s3+$0x0], $0xffff;
	v42 =	vmax.f32 v42, v61;
	v62 =	vmin.f32 v41, v45;
	v41 =	vmax.f32 v41, v45  }
0x372: {  	v60 =	vor.u32 s17, v31;
	v43 =	vld.idx.msk [tilespmem:v63+s3+$0x0], $0xffff;
	v42 =	vmax.f32 v42, v62;
	v63 =	vmin.f32 v41, v50  }
0x373: {  	v45 =	vld.idx.msk [tilespmem:v57+s3+$0x0], $0xffff;
	v41 =	vmax.f32 v41, v50;
	v50 =	vor.u32 s17, v32;
	v62 =	vmin.f32 v40, v44  }
0x374: {  	v49 =	vld.idx.msk [tilespmem:v49+s3+$0x0], $0xffff;
	v40 =	vmax.f32 v40, v44;
	v42 =	vmax.f32 v42, v63;
	v61 =	vmin.f32 v41, v48  }
0x375: {  	v55 =	vld.idx.msk [tilespmem:v55+s3+$0x0], $0xffff;
	v41 =	vmax.f32 v41, v48;
	v39 =	vmax.f32 v39, v62;
	v42 =	vmax.f32 v42, v61  }
0x376: {  	v53 =	vld.idx.msk [tilespmem:v53+s3+$0x0], $0xffff;
	v63 =	vmin.f32 v41, v51;
	v41 =	vmax.f32 v41, v51;
	v39 =	vmax.f32 v46, v39  }
0x377: {  	v57 =	vld.idx.msk [tilespmem:v47+s3+$0x0], $0xffff;
	v42 =	vmax.f32 v42, v63;
	v56 =	vmin.f32 v41, v43;
	v41 =	vmax.f32 v41, v43  }
0x378: {  	v60 =	vld.idx.msk [tilespmem:v60+s3+$0x0], $0xffff;
	v58 =	vmin.f32 v45, $-Inf;
	v59 =	vmin.f32 v45, v52;
	v45 =	vmax.f32 v45, v52  }
0x379: {  	v47 =	vmax.f32 v58, v59;
	v61 =	vmin.f32 v45, v49;
	v45 =	vmax.f32 v45, v49;
	v62 =	vld.idx.msk [tilespmem:v50+s3+$0x0], $0xffff  }
0x37a: {  	v47 =	vmax.f32 v47, v61;
	v63 =	vmin.f32 v45, v55;
	v45 =	vmax.f32 v45, v55  }
0x37b: {  	v47 =	vmax.f32 v47, v63;
	v52 =	vmin.f32 v45, v53;
	v45 =	vmax.f32 v45, v53  }
0x37c: {  	v47 =	vmax.f32 v47, v52;
	v53 =	vmin.f32 v45, v57;
	v44 =	vmax.f32 v45, v57  }
0x37d: {  	v54 =	vmax.f32 v47, v53;
	v55 =	vmin.f32 v44, v60;
	v44 =	vmax.f32 v44, v60  }
0x37e: {  	v42 =	vmax.f32 v42, v56;
	v45 =	vmax.f32 v54, v55;
	v57 =	vmin.f32 v44, v62  }
0x37f: {  	v59 =	vmax.f32 v38, v40;
	v44 =	vmax.f32 v44, v62;
	v58 =	vmax.f32 v45, v57  }
0x380: {  	v38 =	vmin.f32 v38, v40;
	v60 =	vmin.f32 v41, v44;
	v42 =	vmax.f32 v42, v58  }
0x381: {  	v38 =	vmax.f32 v38, v39;
	v61 =	vmax.f32 v41, v44;
	v40 =	vmax.f32 v60, v42  }
0x382: {  	v41 =	vmin.f32 v59, v61;
	v38 =	vmax.f32 v38, v40  }
0x383: {  	v39 =	vmax.f32 v59, v61;
	v38 =	vmax.f32 v41, v38  }
0x384: {  	v38 =	vadd.f32 v38, v39;
	_ =	sdelay $0x1  }
0x385: {  	v39 =	vnsel vm0, $0xFF800000, v38  }
0x386: {  	(xrf1) =	vsort.dscd.msk.f32 $0xffff, v39, v33;
	_ =	sdelay $0xd  }
0x387: {  	_, v39, _ =	vpop (xrf1)  }
0x388: {  	v39 =	vshll.u32 v39, $0x5  }
0x389: {  	(v2sf) =	vpush v39, $0x0;
	_ =	sdelay $0x1  }
0x38a: {  	(v2sf) =	vpush v39, $0x1;
	_ =	sdelay $0x1  }
0x38b: {  	(v2sf) =	vpush v39, $0x2;
	_ =	sdelay $0x3  }
0x38c: {  	(v2sf) =	vpush v39, $0x3;
	_ =	sdelay $0x6  }
0x38d: {  	s22 =	spop (v2sf)  }
0x38e: {  	s23 =	sadd.s32 s22, s17  }
0x38f: {  	s20 =	sor.u32 $0x10, s22;
	s24 =	spop (v2sf);
	s18 =	sand.u32 $0x60, s22  }
0x390: {  	s19 =	sand.u32 $0xFFFFFF80, s23;
	s25 =	sand.u32 $0x70, s20;
	s26 =	sadd.s32 s24, s17  }
0x391: {  	s29 =	sand.u32 $0x60, s24;
	s21 =	sor.u32 $0x10, s24;
	s30 =	spop (v2sf)  }
0x392: {  	s18 =	sor.u32 s18, s19;
	s19 =	sor.u32 s25, s19;
	s28 =	sand.u32 $0xFFFFFF80, s26  }
0x393: {  	s25 =	sand.u32 $0x70, s21;
	s26 =	sadd.s32 s30, s17;
	s23 =	sor.u32 $0x10, s30;
	v62 =	vld [tilespmem:s18+$0x0]  }
0x394: {  	v38 =	vperm.xlane v38, v34;
	s30 =	sand.u32 $0x60, s30;
	s31 =	sor.u32 s29, s28;
	v63 =	vld [tilespmem:s19+$0x0];
	s28 =	sor.u32 s25, s28  }
0x395: {  	v48 =	vbroadcast v39, $0x0;
	s29 =	sand.u32 $0xFFFFFF80, s26;
	s25 =	spop (v2sf);
	v49 =	vld [tilespmem:s31+$0x0];
	s31 =	sand.u32 $0x70, s23  }
0x396: {  	v38 =	vnsel vm0, $0xFF800000, v38;
	v50 =	vld [tilespmem:s28+$0x0];
	s18 =	sor.u32 s30, s29;
	s28 =	sadd.s32 s25, s17;
	s30 =	sand.u32 $0x60, s25  }
0x397: {  	(xrf1) =	vsort.dscd.msk.f32 $0xffff, v38, v33;
	v52 =	vbroadcast v39, $0x1;
	v51 =	vor.u32 v33, v48;
	s26 =	sor.u32 s31, s29;
	v53 =	vld [tilespmem:s18+$0x0];
	s29 =	sand.u32 $0xFFFFFF80, s28;
	s31 =	sor.u32 $0x10, s25  }
0x398: {  	v54 =	vor.u32 s20, v33;
	v55 =	vld [tilespmem:s26+$0x0];
	s20 =	sor.u32 s30, s29;
	s22 =	sand.u32 $0x70, s31;
	(xrf1) =	vsort.dscd.msk.f32 $0xffff, v62, v51  }
0x399: {  	v56 =	vor.u32 v33, v52;
	v39 =	vbroadcast v39, $0x2;
	v57 =	vld [tilespmem:s20+$0x0];
	s18 =	sor.u32 s22, s29;
	(xrf1) =	vsort.dscd.msk.f32 $0xffff, v63, v54  }
0x39a: {  	v58 =	vor.u32 s21, v33;
	v59 =	vld [tilespmem:s18+$0x0];
	(xrf1) =	vsort.dscd.msk.f32 $0xffff, v49, v56  }
0x39b: {  	v39 =	vor.u32 v33, v39;
	(xrf1) =	vsort.dscd.msk.f32 $0xffff, v50, v58  }
0x39c: {  	v60 =	vor.u32 s23, v33;
	(xrf1) =	vsort.dscd.msk.f32 $0xffff, v53, v39  }
0x39d: {  	v61 =	vor.u32 s25, v33;
	(xrf1) =	vsort.dscd.msk.f32 $0xffff, v55, v60  }
0x39e: {  	v62 =	vor.u32 s31, v33;
	(xrf1) =	vsort.dscd.msk.f32 $0xffff, v57, v61  }
0x39f: {  	(xrf1) =	vsort.dscd.msk.f32 $0xffff, v59, v62;
	_ =	sdelay $0x5  }
0x3a0: {  	_, v38, _ =	vpop (xrf1)  }
0x3a1: {  	v53, v63, _ =	vpop (xrf1)  }
0x3a2: {  	v54, v55, _ =	vpop (xrf1)  }
0x3a3: {  	v43, v56, _ =	vpop (xrf1)  }
0x3a4: {  	v41 =	vperm.xlane v54, v34;
	v58, v57, _ =	vpop (xrf1)  }
0x3a5: {  	v42 =	vperm.xlane v55, v34;
	v47, v48, _ =	vpop (xrf1);
	v45 =	vperm.xlane v58, v34  }
0x3a6: {  	vm1 =	vge.f32 v53, v41;
	v61 =	vperm.xlane v57, v34;
	v59, v50, _ =	vpop (xrf1)  }
0x3a7: {  	v39 =	vsel vm1, v53, v41;
	v40 =	vsel vm1, v63, v42;
	v60, v51, _ =	vpop (xrf1);
	vm1 =	vge.f32 v43, v45  }
0x3a8: {  	(xrf1) =	vsort.dscd.msk.f32 $0xffff, v39, v40;
	v55 =	vperm.xlane v59, v34;
	v63, v62, _ =	vpop (xrf1);
	v54 =	vsel vm1, v43, v45  }
0x3a9: {  	v42 =	vsel vm1, v56, v61;
	v56 =	vperm.xlane v50, v34;
	v57 =	vperm.xlane v63, v34  }
0x3aa: {  	(xrf1) =	vsort.dscd.msk.f32 $0xffff, v54, v42;
	vm1 =	vge.f32 v47, v55;
	v58 =	vperm.xlane v62, v34  }
0x3ab: {  	v40 =	vsel vm1, v47, v55;
	v59 =	vsel vm1, v48, v56;
	vm1 =	vge.f32 v60, v57  }
0x3ac: {  	(xrf1) =	vsort.dscd.msk.f32 $0xffff, v40, v59;
	v60 =	vsel vm1, v60, v57;
	v39 =	vsel vm1, v51, v58  }
0x3ad: {  	(xrf1) =	vsort.dscd.msk.f32 $0xffff, v60, v39;
	_ =	sdelay $0xa  }
0x3ae: {  	v39, v40, _ =	vpop (xrf1)  }
0x3af: {  	v62, v61, _ =	vpop (xrf1)  }
0x3b0: {  	v63, v48, _ =	vpop (xrf1)  }
0x3b1: {  	v41 =	vperm.xlane v62, v34;
	v49, v50, _ =	vpop (xrf1)  }
0x3b2: {  	v42 =	vperm.xlane v61, v34;
	v45 =	vperm.xlane v49, v34  }
0x3b3: {  	vm1 =	vge.f32 v39, v41;
	v46 =	vperm.xlane v50, v34  }
0x3b4: {  	v39 =	vsel vm1, v39, v41;
	v40 =	vsel vm1, v40, v42;
	vm1 =	vge.f32 v63, v45  }
0x3b5: {  	(xrf1) =	vsort.dscd.msk.f32 $0xffff, v39, v40;
	v51 =	vsel vm1, v63, v45;
	v52 =	vsel vm1, v48, v46  }
0x3b6: {  	(xrf1) =	vsort.dscd.msk.f32 $0xffff, v51, v52;
	_ =	sdelay $0xc  }
0x3b7: {  	v39, v40, _ =	vpop (xrf1)  }
0x3b8: {  	v53, v54, _ =	vpop (xrf1)  }
0x3b9: {  	v41 =	vperm.xlane v53, v34  }
0x3ba: {  	v42 =	vperm.xlane v54, v34  }
0x3bb: {  	vm1 =	vge.f32 v39, v41  }
0x3bc: {  	v39 =	vsel vm1, v39, v41;
	v40 =	vsel vm1, v40, v42  }
0x3bd: {  	(xrf1) =	vsort.dscd.msk.f32 $0xffff, v39, v40;
	_ =	sdelay $0xd  }
0x3be: {  	v39, v40, _ =	vpop (xrf1)  }
0x3bf: {  	v40 =	vxor.u32 $0x80000000, v40  }
0x3c0: {  	(xrf1) =	vsort.ascd.msk.u32 $0xffff, v40, v39;
	_ =	sdelay $0xd  }
0x3c1: {  	v39, v40, _ =	vpop (xrf1)  }
0x3c2: {  	v39 =	vxor.u32 $0x80000000, v39  }
0x3c3: {  	(xrf1) =	vsort.dscd.msk.f32 $0xffff, v40, v39;
	_ =	sdelay $0xd  }
0x3c4: {  	_, v39, _ =	vpop (xrf1)  }
0x3c5: {  	v39 =	vnsel vm0, $0x0, v39  }
0x3c6: {  	v55 =	vadd.s32 s17, v39;
	_ =	sdelay $0x3  }
0x3c7: {  	v56 =	vld.idx.msk [tilespmem:v39+s8+$0x0], $0xffff  }
0x3c8: {  	v40 =	vld.idx.msk [tilespmem:v55+s3+$0x0], $0xffff;
	_ =	sdelay $0x4  }
0x3c9: {  	v40 =	vsub.f32 v40, v56;
	_ =	sdelay $0x1  }
0x3ca: {  	v40 =	vnsel vm0, $0x0, v40  }
0x3cb: {  	(xrf2) =	vadd.scan.msk.f32 $0xffff, v40;
	_ =	sdelay $0x9  }
0x3cc: {  	v57, _, _ =	vpop (xrf2)  }
0x3cd: {  	v41 =	vadd.f32 $9.999999680e-21, v57;
	_ =	sdelay $0x1  }
0x3ce: {  	v41 =	vbroadcast v41, $0xF;
	_ =	sdelay $0x1  }
0x3cf: {  	v58 =	vsub.s32 $0x7EF311C7, v41  }
0x3d0: {  	v59 =	vmul.f32 v58, v41;
	_ =	sdelay $0x1  }
0x3d1: {  	v38 =	vshll.u32 v38, $0x5;
	v43 =	vsub.f32 $2.000000000e+00, v59  }
0x3d2: {  	(v2sf) =	vpush v38, $0x0  }
0x3d3: {  	(v2sf) =	vpush v38, $0x1;
	v42 =	vmul.f32 v58, v43  }
0x3d4: {  	(v2sf) =	vpush v38, $0x2  }
0x3d5: {  	v43 =	vmul.f32 v42, v41;
	_ =	sdelay $0x1  }
0x3d6: {  	v43 =	vsub.f32 $2.000000000e+00, v43;
	_ =	sdelay $0x1  }
0x3d7: {  	(v2sf) =	vpush v38, $0x3;
	v42 =	vmul.f32 v43, v42;
	_ =	sdelay $0x1  }
0x3d8: {  	v41 =	vmul.f32 v42, v41;
	_ =	sdelay $0x1  }
0x3d9: {  	v41 =	vsub.f32 $2.000000000e+00, v41;
	_ =	sdelay $0x1  }
0x3da: {  	v41 =	vmul.f32 v41, v42;
	_ =	sdelay $0x1  }
0x3db: {  	s24 =	spop (v2sf);
	v40 =	vmul.f32 v41, v40  }
0x3dc: {  	s25 =	spop (v2sf)  }
0x3dd: {  	s26 =	sadd.s32 s24, s14;
	s21 =	sor.u32 $0x10, s24;
	s19 =	spop (v2sf);
	v40 =	vmul.f32 $2.500000000e+00, v40  }
0x3de: {  	s20 =	sand.u32 $0xFFFFFF80, s26;
	s28 =	sand.u32 $0x70, s21;
	s29 =	sadd.s32 s25, s14  }
0x3df: {  	s30 =	sand.u32 $0x60, s25;
	s18 =	sor.u32 $0x10, s25;
	s17 =	sand.u32 $0x60, s24;
	[tilespmem:s16+$0x10] =	vst.msk $0xff, v40  }
0x3e0: {  	s22 =	sand.u32 $0xFFFFFF80, s29;
	s25 =	sand.u32 $0x70, s18;
	s17 =	sor.u32 s17, s20;
	[tilespmem:s15+$0x10] =	vst.msk $0xff, v39  }
0x3e1: {  	s26 =	sadd.s32 s19, s14;
	s23 =	sor.u32 $0x10, s19;
	s20 =	sor.u32 s28, s20;
	v39 =	vld [tilespmem:s17+$0x0]  }
0x3e2: {  	s31 =	sor.u32 s30, s22;
	s29 =	sand.u32 $0xFFFFFF80, s26;
	s24 =	spop (v2sf);
	v40 =	vld [tilespmem:s20+$0x0]  }
0x3e3: {  	s30 =	sand.u32 $0x60, s19;
	v60 =	vbroadcast v38, $0x0;
	s28 =	sor.u32 s25, s22;
	s25 =	sadd.s32 s24, s14;
	v61 =	vld [tilespmem:s31+$0x0]  }
0x3e4: {  	s26 =	sand.u32 $0xFFFFFF80, s25;
	s31 =	sand.u32 $0x70, s23;
	v62 =	vld [tilespmem:s28+$0x0];
	s17 =	sor.u32 s30, s29  }
0x3e5: {  	v63 =	vbroadcast v38, $0x1;
	v41 =	vor.u32 v33, v60;
	s28 =	sand.u32 $0x60, s24;
	s19 =	sor.u32 s31, s29;
	v48 =	vld [tilespmem:s17+$0x0];
	s29 =	sor.u32 $0x10, s24  }
0x3e6: {  	v49 =	vor.u32 s21, v33;
	s30 =	sor.u32 s28, s26;
	v50 =	vld [tilespmem:s19+$0x0];
	s31 =	sand.u32 $0x70, s29;
	(xrf1) =	vsort.dscd.msk.f32 $0xffff, v39, v41  }
0x3e7: {  	v38 =	vbroadcast v38, $0x2;
	v52 =	vor.u32 v33, v63;
	v51 =	vld [tilespmem:s30+$0x0];
	s17 =	sor.u32 s31, s26;
	(xrf1) =	vsort.dscd.msk.f32 $0xffff, v40, v49  }
0x3e8: {  	v53 =	vor.u32 s18, v33;
	v54 =	vld [tilespmem:s17+$0x0];
	(xrf1) =	vsort.dscd.msk.f32 $0xffff, v61, v52  }
0x3e9: {  	v38 =	vor.u32 v33, v38;
	(xrf1) =	vsort.dscd.msk.f32 $0xffff, v62, v53  }
0x3ea: {  	v55 =	vor.u32 s23, v33;
	(xrf1) =	vsort.dscd.msk.f32 $0xffff, v48, v38  }
0x3eb: {  	v56 =	vor.u32 s24, v33;
	(xrf1) =	vsort.dscd.msk.f32 $0xffff, v50, v55  }
0x3ec: {  	v57 =	vor.u32 s29, v33;
	(xrf1) =	vsort.dscd.msk.f32 $0xffff, v51, v56  }
0x3ed: {  	(xrf1) =	vsort.dscd.msk.f32 $0xffff, v54, v57;
	_ =	sdelay $0x6  }
0x3ee: {  	v59, v58, _ =	vpop (xrf1)  }
0x3ef: {  	v61, v60, _ =	vpop (xrf1)  }
0x3f0: {  	v42, v43, _ =	vpop (xrf1)  }
0x3f1: {  	v40 =	vperm.xlane v61, v34;
	v44, v62, _ =	vpop (xrf1)  }
0x3f2: {  	v41 =	vperm.xlane v60, v34;
	v46, v47, _ =	vpop (xrf1);
	v44 =	vperm.xlane v44, v34  }
0x3f3: {  	vm1 =	vge.f32 v59, v40;
	v57 =	vperm.xlane v62, v34;
	v54, v63, _ =	vpop (xrf1)  }
0x3f4: {  	v38 =	vsel vm1, v59, v40;
	v39 =	vsel vm1, v58, v41;
	v56, v55, _ =	vpop (xrf1);
	vm1 =	vge.f32 v42, v44  }
0x3f5: {  	(xrf1) =	vsort.dscd.msk.f32 $0xffff, v38, v39;
	v61 =	vperm.xlane v54, v34;
	v62 =	vperm.xlane v63, v34;
	v59, v58, _ =	vpop (xrf1)  }
0x3f6: {  	v60 =	vsel vm1, v42, v44;
	v41 =	vsel vm1, v43, v57;
	v63 =	vperm.xlane v59, v34  }
0x3f7: {  	(xrf1) =	vsort.dscd.msk.f32 $0xffff, v60, v41;
	vm1 =	vge.f32 v46, v61;
	v45 =	vperm.xlane v58, v34  }
0x3f8: {  	v39 =	vsel vm1, v46, v61;
	v47 =	vsel vm1, v47, v62;
	vm1 =	vge.f32 v56, v63  }
0x3f9: {  	(xrf1) =	vsort.dscd.msk.f32 $0xffff, v39, v47;
	v48 =	vsel vm1, v56, v63;
	v38 =	vsel vm1, v55, v45  }
0x3fa: {  	(xrf1) =	vsort.dscd.msk.f32 $0xffff, v48, v38;
	_ =	sdelay $0xa  }
0x3fb: {  	v38, v39, _ =	vpop (xrf1)  }
0x3fc: {  	v50, v49, _ =	vpop (xrf1)  }
0x3fd: {  	v51, v52, _ =	vpop (xrf1)  }
0x3fe: {  	v40 =	vperm.xlane v50, v34;
	v53, v54, _ =	vpop (xrf1)  }
0x3ff: {  	v41 =	vperm.xlane v49, v34;
	v44 =	vperm.xlane v53, v34  }
0x400: {  	vm1 =	vge.f32 v38, v40;
	v45 =	vperm.xlane v54, v34  }
0x401: {  	v38 =	vsel vm1, v38, v40;
	v39 =	vsel vm1, v39, v41;
	vm1 =	vge.f32 v51, v44  }
0x402: {  	(xrf1) =	vsort.dscd.msk.f32 $0xffff, v38, v39;
	v55 =	vsel vm1, v51, v44;
	v56 =	vsel vm1, v52, v45  }
0x403: {  	(xrf1) =	vsort.dscd.msk.f32 $0xffff, v55, v56;
	_ =	sdelay $0xc  }
0x404: {  	v38, v39, _ =	vpop (xrf1)  }
0x405: {  	v57, v58, _ =	vpop (xrf1)  }
0x406: {  	v40 =	vperm.xlane v57, v34  }
0x407: {  	v41 =	vperm.xlane v58, v34  }
0x408: {  	vm1 =	vge.f32 v38, v40  }
0x409: {  	v38 =	vsel vm1, v38, v40;
	v39 =	vsel vm1, v39, v41  }
0x40a: {  	(xrf1) =	vsort.dscd.msk.f32 $0xffff, v38, v39;
	_ =	sdelay $0xd  }
0x40b: {  	v38, v39, _ =	vpop (xrf1)  }
0x40c: {  	v39 =	vxor.u32 $0x80000000, v39  }
0x40d: {  	(xrf1) =	vsort.ascd.msk.u32 $0xffff, v39, v38;
	_ =	sdelay $0xd  }
0x40e: {  	v38, v39, _ =	vpop (xrf1)  }
0x40f: {  	v38 =	vxor.u32 $0x80000000, v38  }
0x410: {  	(xrf1) =	vsort.dscd.msk.f32 $0xffff, v39, v38;
	_ =	sdelay $0xd  }
0x411: {  	_, v38, _ =	vpop (xrf1)  }
0x412: {  	v38 =	vnsel vm0, $0x0, v38  }
0x413: {  	v59 =	vadd.s32 s14, v38;
	_ =	sdelay $0x3  }
0x414: {  	v60 =	vld.idx.msk [tilespmem:v38+s8+$0x0], $0xffff  }
0x415: {  	v39 =	vld.idx.msk [tilespmem:v59+s3+$0x0], $0xffff;
	_ =	sdelay $0x4  }
0x416: {  	v39 =	vsub.f32 v39, v60;
	_ =	sdelay $0x1  }
0x417: {  	v39 =	vnsel vm0, $0x0, v39  }
0x418: {  	(xrf2) =	vadd.scan.msk.f32 $0xffff, v39;
	_ =	sdelay $0x9  }
0x419: {  	v61, _, _ =	vpop (xrf2)  }
0x41a: {  	v40 =	vadd.f32 $9.999999680e-21, v61;
	_ =	sdelay $0x1  }
0x41b: {  	v40 =	vbroadcast v40, $0xF;
	_ =	sdelay $0x1  }
0x41c: {  	v62 =	vsub.s32 $0x7EF311C7, v40  }
0x41d: {  	v63 =	vmul.f32 v62, v40;
	_ =	sdelay $0x1  }
0x41e: {  	v42 =	vsub.f32 $2.000000000e+00, v63;
	_ =	sdelay $0x1  }
0x41f: {  	v41 =	vmul.f32 v62, v42;
	_ =	sdelay $0x1  }
0x420: {  	v42 =	vmul.f32 v41, v40;
	_ =	sdelay $0x1  }
0x421: {  	v42 =	vsub.f32 $2.000000000e+00, v42;
	_ =	sdelay $0x1  }
0x422: {  	v41 =	vmul.f32 v42, v41;
	_ =	sdelay $0x1  }
0x423: {  	v40 =	vmul.f32 v41, v40;
	_ =	sdelay $0x1  }
0x424: {  	v40 =	vsub.f32 $2.000000000e+00, v40;
	_ =	sdelay $0x1  }
0x425: {  	v40 =	vmul.f32 v40, v41  }
0x426: {  	s13 =	sadd.s32 $0x4, s13  }
0x427: {  	p0 =	slt.u32 s13, $0x7C;
	v39 =	vmul.f32 v40, v39  }
.Ltmp0:
0x428: {  	_ = 	snop;
	(pc) =	sbr.rel @p0 .LBB2_2-.Ltmp0, $3  }
0x429: {  	v39 =	vmul.f32 $2.500000000e+00, v39;
	_ =	sdelay $0x1  }
0x42a: {  	[tilespmem:s16+$0x18] =	vst.msk $0xff, v39  }
0x42b: {  	s14 =	sadd.s32 $0x800, s14;
	s16 =	sadd.s32 $0x40, s16;
	[tilespmem:s15+$0x18] =	vst.msk $0xff, v38;
	s15 =	sadd.s32 $0x40, s15  }
0x42c: {  	[hbm4b:s5+s3] =	stream.linear.scatter [tilespmem:s10], [sflag:$0x1], $0x800, $0x38;
	[tilespmem:$0x11200] =	vst v63  }
0x42d: {  	s12 =	sadd.s32 $0x1, s12;
	_ =	swait.ge [sflag:s9], $0x800  }
0x42e: {  	p0 =	sne.s32 s12, s7;
	[sflag:s9] =	ssyncset.done $0x0  }
.Ltmp1:
0x42f: {  	[sflag:s9] =	ssyncadd.s32 $0xFFFFF800;
	(pc) =	sbr.rel @p0 .LBB2_1-.Ltmp1, $4  }
0x430: {  	[hbm4b:s6+s3] =	stream.linear.scatter [tilespmem:s11], [sflag:$0x1], $0x800, $0x38;
	[tilespmem:$0x11200] =	vst v63  }
0x431: {  	_ =	swait.ge [sflag:s9], $0x800  }
0x432: {  	[sflag:s9] =	ssyncset.done $0x0  }
0x433: {  	[sflag:s9] =	ssyncadd.s32 $0xFFFFF800  }
0x434: {  	_ =	sfence.sel $0x180000  }
0x435: {  	[bflag:$0x0] =	sbarrier.arrive $0xFFFF  }
0x436: {  	p0 =	sne.s32 s2, $0x0;
	_ =	strace $0x90000047  }
0x437: {  	s0 =	sadd.s32 @!p0 $0x100000, s1;
	[bflag:$0x2] =	sbarrier.arrive $0xFFFF  }
0x438: {  	[sflag:s0] =	ssyncadd.tile.s32 @!p0 $0x1;
	_ =	shalt  }
.Lfunc_end2:
_tile_overlayer_lowered:
.L_overlay_start_2:
0x439: {  	(tag) =	ssettag $0x2  }
0x43a: {  	s0 =	rddreg [dreg:$0x0];
	s2 =	stileid.u32  }
0x43b: {  	s1 =	rddreg [dreg:$0x1];
	p0 =	sne.s32 s2, $0x0  }
0x43c: {  	s3 =	rddreg [dreg:$0x2];
	[bflag:$0x3] =	sbarrier.arrive $0xFFFF;
	s2 =	simm.s32 @!p0 $0x1C01  }
0x43d: {  	[timem:s3], [sflag:s2] =	dma.local @!p0 [hbm:s0], s1  }
0x43e: {  	s0 =	simm.s32 @!p0 $0x1  }
0x43f: {  	_ =	swait.ge @!p0 [sflag:s0], s1  }
0x440: {  	s1 =	ssub.s32 @!p0 $0x0, s1;
	[sflag:s0] =	ssyncset.done @!p0 $0x0  }
0x441: {  	[sflag:s0] =	ssyncadd.s32 @!p0 s1  }
0x442: {  	[bflag:$0x3] =	sbarrier.arrive $0xFFFF  }
0x443: {  	_ =	shalt  }

</sc_bundles>
